<compile_context>
chip_gen: v7x
topology: tpu7x:2x2x1
jax: 0.10.2.dev20260603
libtpu: 0.0.44.dev20260713+nightly
codegen_flags: <defaults>
</compile_context>

<pallas_src>
import functools

import numpy as np
import jax
import jax.numpy as jnp
from jax import lax
from jax.experimental import pallas as pl
from jax.experimental.pallas import tpu as pltpu
from jax.experimental.pallas import tpu_sc as plsc

D_MODEL = 64
PADDED_D = 128
SEQ = 200
SCALE = 8.0
PE_LEN = SEQ * D_MODEL

_info = plsc.get_sparse_core_info()
_NC, _NS, _L = _info.num_cores, _info.num_subcores, _info.num_lanes
_NW = _NC * _NS

BATCHES_PER_CHUNK = 4
CHUNK = BATCHES_PER_CHUNK * SEQ
D_VREGS = D_MODEL // 16


def _pe_bits():
    pos = np.expand_dims(np.arange(0, SEQ), axis=1)
    div_term = np.array(
        [[1 / np.power(10000, 2 * (i // 2) / D_MODEL) for i in range(D_MODEL)]]
    )
    p = pos * div_term
    pe = np.zeros((SEQ, D_MODEL), dtype=np.float32)
    pe[:, 0::2] = np.sin(p[:, 0::2])
    pe[:, 1::2] = np.cos(p[:, 0::2])
    bits = np.zeros((13312,), dtype=np.int32)
    bits[:PE_LEN] = pe.reshape(-1).view(np.int32)
    return bits


_PE_BITS = _pe_bits()


@functools.partial(jax.jit, static_argnames=("batch",))
def _embed(xaug, emb, batch):
    n_rows = batch * SEQ
    rows_per_w = n_rows // _NW
    n_chunks = rows_per_w // CHUNK
    mesh = plsc.VectorSubcoreMesh(core_axis_name="c", subcore_axis_name="s")

    @functools.partial(
        pl.kernel,
        mesh=mesh,
        out_type=jax.ShapeDtypeStruct((n_rows, PADDED_D), jnp.float32),
        scratch_types=[
            pltpu.VMEM((rows_per_w,), jnp.int32),
            pltpu.VMEM((CHUNK, D_MODEL), jnp.float32),
            pltpu.VMEM((CHUNK, D_MODEL), jnp.float32),
            pltpu.VMEM((PE_LEN,), jnp.int32),
            pltpu.SemaphoreType.DMA,
            pltpu.SemaphoreType.DMA,
        ],
        compiler_params=pltpu.CompilerParams(
            use_tc_tiling_on_sc=False, needs_layout_passes=False
        ),
    )
    def k(xaug_hbm, emb_hbm, out_hbm, idx_v, rows0, rows1, pe_v, gsem, ssem):
        wid = lax.axis_index("s") * _NC + lax.axis_index("c")
        base = wid * rows_per_w
        pltpu.sync_copy(xaug_hbm.at[pl.ds(base, rows_per_w)], idx_v)
        pltpu.sync_copy(xaug_hbm.at[pl.ds(n_rows, PE_LEN)], pe_v)
        bufs = (rows0, rows1)

        def gather(c):
            return pltpu.async_copy(
                emb_hbm.at[idx_v.at[pl.ds(c * CHUNK, CHUNK)]], bufs[c % 2], gsem
            )

        def store(c):
            return pltpu.async_copy(
                bufs[c % 2],
                out_hbm.at[pl.ds(base + c * CHUNK, CHUNK), pl.ds(0, D_MODEL)],
                ssem,
            )

        def compute(buf):
            def row_body(r, carry):
                for d in range(D_VREGS):
                    o = (r * D_VREGS + d) * 16
                    pe_vec = plsc.bitcast(pe_v[pl.ds(o, 16)], jnp.float32)
                    for rep in range(BATCHES_PER_CHUNK):
                        row = rep * SEQ + r
                        sl = pl.ds(d * 16, 16)
                        buf[row, sl] = buf[row, sl] * SCALE + pe_vec
                return carry

            lax.fori_loop(0, SEQ, row_body, 0)

        gathers = {0: gather(0)}
        stores = {}
        for c in range(n_chunks):
            gathers[c].wait()
            if c + 1 < n_chunks:
                if c >= 1:
                    stores[c - 1].wait()
                gathers[c + 1] = gather(c + 1)
            compute(bufs[c % 2])
            stores[c] = store(c)
        stores[n_chunks - 2].wait()
        stores[n_chunks - 1].wait()

    return k(xaug, emb)


def kernel(x, emb):
    b, s = x.shape
    xaug = jnp.concatenate([x.reshape(-1), jnp.asarray(_PE_BITS)])
    out128 = _embed(xaug, emb, b)
    return out128[:, :D_MODEL].reshape(b, s, D_MODEL)

# --- scband reference (transcript-rebuilt; emitter-appended) ---
"""Pipeline reference for scband-embedder-75969381532037 (READ-ONLY COPY).

The authoritative reference and input builder live on the scoring server;
editing this copy changes nothing except your own understanding.
"""

import jax, jax.numpy as jnp
import numpy as np

D_MODEL = 64
VOCAB = 100000
BATCH = 1024
SEQ = 200


def _positional_encoding():
    pos = np.expand_dims(np.arange(0, VOCAB), axis=1)
    div_term = np.array([[1 / np.power(10000, 2 * (i // 2) / D_MODEL) for i in range(D_MODEL)]])
    p = pos * div_term
    pe = np.zeros((VOCAB, D_MODEL), dtype=np.float32)
    pe[:, 0::2] = np.sin(p[:, 0::2])
    pe[:, 1::2] = np.cos(p[:, 0::2])
    return jnp.asarray(pe[None, :, :])


def setup_inputs(seed: int = 0) -> dict:
    key = jax.random.key(seed)
    k1, k2 = jax.random.split(key)
    x = jax.random.randint(k1, (BATCH, SEQ), 0, VOCAB, dtype=jnp.int32)
    emb = jax.random.normal(k2, (VOCAB, D_MODEL), dtype=jnp.float32) * 0.02
    return {"x": x, "emb": emb}


def reference(x, emb):
    seq_len = x.shape[1]
    out = jnp.take(emb, x, axis=0) * jnp.sqrt(jnp.asarray(D_MODEL, dtype=jnp.float32))
    out = out + _positional_encoding()[:, :seq_len, :]
    return out

if __name__ == "__main__":
    import jax
    _d = setup_inputs()
    print(jax.jit(kernel)(*tuple(_d.values())))

</pallas_src>

<mosaic_0001>
#map = affine_map<(d0, d1) -> (0)>
#map1 = affine_map<(d0, d1) -> (0, 0)>
module attributes {stable_mosaic.version = 14 : i64} {
  func.func @k(%arg0: i32, %arg1: i32, %arg2: memref<218112xi32, #tpu.memory_space<hbm>>, %arg3: memref<100000x64xf32, #tpu.memory_space<hbm>>, %arg4: memref<204800x128xf32, #tpu.memory_space<hbm>>, %arg5: memref<6400xi32, #tpu.memory_space<vmem>>, %arg6: memref<800x64xf32, #tpu.memory_space<vmem>>, %arg7: memref<800x64xf32, #tpu.memory_space<vmem>>, %arg8: memref<12800xi32, #tpu.memory_space<vmem>>, %arg9: memref<!tpu.dma_semaphore, #tpu.memory_space<semaphore_mem>>, %arg10: memref<!tpu.dma_semaphore, #tpu.memory_space<semaphore_mem>>) attributes {dimension_semantics = [#tpu.dimension_semantics<core_parallel>, #tpu.dimension_semantics<subcore_parallel>], iteration_bounds = array<i64: 2, 16>, scalar_prefetch = 0 : i64, scratch_operands = 6 : i64, tpu.core_type = #tpu.core_type<sc_vector_subcore>, window_params = [{transform_indices = #map}, {transform_indices = #map1}, {transform_indices = #map1}]} {
    %mul3A = arith.constant 2 : i32
    %mul3A_0 = arith.muli %arg1, %mul3A : i32
    %add3A = arith.addi %mul3A_0, %arg0 : i32
    %mul3A_1 = arith.constant 6400 : i32
    %mul3A_2 = arith.muli %add3A, %mul3A_1 : i32
    "tpu.region"() ({
      %run_scoped3A = tpu.sem_alloc : memref<!tpu.dma_semaphore, #tpu.memory_space<semaphore_mem>>
      %dma_start3A_208 = tpu.memref_slice %arg2[%mul3A_2] : memref<218112xi32, #tpu.memory_space<hbm>> -> memref<6400xi32, #tpu.memory_space<hbm>>
      %dma_start3A_209 = tpu.memref_slice %arg2[%mul3A_2] : memref<218112xi32, #tpu.memory_space<hbm>> -> memref<6400xi32, #tpu.memory_space<hbm>>
      tpu.enqueue_dma source(%dma_start3A_209 : memref<6400xi32, #tpu.memory_space<hbm>>) target(%arg5 : memref<6400xi32, #tpu.memory_space<vmem>>) target_semaphore(%run_scoped3A : memref<!tpu.dma_semaphore, #tpu.memory_space<semaphore_mem>>)
      %dma_wait3A_210 = tpu.memref_slice %arg2[%mul3A_2] : memref<218112xi32, #tpu.memory_space<hbm>> -> memref<6400xi32, #tpu.memory_space<hbm>>
      %dma_wait3A_211 = tpu.memref_slice %arg2[%mul3A_2] : memref<218112xi32, #tpu.memory_space<hbm>> -> memref<6400xi32, #tpu.memory_space<hbm>>
      tpu.wait_dma2 semaphore(%run_scoped3A : memref<!tpu.dma_semaphore, #tpu.memory_space<semaphore_mem>>) src(%dma_wait3A_211 : memref<6400xi32, #tpu.memory_space<hbm>>) dst(%arg5 : memref<6400xi32, #tpu.memory_space<vmem>>)
      tpu.yield
    }) : () -> ()
    "tpu.region"() ({
      %run_scoped3A = tpu.sem_alloc : memref<!tpu.dma_semaphore, #tpu.memory_space<semaphore_mem>>
      %dma_start3A_208 = arith.constant 204800 : i32
      %dma_start3A_209 = tpu.memref_slice %arg2[%dma_start3A_208] : memref<218112xi32, #tpu.memory_space<hbm>> -> memref<12800xi32, #tpu.memory_space<hbm>>
      %dma_start3A_210 = arith.constant 204800 : i32
      %dma_start3A_211 = tpu.memref_slice %arg2[%dma_start3A_210] : memref<218112xi32, #tpu.memory_space<hbm>> -> memref<12800xi32, #tpu.memory_space<hbm>>
      tpu.enqueue_dma source(%dma_start3A_211 : memref<12800xi32, #tpu.memory_space<hbm>>) target(%arg8 : memref<12800xi32, #tpu.memory_space<vmem>>) target_semaphore(%run_scoped3A : memref<!tpu.dma_semaphore, #tpu.memory_space<semaphore_mem>>)
      %dma_wait3A_212 = arith.constant 204800 : i32
      %dma_wait3A_213 = tpu.memref_slice %arg2[%dma_wait3A_212] : memref<218112xi32, #tpu.memory_space<hbm>> -> memref<12800xi32, #tpu.memory_space<hbm>>
      %dma_wait3A_214 = arith.constant 204800 : i32
      %dma_wait3A_215 = tpu.memref_slice %arg2[%dma_wait3A_214] : memref<218112xi32, #tpu.memory_space<hbm>> -> memref<12800xi32, #tpu.memory_space<hbm>>
      tpu.wait_dma2 semaphore(%run_scoped3A : memref<!tpu.dma_semaphore, #tpu.memory_space<semaphore_mem>>) src(%dma_wait3A_215 : memref<12800xi32, #tpu.memory_space<hbm>>) dst(%arg8 : memref<12800xi32, #tpu.memory_space<vmem>>)
      tpu.yield
    }) : () -> ()
    %dma_start3A = arith.constant 0 : i32
    %dma_start3A_3 = tpu.memref_slice %arg5[%dma_start3A] : memref<6400xi32, #tpu.memory_space<vmem>> -> memref<800xi32, #tpu.memory_space<vmem>>
    %dma_start3A_4 = arith.constant 0 : i32
    %dma_start3A_5 = arith.constant 0 : i32
    %dma_start3A_6 = tpu.memref_slice %arg3[%dma_start3A_4, %dma_start3A_5] : memref<100000x64xf32, #tpu.memory_space<hbm>> -> memref<100000x64xf32, #tpu.memory_space<hbm>>
    tpu.enqueue_indirect_dma source(%dma_start3A_6 : memref<100000x64xf32, #tpu.memory_space<hbm>>) target(%arg6 : memref<800x64xf32, #tpu.memory_space<vmem>>) offsets(%dma_start3A_3 : memref<800xi32, #tpu.memory_space<vmem>>) semaphore(%arg9 : memref<!tpu.dma_semaphore, #tpu.memory_space<semaphore_mem>>)
    %dma_wait3A = arith.constant 0 : i32
    %dma_wait3A_7 = tpu.memref_slice %arg5[%dma_wait3A] : memref<6400xi32, #tpu.memory_space<vmem>> -> memref<800xi32, #tpu.memory_space<vmem>>
    %dma_wait3A_8 = arith.constant 0 : i32
    %dma_wait3A_9 = arith.constant 0 : i32
    %dma_wait3A_10 = tpu.memref_slice %arg3[%dma_wait3A_8, %dma_wait3A_9] : memref<100000x64xf32, #tpu.memory_space<hbm>> -> memref<100000x64xf32, #tpu.memory_space<hbm>>
    tpu.wait_indirect_dma semaphore(%arg9 : memref<!tpu.dma_semaphore, #tpu.memory_space<semaphore_mem>>) src(%dma_wait3A_10 : memref<100000x64xf32, #tpu.memory_space<hbm>>) dst(%arg6 : memref<800x64xf32, #tpu.memory_space<vmem>>)
    %dma_start3A_11 = arith.constant 800 : i32
    %dma_start3A_12 = tpu.memref_slice %arg5[%dma_start3A_11] : memref<6400xi32, #tpu.memory_space<vmem>> -> memref<800xi32, #tpu.memory_space<vmem>>
    %dma_start3A_13 = arith.constant 0 : i32
    %dma_start3A_14 = arith.constant 0 : i32
    %dma_start3A_15 = tpu.memref_slice %arg3[%dma_start3A_13, %dma_start3A_14] : memref<100000x64xf32, #tpu.memory_space<hbm>> -> memref<100000x64xf32, #tpu.memory_space<hbm>>
    tpu.enqueue_indirect_dma source(%dma_start3A_15 : memref<100000x64xf32, #tpu.memory_space<hbm>>) target(%arg7 : memref<800x64xf32, #tpu.memory_space<vmem>>) offsets(%dma_start3A_12 : memref<800xi32, #tpu.memory_space<vmem>>) semaphore(%arg9 : memref<!tpu.dma_semaphore, #tpu.memory_space<semaphore_mem>>)
    %scan3A = arith.constant 0 : i32
    %scan3A_16 = arith.constant 0 : i32
    %scan3A_17 = arith.constant 200 : i32
    %scan3A_18 = arith.addi %scan3A_16, %scan3A_17 : i32
    %scan3A_19 = arith.constant 1 : i32
    scf.for %scan3A_208 = %scan3A_16 to %scan3A_18 step %scan3A_19  : i32 {
      %mul3A_209 = arith.constant 4 : i32
      %mul3A_210 = arith.muli %scan3A_208, %mul3A_209 : i32
      %add3A_211 = arith.constant 0 : i32
      %add3A_212 = arith.addi %mul3A_210, %add3A_211 : i32
      %mul3A_213 = arith.constant 16 : i32
      %mul3A_214 = arith.muli %add3A_212, %mul3A_213 : i32
      %get3A = arith.index_cast %mul3A_214 : i32 to index
      %get3A_215 = tpu.vector_load %arg8[%get3A] {strides = array<i32>} : memref<12800xi32, #tpu.memory_space<vmem>>, vector<16xi32>,
      %bitcast3A = vector.bitcast %get3A_215 : vector<16xi32> to vector<16xf32>
      %add3A_216 = arith.constant 0 : i32
      %add3A_217 = arith.addi %add3A_216, %scan3A_208 : i32
      %get3A_218 = arith.index_cast %add3A_217 : i32 to index
      %get3A_219 = arith.constant 0 : index
      %get3A_220 = tpu.vector_load %arg6[%get3A_218, %get3A_219] {strides = array<i32>} : memref<800x64xf32, #tpu.memory_space<vmem>>, vector<16xf32>,
      %mul3A_221 = arith.constant 8.000000e+00 : f32
      %mul3A_222 = vector.broadcast %mul3A_221 : f32 to vector<16xf32>
      %mul3A_223 = arith.mulf %get3A_220, %mul3A_222 : vector<16xf32>
      %add3A_224 = arith.addf %mul3A_223, %bitcast3A : vector<16xf32>
      %swap3A = arith.index_cast %add3A_217 : i32 to index
      %swap3A_225 = arith.constant 0 : index
      %swap3A_226 = tpu.vector_load %arg6[%swap3A, %swap3A_225] {strides = array<i32>} : memref<800x64xf32, #tpu.memory_space<vmem>>, vector<16xf32>,
      tpu.vector_store %arg6[%swap3A, %swap3A_225], %add3A_224 {strides = array<i32>} : memref<800x64xf32, #tpu.memory_space<vmem>>, vector<16xf32>,
      %add3A_227 = arith.constant 200 : i32
      %add3A_228 = arith.addi %add3A_227, %scan3A_208 : i32
      %get3A_229 = arith.index_cast %add3A_228 : i32 to index
      %get3A_230 = arith.constant 0 : index
      %get3A_231 = tpu.vector_load %arg6[%get3A_229, %get3A_230] {strides = array<i32>} : memref<800x64xf32, #tpu.memory_space<vmem>>, vector<16xf32>,
      %mul3A_232 = arith.constant 8.000000e+00 : f32
      %mul3A_233 = vector.broadcast %mul3A_232 : f32 to vector<16xf32>
      %mul3A_234 = arith.mulf %get3A_231, %mul3A_233 : vector<16xf32>
      %add3A_235 = arith.addf %mul3A_234, %bitcast3A : vector<16xf32>
      %swap3A_236 = arith.index_cast %add3A_228 : i32 to index
      %swap3A_237 = arith.constant 0 : index
      %swap3A_238 = tpu.vector_load %arg6[%swap3A_236, %swap3A_237] {strides = array<i32>} : memref<800x64xf32, #tpu.memory_space<vmem>>, vector<16xf32>,
      tpu.vector_store %arg6[%swap3A_236, %swap3A_237], %add3A_235 {strides = array<i32>} : memref<800x64xf32, #tpu.memory_space<vmem>>, vector<16xf32>,
      %add3A_239 = arith.constant 400 : i32
      %add3A_240 = arith.addi %add3A_239, %scan3A_208 : i32
      %get3A_241 = arith.index_cast %add3A_240 : i32 to index
      %get3A_242 = arith.constant 0 : index
      %get3A_243 = tpu.vector_load %arg6[%get3A_241, %get3A_242] {strides = array<i32>} : memref<800x64xf32, #tpu.memory_space<vmem>>, vector<16xf32>,
      %mul3A_244 = arith.constant 8.000000e+00 : f32
      %mul3A_245 = vector.broadcast %mul3A_244 : f32 to vector<16xf32>
      %mul3A_246 = arith.mulf %get3A_243, %mul3A_245 : vector<16xf32>
      %add3A_247 = arith.addf %mul3A_246, %bitcast3A : vector<16xf32>
      %swap3A_248 = arith.index_cast %add3A_240 : i32 to index
      %swap3A_249 = arith.constant 0 : index
      %swap3A_250 = tpu.vector_load %arg6[%swap3A_248, %swap3A_249] {strides = array<i32>} : memref<800x64xf32, #tpu.memory_space<vmem>>, vector<16xf32>,
      tpu.vector_store %arg6[%swap3A_248, %swap3A_249], %add3A_247 {strides = array<i32>} : memref<800x64xf32, #tpu.memory_space<vmem>>, vector<16xf32>,
      %add3A_251 = arith.constant 600 : i32
      %add3A_252 = arith.addi %add3A_251, %scan3A_208 : i32
      %get3A_253 = arith.index_cast %add3A_252 : i32 to index
      %get3A_254 = arith.constant 0 : index
      %get3A_255 = tpu.vector_load %arg6[%get3A_253, %get3A_254] {strides = array<i32>} : memref<800x64xf32, #tpu.memory_space<vmem>>, vector<16xf32>,
      %mul3A_256 = arith.constant 8.000000e+00 : f32
      %mul3A_257 = vector.broadcast %mul3A_256 : f32 to vector<16xf32>
      %mul3A_258 = arith.mulf %get3A_255, %mul3A_257 : vector<16xf32>
      %add3A_259 = arith.addf %mul3A_258, %bitcast3A : vector<16xf32>
      %swap3A_260 = arith.index_cast %add3A_252 : i32 to index
      %swap3A_261 = arith.constant 0 : index
      %swap3A_262 = tpu.vector_load %arg6[%swap3A_260, %swap3A_261] {strides = array<i32>} : memref<800x64xf32, #tpu.memory_space<vmem>>, vector<16xf32>,
      tpu.vector_store %arg6[%swap3A_260, %swap3A_261], %add3A_259 {strides = array<i32>} : memref<800x64xf32, #tpu.memory_space<vmem>>, vector<16xf32>,
      %mul3A_263 = arith.constant 4 : i32
      %mul3A_264 = arith.muli %scan3A_208, %mul3A_263 : i32
      %add3A_265 = arith.constant 1 : i32
      %add3A_266 = arith.addi %mul3A_264, %add3A_265 : i32
      %mul3A_267 = arith.constant 16 : i32
      %mul3A_268 = arith.muli %add3A_266, %mul3A_267 : i32
      %get3A_269 = arith.index_cast %mul3A_268 : i32 to index
      %get3A_270 = tpu.vector_load %arg8[%get3A_269] {strides = array<i32>} : memref<12800xi32, #tpu.memory_space<vmem>>, vector<16xi32>,
      %bitcast3A_271 = vector.bitcast %get3A_270 : vector<16xi32> to vector<16xf32>
      %add3A_272 = arith.constant 0 : i32
      %add3A_273 = arith.addi %add3A_272, %scan3A_208 : i32
      %get3A_274 = arith.index_cast %add3A_273 : i32 to index
      %get3A_275 = arith.constant 16 : index
      %get3A_276 = tpu.vector_load %arg6[%get3A_274, %get3A_275] {strides = array<i32>} : memref<800x64xf32, #tpu.memory_space<vmem>>, vector<16xf32>,
      %mul3A_277 = arith.constant 8.000000e+00 : f32
      %mul3A_278 = vector.broadcast %mul3A_277 : f32 to vector<16xf32>
      %mul3A_279 = arith.mulf %get3A_276, %mul3A_278 : vector<16xf32>
      %add3A_280 = arith.addf %mul3A_279, %bitcast3A_271 : vector<16xf32>
      %swap3A_281 = arith.index_cast %add3A_273 : i32 to index
      %swap3A_282 = arith.constant 16 : index
      %swap3A_283 = tpu.vector_load %arg6[%swap3A_281, %swap3A_282] {strides = array<i32>} : memref<800x64xf32, #tpu.memory_space<vmem>>, vector<16xf32>,
      tpu.vector_store %arg6[%swap3A_281, %swap3A_282], %add3A_280 {strides = array<i32>} : memref<800x64xf32, #tpu.memory_space<vmem>>, vector<16xf32>,
      %add3A_284 = arith.constant 200 : i32
      %add3A_285 = arith.addi %add3A_284, %scan3A_208 : i32
      %get3A_286 = arith.index_cast %add3A_285 : i32 to index
      %get3A_287 = arith.constant 16 : index
      %get3A_288 = tpu.vector_load %arg6[%get3A_286, %get3A_287] {strides = array<i32>} : memref<800x64xf32, #tpu.memory_space<vmem>>, vector<16xf32>,
      %mul3A_289 = arith.constant 8.000000e+00 : f32
      %mul3A_290 = vector.broadcast %mul3A_289 : f32 to vector<16xf32>
      %mul3A_291 = arith.mulf %get3A_288, %mul3A_290 : vector<16xf32>
      %add3A_292 = arith.addf %mul3A_291, %bitcast3A_271 : vector<16xf32>
      %swap3A_293 = arith.index_cast %add3A_285 : i32 to index
      %swap3A_294 = arith.constant 16 : index
      %swap3A_295 = tpu.vector_load %arg6[%swap3A_293, %swap3A_294] {strides = array<i32>} : memref<800x64xf32, #tpu.memory_space<vmem>>, vector<16xf32>,
      tpu.vector_store %arg6[%swap3A_293, %swap3A_294], %add3A_292 {strides = array<i32>} : memref<800x64xf32, #tpu.memory_space<vmem>>, vector<16xf32>,
      %add3A_296 = arith.constant 400 : i32
      %add3A_297 = arith.addi %add3A_296, %scan3A_208 : i32
      %get3A_298 = arith.index_cast %add3A_297 : i32 to index
      %get3A_299 = arith.constant 16 : index
      %get3A_300 = tpu.vector_load %arg6[%get3A_298, %get3A_299] {strides = array<i32>} : memref<800x64xf32, #tpu.memory_space<vmem>>, vector<16xf32>,
      %mul3A_301 = arith.constant 8.000000e+00 : f32
      %mul3A_302 = vector.broadcast %mul3A_301 : f32 to vector<16xf32>
      %mul3A_303 = arith.mulf %get3A_300, %mul3A_302 : vector<16xf32>
      %add3A_304 = arith.addf %mul3A_303, %bitcast3A_271 : vector<16xf32>
      %swap3A_305 = arith.index_cast %add3A_297 : i32 to index
      %swap3A_306 = arith.constant 16 : index
      %swap3A_307 = tpu.vector_load %arg6[%swap3A_305, %swap3A_306] {strides = array<i32>} : memref<800x64xf32, #tpu.memory_space<vmem>>, vector<16xf32>,
      tpu.vector_store %arg6[%swap3A_305, %swap3A_306], %add3A_304 {strides = array<i32>} : memref<800x64xf32, #tpu.memory_space<vmem>>, vector<16xf32>,
      %add3A_308 = arith.constant 600 : i32
      %add3A_309 = arith.addi %add3A_308, %scan3A_208 : i32
      %get3A_310 = arith.index_cast %add3A_309 : i32 to index
      %get3A_311 = arith.constant 16 : index
      %get3A_312 = tpu.vector_load %arg6[%get3A_310, %get3A_311] {strides = array<i32>} : memref<800x64xf32, #tpu.memory_space<vmem>>, vector<16xf32>,
      %mul3A_313 = arith.constant 8.000000e+00 : f32
      %mul3A_314 = vector.broadcast %mul3A_313 : f32 to vector<16xf32>
      %mul3A_315 = arith.mulf %get3A_312, %mul3A_314 : vector<16xf32>
      %add3A_316 = arith.addf %mul3A_315, %bitcast3A_271 : vector<16xf32>
      %swap3A_317 = arith.index_cast %add3A_309 : i32 to index
      %swap3A_318 = arith.constant 16 : index
      %swap3A_319 = tpu.vector_load %arg6[%swap3A_317, %swap3A_318] {strides = array<i32>} : memref<800x64xf32, #tpu.memory_space<vmem>>, vector<16xf32>,
      tpu.vector_store %arg6[%swap3A_317, %swap3A_318], %add3A_316 {strides = array<i32>} : memref<800x64xf32, #tpu.memory_space<vmem>>, vector<16xf32>,
      %mul3A_320 = arith.constant 4 : i32
      %mul3A_321 = arith.muli %scan3A_208, %mul3A_320 : i32
      %add3A_322 = arith.constant 2 : i32
      %add3A_323 = arith.addi %mul3A_321, %add3A_322 : i32
      %mul3A_324 = arith.constant 16 : i32
      %mul3A_325 = arith.muli %add3A_323, %mul3A_324 : i32
      %get3A_326 = arith.index_cast %mul3A_325 : i32 to index
      %get3A_327 = tpu.vector_load %arg8[%get3A_326] {strides = array<i32>} : memref<12800xi32, #tpu.memory_space<vmem>>, vector<16xi32>,
      %bitcast3A_328 = vector.bitcast %get3A_327 : vector<16xi32> to vector<16xf32>
      %add3A_329 = arith.constant 0 : i32
      %add3A_330 = arith.addi %add3A_329, %scan3A_208 : i32
      %get3A_331 = arith.index_cast %add3A_330 : i32 to index
      %get3A_332 = arith.constant 32 : index
      %get3A_333 = tpu.vector_load %arg6[%get3A_331, %get3A_332] {strides = array<i32>} : memref<800x64xf32, #tpu.memory_space<vmem>>, vector<16xf32>,
      %mul3A_334 = arith.constant 8.000000e+00 : f32
      %mul3A_335 = vector.broadcast %mul3A_334 : f32 to vector<16xf32>
      %mul3A_336 = arith.mulf %get3A_333, %mul3A_335 : vector<16xf32>
      %add3A_337 = arith.addf %mul3A_336, %bitcast3A_328 : vector<16xf32>
      %swap3A_338 = arith.index_cast %add3A_330 : i32 to index
      %swap3A_339 = arith.constant 32 : index
      %swap3A_340 = tpu.vector_load %arg6[%swap3A_338, %swap3A_339] {strides = array<i32>} : memref<800x64xf32, #tpu.memory_space<vmem>>, vector<16xf32>,
      tpu.vector_store %arg6[%swap3A_338, %swap3A_339], %add3A_337 {strides = array<i32>} : memref<800x64xf32, #tpu.memory_space<vmem>>, vector<16xf32>,
      %add3A_341 = arith.constant 200 : i32
      %add3A_342 = arith.addi %add3A_341, %scan3A_208 : i32
      %get3A_343 = arith.index_cast %add3A_342 : i32 to index
      %get3A_344 = arith.constant 32 : index
      %get3A_345 = tpu.vector_load %arg6[%get3A_343, %get3A_344] {strides = array<i32>} : memref<800x64xf32, #tpu.memory_space<vmem>>, vector<16xf32>,
      %mul3A_346 = arith.constant 8.000000e+00 : f32
      %mul3A_347 = vector.broadcast %mul3A_346 : f32 to vector<16xf32>
      %mul3A_348 = arith.mulf %get3A_345, %mul3A_347 : vector<16xf32>
      %add3A_349 = arith.addf %mul3A_348, %bitcast3A_328 : vector<16xf32>
      %swap3A_350 = arith.index_cast %add3A_342 : i32 to index
      %swap3A_351 = arith.constant 32 : index
      %swap3A_352 = tpu.vector_load %arg6[%swap3A_350, %swap3A_351] {strides = array<i32>} : memref<800x64xf32, #tpu.memory_space<vmem>>, vector<16xf32>,
      tpu.vector_store %arg6[%swap3A_350, %swap3A_351], %add3A_349 {strides = array<i32>} : memref<800x64xf32, #tpu.memory_space<vmem>>, vector<16xf32>,
      %add3A_353 = arith.constant 400 : i32
      %add3A_354 = arith.addi %add3A_353, %scan3A_208 : i32
      %get3A_355 = arith.index_cast %add3A_354 : i32 to index
      %get3A_356 = arith.constant 32 : index
      %get3A_357 = tpu.vector_load %arg6[%get3A_355, %get3A_356] {strides = array<i32>} : memref<800x64xf32, #tpu.memory_space<vmem>>, vector<16xf32>,
      %mul3A_358 = arith.constant 8.000000e+00 : f32
      %mul3A_359 = vector.broadcast %mul3A_358 : f32 to vector<16xf32>
      %mul3A_360 = arith.mulf %get3A_357, %mul3A_359 : vector<16xf32>
      %add3A_361 = arith.addf %mul3A_360, %bitcast3A_328 : vector<16xf32>
      %swap3A_362 = arith.index_cast %add3A_354 : i32 to index
      %swap3A_363 = arith.constant 32 : index
      %swap3A_364 = tpu.vector_load %arg6[%swap3A_362, %swap3A_363] {strides = array<i32>} : memref<800x64xf32, #tpu.memory_space<vmem>>, vector<16xf32>,
      tpu.vector_store %arg6[%swap3A_362, %swap3A_363], %add3A_361 {strides = array<i32>} : memref<800x64xf32, #tpu.memory_space<vmem>>, vector<16xf32>,
      %add3A_365 = arith.constant 600 : i32
      %add3A_366 = arith.addi %add3A_365, %scan3A_208 : i32
      %get3A_367 = arith.index_cast %add3A_366 : i32 to index
      %get3A_368 = arith.constant 32 : index
      %get3A_369 = tpu.vector_load %arg6[%get3A_367, %get3A_368] {strides = array<i32>} : memref<800x64xf32, #tpu.memory_space<vmem>>, vector<16xf32>,
      %mul3A_370 = arith.constant 8.000000e+00 : f32
      %mul3A_371 = vector.broadcast %mul3A_370 : f32 to vector<16xf32>
      %mul3A_372 = arith.mulf %get3A_369, %mul3A_371 : vector<16xf32>
      %add3A_373 = arith.addf %mul3A_372, %bitcast3A_328 : vector<16xf32>
      %swap3A_374 = arith.index_cast %add3A_366 : i32 to index
      %swap3A_375 = arith.constant 32 : index
      %swap3A_376 = tpu.vector_load %arg6[%swap3A_374, %swap3A_375] {strides = array<i32>} : memref<800x64xf32, #tpu.memory_space<vmem>>, vector<16xf32>,
      tpu.vector_store %arg6[%swap3A_374, %swap3A_375], %add3A_373 {strides = array<i32>} : memref<800x64xf32, #tpu.memory_space<vmem>>, vector<16xf32>,
      %mul3A_377 = arith.constant 4 : i32
      %mul3A_378 = arith.muli %scan3A_208, %mul3A_377 : i32
      %add3A_379 = arith.constant 3 : i32
      %add3A_380 = arith.addi %mul3A_378, %add3A_379 : i32
      %mul3A_381 = arith.constant 16 : i32
      %mul3A_382 = arith.muli %add3A_380, %mul3A_381 : i32
      %get3A_383 = arith.index_cast %mul3A_382 : i32 to index
      %get3A_384 = tpu.vector_load %arg8[%get3A_383] {strides = array<i32>} : memref<12800xi32, #tpu.memory_space<vmem>>, vector<16xi32>,
      %bitcast3A_385 = vector.bitcast %get3A_384 : vector<16xi32> to vector<16xf32>
      %add3A_386 = arith.constant 0 : i32
      %add3A_387 = arith.addi %add3A_386, %scan3A_208 : i32
      %get3A_388 = arith.index_cast %add3A_387 : i32 to index
      %get3A_389 = arith.constant 48 : index
      %get3A_390 = tpu.vector_load %arg6[%get3A_388, %get3A_389] {strides = array<i32>} : memref<800x64xf32, #tpu.memory_space<vmem>>, vector<16xf32>,
      %mul3A_391 = arith.constant 8.000000e+00 : f32
      %mul3A_392 = vector.broadcast %mul3A_391 : f32 to vector<16xf32>
      %mul3A_393 = arith.mulf %get3A_390, %mul3A_392 : vector<16xf32>
      %add3A_394 = arith.addf %mul3A_393, %bitcast3A_385 : vector<16xf32>
      %swap3A_395 = arith.index_cast %add3A_387 : i32 to index
      %swap3A_396 = arith.constant 48 : index
      %swap3A_397 = tpu.vector_load %arg6[%swap3A_395, %swap3A_396] {strides = array<i32>} : memref<800x64xf32, #tpu.memory_space<vmem>>, vector<16xf32>,
      tpu.vector_store %arg6[%swap3A_395, %swap3A_396], %add3A_394 {strides = array<i32>} : memref<800x64xf32, #tpu.memory_space<vmem>>, vector<16xf32>,
      %add3A_398 = arith.constant 200 : i32
      %add3A_399 = arith.addi %add3A_398, %scan3A_208 : i32
      %get3A_400 = arith.index_cast %add3A_399 : i32 to index
      %get3A_401 = arith.constant 48 : index
      %get3A_402 = tpu.vector_load %arg6[%get3A_400, %get3A_401] {strides = array<i32>} : memref<800x64xf32, #tpu.memory_space<vmem>>, vector<16xf32>,
      %mul3A_403 = arith.constant 8.000000e+00 : f32
      %mul3A_404 = vector.broadcast %mul3A_403 : f32 to vector<16xf32>
      %mul3A_405 = arith.mulf %get3A_402, %mul3A_404 : vector<16xf32>
      %add3A_406 = arith.addf %mul3A_405, %bitcast3A_385 : vector<16xf32>
      %swap3A_407 = arith.index_cast %add3A_399 : i32 to index
      %swap3A_408 = arith.constant 48 : index
      %swap3A_409 = tpu.vector_load %arg6[%swap3A_407, %swap3A_408] {strides = array<i32>} : memref<800x64xf32, #tpu.memory_space<vmem>>, vector<16xf32>,
      tpu.vector_store %arg6[%swap3A_407, %swap3A_408], %add3A_406 {strides = array<i32>} : memref<800x64xf32, #tpu.memory_space<vmem>>, vector<16xf32>,
      %add3A_410 = arith.constant 400 : i32
      %add3A_411 = arith.addi %add3A_410, %scan3A_208 : i32
      %get3A_412 = arith.index_cast %add3A_411 : i32 to index
      %get3A_413 = arith.constant 48 : index
      %get3A_414 = tpu.vector_load %arg6[%get3A_412, %get3A_413] {strides = array<i32>} : memref<800x64xf32, #tpu.memory_space<vmem>>, vector<16xf32>,
      %mul3A_415 = arith.constant 8.000000e+00 : f32
      %mul3A_416 = vector.broadcast %mul3A_415 : f32 to vector<16xf32>
      %mul3A_417 = arith.mulf %get3A_414, %mul3A_416 : vector<16xf32>
      %add3A_418 = arith.addf %mul3A_417, %bitcast3A_385 : vector<16xf32>
      %swap3A_419 = arith.index_cast %add3A_411 : i32 to index
      %swap3A_420 = arith.constant 48 : index
      %swap3A_421 = tpu.vector_load %arg6[%swap3A_419, %swap3A_420] {strides = array<i32>} : memref<800x64xf32, #tpu.memory_space<vmem>>, vector<16xf32>,
      tpu.vector_store %arg6[%swap3A_419, %swap3A_420], %add3A_418 {strides = array<i32>} : memref<800x64xf32, #tpu.memory_space<vmem>>, vector<16xf32>,
      %add3A_422 = arith.constant 600 : i32
      %add3A_423 = arith.addi %add3A_422, %scan3A_208 : i32
      %get3A_424 = arith.index_cast %add3A_423 : i32 to index
      %get3A_425 = arith.constant 48 : index
      %get3A_426 = tpu.vector_load %arg6[%get3A_424, %get3A_425] {strides = array<i32>} : memref<800x64xf32, #tpu.memory_space<vmem>>, vector<16xf32>,
      %mul3A_427 = arith.constant 8.000000e+00 : f32
      %mul3A_428 = vector.broadcast %mul3A_427 : f32 to vector<16xf32>
      %mul3A_429 = arith.mulf %get3A_426, %mul3A_428 : vector<16xf32>
      %add3A_430 = arith.addf %mul3A_429, %bitcast3A_385 : vector<16xf32>
      %swap3A_431 = arith.index_cast %add3A_423 : i32 to index
      %swap3A_432 = arith.constant 48 : index
      %swap3A_433 = tpu.vector_load %arg6[%swap3A_431, %swap3A_432] {strides = array<i32>} : memref<800x64xf32, #tpu.memory_space<vmem>>, vector<16xf32>,
      tpu.vector_store %arg6[%swap3A_431, %swap3A_432], %add3A_430 {strides = array<i32>} : memref<800x64xf32, #tpu.memory_space<vmem>>, vector<16xf32>,
    }
    %scan3A_20 = arith.constant 200 : i32
    %add3A_21 = arith.constant 0 : i32
    %add3A_22 = arith.addi %mul3A_2, %add3A_21 : i32
    %dma_start3A_23 = arith.constant 0 : i32
    %dma_start3A_24 = tpu.memref_slice %arg4[%add3A_22, %dma_start3A_23] : memref<204800x128xf32, #tpu.memory_space<hbm>> -> memref<800x64xf32, #tpu.memory_space<hbm>>
    %dma_start3A_25 = arith.constant 0 : i32
    %dma_start3A_26 = tpu.memref_slice %arg4[%add3A_22, %dma_start3A_25] : memref<204800x128xf32, #tpu.memory_space<hbm>> -> memref<800x64xf32, #tpu.memory_space<hbm>>
    tpu.enqueue_dma source(%arg6 : memref<800x64xf32, #tpu.memory_space<vmem>>) target(%dma_start3A_26 : memref<800x64xf32, #tpu.memory_space<hbm>>) target_semaphore(%arg10 : memref<!tpu.dma_semaphore, #tpu.memory_space<semaphore_mem>>)
    %dma_wait3A_27 = arith.constant 800 : i32
    %dma_wait3A_28 = tpu.memref_slice %arg5[%dma_wait3A_27] : memref<6400xi32, #tpu.memory_space<vmem>> -> memref<800xi32, #tpu.memory_space<vmem>>
    %dma_wait3A_29 = arith.constant 0 : i32
    %dma_wait3A_30 = arith.constant 0 : i32
    %dma_wait3A_31 = tpu.memref_slice %arg3[%dma_wait3A_29, %dma_wait3A_30] : memref<100000x64xf32, #tpu.memory_space<hbm>> -> memref<100000x64xf32, #tpu.memory_space<hbm>>
    tpu.wait_indirect_dma semaphore(%arg9 : memref<!tpu.dma_semaphore, #tpu.memory_space<semaphore_mem>>) src(%dma_wait3A_31 : memref<100000x64xf32, #tpu.memory_space<hbm>>) dst(%arg7 : memref<800x64xf32, #tpu.memory_space<vmem>>)
    %dma_wait3A_32 = arith.constant 0 : i32
    %dma_wait3A_33 = tpu.memref_slice %arg4[%add3A_22, %dma_wait3A_32] : memref<204800x128xf32, #tpu.memory_space<hbm>> -> memref<800x64xf32, #tpu.memory_space<hbm>>
    %dma_wait3A_34 = arith.constant 0 : i32
    %dma_wait3A_35 = tpu.memref_slice %arg4[%add3A_22, %dma_wait3A_34] : memref<204800x128xf32, #tpu.memory_space<hbm>> -> memref<800x64xf32, #tpu.memory_space<hbm>>
    tpu.wait_dma2 semaphore(%arg10 : memref<!tpu.dma_semaphore, #tpu.memory_space<semaphore_mem>>) src(%arg6 : memref<800x64xf32, #tpu.memory_space<vmem>>) dst(%dma_wait3A_35 : memref<800x64xf32, #tpu.memory_space<hbm>>)
    %dma_start3A_36 = arith.constant 1600 : i32
    %dma_start3A_37 = tpu.memref_slice %arg5[%dma_start3A_36] : memref<6400xi32, #tpu.memory_space<vmem>> -> memref<800xi32, #tpu.memory_space<vmem>>
    %dma_start3A_38 = arith.constant 0 : i32
    %dma_start3A_39 = arith.constant 0 : i32
    %dma_start3A_40 = tpu.memref_slice %arg3[%dma_start3A_38, %dma_start3A_39] : memref<100000x64xf32, #tpu.memory_space<hbm>> -> memref<100000x64xf32, #tpu.memory_space<hbm>>
    tpu.enqueue_indirect_dma source(%dma_start3A_40 : memref<100000x64xf32, #tpu.memory_space<hbm>>) target(%arg6 : memref<800x64xf32, #tpu.memory_space<vmem>>) offsets(%dma_start3A_37 : memref<800xi32, #tpu.memory_space<vmem>>) semaphore(%arg9 : memref<!tpu.dma_semaphore, #tpu.memory_space<semaphore_mem>>)
    %scan3A_41 = arith.constant 0 : i32
    %scan3A_42 = arith.constant 0 : i32
    %scan3A_43 = arith.constant 200 : i32
    %scan3A_44 = arith.addi %scan3A_42, %scan3A_43 : i32
    %scan3A_45 = arith.constant 1 : i32
    scf.for %scan3A_208 = %scan3A_42 to %scan3A_44 step %scan3A_45  : i32 {
      %mul3A_209 = arith.constant 4 : i32
      %mul3A_210 = arith.muli %scan3A_208, %mul3A_209 : i32
      %add3A_211 = arith.constant 0 : i32
      %add3A_212 = arith.addi %mul3A_210, %add3A_211 : i32
      %mul3A_213 = arith.constant 16 : i32
      %mul3A_214 = arith.muli %add3A_212, %mul3A_213 : i32
      %get3A = arith.index_cast %mul3A_214 : i32 to index
      %get3A_215 = tpu.vector_load %arg8[%get3A] {strides = array<i32>} : memref<12800xi32, #tpu.memory_space<vmem>>, vector<16xi32>,
      %bitcast3A = vector.bitcast %get3A_215 : vector<16xi32> to vector<16xf32>
      %add3A_216 = arith.constant 0 : i32
      %add3A_217 = arith.addi %add3A_216, %scan3A_208 : i32
      %get3A_218 = arith.index_cast %add3A_217 : i32 to index
      %get3A_219 = arith.constant 0 : index
      %get3A_220 = tpu.vector_load %arg7[%get3A_218, %get3A_219] {strides = array<i32>} : memref<800x64xf32, #tpu.memory_space<vmem>>, vector<16xf32>,
      %mul3A_221 = arith.constant 8.000000e+00 : f32
      %mul3A_222 = vector.broadcast %mul3A_221 : f32 to vector<16xf32>
      %mul3A_223 = arith.mulf %get3A_220, %mul3A_222 : vector<16xf32>
      %add3A_224 = arith.addf %mul3A_223, %bitcast3A : vector<16xf32>
      %swap3A = arith.index_cast %add3A_217 : i32 to index
      %swap3A_225 = arith.constant 0 : index
      %swap3A_226 = tpu.vector_load %arg7[%swap3A, %swap3A_225] {strides = array<i32>} : memref<800x64xf32, #tpu.memory_space<vmem>>, vector<16xf32>,
      tpu.vector_store %arg7[%swap3A, %swap3A_225], %add3A_224 {strides = array<i32>} : memref<800x64xf32, #tpu.memory_space<vmem>>, vector<16xf32>,
      %add3A_227 = arith.constant 200 : i32
      %add3A_228 = arith.addi %add3A_227, %scan3A_208 : i32
      %get3A_229 = arith.index_cast %add3A_228 : i32 to index
      %get3A_230 = arith.constant 0 : index
      %get3A_231 = tpu.vector_load %arg7[%get3A_229, %get3A_230] {strides = array<i32>} : memref<800x64xf32, #tpu.memory_space<vmem>>, vector<16xf32>,
      %mul3A_232 = arith.constant 8.000000e+00 : f32
      %mul3A_233 = vector.broadcast %mul3A_232 : f32 to vector<16xf32>
      %mul3A_234 = arith.mulf %get3A_231, %mul3A_233 : vector<16xf32>
      %add3A_235 = arith.addf %mul3A_234, %bitcast3A : vector<16xf32>
      %swap3A_236 = arith.index_cast %add3A_228 : i32 to index
      %swap3A_237 = arith.constant 0 : index
      %swap3A_238 = tpu.vector_load %arg7[%swap3A_236, %swap3A_237] {strides = array<i32>} : memref<800x64xf32, #tpu.memory_space<vmem>>, vector<16xf32>,
      tpu.vector_store %arg7[%swap3A_236, %swap3A_237], %add3A_235 {strides = array<i32>} : memref<800x64xf32, #tpu.memory_space<vmem>>, vector<16xf32>,
      %add3A_239 = arith.constant 400 : i32
      %add3A_240 = arith.addi %add3A_239, %scan3A_208 : i32
      %get3A_241 = arith.index_cast %add3A_240 : i32 to index
      %get3A_242 = arith.constant 0 : index
      %get3A_243 = tpu.vector_load %arg7[%get3A_241, %get3A_242] {strides = array<i32>} : memref<800x64xf32, #tpu.memory_space<vmem>>, vector<16xf32>,
      %mul3A_244 = arith.constant 8.000000e+00 : f32
      %mul3A_245 = vector.broadcast %mul3A_244 : f32 to vector<16xf32>
      %mul3A_246 = arith.mulf %get3A_243, %mul3A_245 : vector<16xf32>
      %add3A_247 = arith.addf %mul3A_246, %bitcast3A : vector<16xf32>
      %swap3A_248 = arith.index_cast %add3A_240 : i32 to index
      %swap3A_249 = arith.constant 0 : index
      %swap3A_250 = tpu.vector_load %arg7[%swap3A_248, %swap3A_249] {strides = array<i32>} : memref<800x64xf32, #tpu.memory_space<vmem>>, vector<16xf32>,
      tpu.vector_store %arg7[%swap3A_248, %swap3A_249], %add3A_247 {strides = array<i32>} : memref<800x64xf32, #tpu.memory_space<vmem>>, vector<16xf32>,
      %add3A_251 = arith.constant 600 : i32
      %add3A_252 = arith.addi %add3A_251, %scan3A_208 : i32
      %get3A_253 = arith.index_cast %add3A_252 : i32 to index
      %get3A_254 = arith.constant 0 : index
      %get3A_255 = tpu.vector_load %arg7[%get3A_253, %get3A_254] {strides = array<i32>} : memref<800x64xf32, #tpu.memory_space<vmem>>, vector<16xf32>,
      %mul3A_256 = arith.constant 8.000000e+00 : f32
      %mul3A_257 = vector.broadcast %mul3A_256 : f32 to vector<16xf32>
      %mul3A_258 = arith.mulf %get3A_255, %mul3A_257 : vector<16xf32>
      %add3A_259 = arith.addf %mul3A_258, %bitcast3A : vector<16xf32>
      %swap3A_260 = arith.index_cast %add3A_252 : i32 to index
      %swap3A_261 = arith.constant 0 : index
      %swap3A_262 = tpu.vector_load %arg7[%swap3A_260, %swap3A_261] {strides = array<i32>} : memref<800x64xf32, #tpu.memory_space<vmem>>, vector<16xf32>,
      tpu.vector_store %arg7[%swap3A_260, %swap3A_261], %add3A_259 {strides = array<i32>} : memref<800x64xf32, #tpu.memory_space<vmem>>, vector<16xf32>,
      %mul3A_263 = arith.constant 4 : i32
      %mul3A_264 = arith.muli %scan3A_208, %mul3A_263 : i32
      %add3A_265 = arith.constant 1 : i32
      %add3A_266 = arith.addi %mul3A_264, %add3A_265 : i32
      %mul3A_267 = arith.constant 16 : i32
      %mul3A_268 = arith.muli %add3A_266, %mul3A_267 : i32
      %get3A_269 = arith.index_cast %mul3A_268 : i32 to index
      %get3A_270 = tpu.vector_load %arg8[%get3A_269] {strides = array<i32>} : memref<12800xi32, #tpu.memory_space<vmem>>, vector<16xi32>,
      %bitcast3A_271 = vector.bitcast %get3A_270 : vector<16xi32> to vector<16xf32>
      %add3A_272 = arith.constant 0 : i32
      %add3A_273 = arith.addi %add3A_272, %scan3A_208 : i32
      %get3A_274 = arith.index_cast %add3A_273 : i32 to index
      %get3A_275 = arith.constant 16 : index
      %get3A_276 = tpu.vector_load %arg7[%get3A_274, %get3A_275] {strides = array<i32>} : memref<800x64xf32, #tpu.memory_space<vmem>>, vector<16xf32>,
      %mul3A_277 = arith.constant 8.000000e+00 : f32
      %mul3A_278 = vector.broadcast %mul3A_277 : f32 to vector<16xf32>
      %mul3A_279 = arith.mulf %get3A_276, %mul3A_278 : vector<16xf32>
      %add3A_280 = arith.addf %mul3A_279, %bitcast3A_271 : vector<16xf32>
      %swap3A_281 = arith.index_cast %add3A_273 : i32 to index
      %swap3A_282 = arith.constant 16 : index
      %swap3A_283 = tpu.vector_load %arg7[%swap3A_281, %swap3A_282] {strides = array<i32>} : memref<800x64xf32, #tpu.memory_space<vmem>>, vector<16xf32>,
      tpu.vector_store %arg7[%swap3A_281, %swap3A_282], %add3A_280 {strides = array<i32>} : memref<800x64xf32, #tpu.memory_space<vmem>>, vector<16xf32>,
      %add3A_284 = arith.constant 200 : i32
      %add3A_285 = arith.addi %add3A_284, %scan3A_208 : i32
      %get3A_286 = arith.index_cast %add3A_285 : i32 to index
      %get3A_287 = arith.constant 16 : index
      %get3A_288 = tpu.vector_load %arg7[%get3A_286, %get3A_287] {strides = array<i32>} : memref<800x64xf32, #tpu.memory_space<vmem>>, vector<16xf32>,
      %mul3A_289 = arith.constant 8.000000e+00 : f32
      %mul3A_290 = vector.broadcast %mul3A_289 : f32 to vector<16xf32>
      %mul3A_291 = arith.mulf %get3A_288, %mul3A_290 : vector<16xf32>
      %add3A_292 = arith.addf %mul3A_291, %bitcast3A_271 : vector<16xf32>
      %swap3A_293 = arith.index_cast %add3A_285 : i32 to index
      %swap3A_294 = arith.constant 16 : index
      %swap3A_295 = tpu.vector_load %arg7[%swap3A_293, %swap3A_294] {strides = array<i32>} : memref<800x64xf32, #tpu.memory_space<vmem>>, vector<16xf32>,
      tpu.vector_store %arg7[%swap3A_293, %swap3A_294], %add3A_292 {strides = array<i32>} : memref<800x64xf32, #tpu.memory_space<vmem>>, vector<16xf32>,
      %add3A_296 = arith.constant 400 : i32
      %add3A_297 = arith.addi %add3A_296, %scan3A_208 : i32
      %get3A_298 = arith.index_cast %add3A_297 : i32 to index
      %get3A_299 = arith.constant 16 : index
      %get3A_300 = tpu.vector_load %arg7[%get3A_298, %get3A_299] {strides = array<i32>} : memref<800x64xf32, #tpu.memory_space<vmem>>, vector<16xf32>,
      %mul3A_301 = arith.constant 8.000000e+00 : f32
      %mul3A_302 = vector.broadcast %mul3A_301 : f32 to vector<16xf32>
      %mul3A_303 = arith.mulf %get3A_300, %mul3A_302 : vector<16xf32>
      %add3A_304 = arith.addf %mul3A_303, %bitcast3A_271 : vector<16xf32>
      %swap3A_305 = arith.index_cast %add3A_297 : i32 to index
      %swap3A_306 = arith.constant 16 : index
      %swap3A_307 = tpu.vector_load %arg7[%swap3A_305, %swap3A_306] {strides = array<i32>} : memref<800x64xf32, #tpu.memory_space<vmem>>, vector<16xf32>,
      tpu.vector_store %arg7[%swap3A_305, %swap3A_306], %add3A_304 {strides = array<i32>} : memref<800x64xf32, #tpu.memory_space<vmem>>, vector<16xf32>,
      %add3A_308 = arith.constant 600 : i32
      %add3A_309 = arith.addi %add3A_308, %scan3A_208 : i32
      %get3A_310 = arith.index_cast %add3A_309 : i32 to index
      %get3A_311 = arith.constant 16 : index
      %get3A_312 = tpu.vector_load %arg7[%get3A_310, %get3A_311] {strides = array<i32>} : memref<800x64xf32, #tpu.memory_space<vmem>>, vector<16xf32>,
      %mul3A_313 = arith.constant 8.000000e+00 : f32
      %mul3A_314 = vector.broadcast %mul3A_313 : f32 to vector<16xf32>
      %mul3A_315 = arith.mulf %get3A_312, %mul3A_314 : vector<16xf32>
      %add3A_316 = arith.addf %mul3A_315, %bitcast3A_271 : vector<16xf32>
      %swap3A_317 = arith.index_cast %add3A_309 : i32 to index
      %swap3A_318 = arith.constant 16 : index
      %swap3A_319 = tpu.vector_load %arg7[%swap3A_317, %swap3A_318] {strides = array<i32>} : memref<800x64xf32, #tpu.memory_space<vmem>>, vector<16xf32>,
      tpu.vector_store %arg7[%swap3A_317, %swap3A_318], %add3A_316 {strides = array<i32>} : memref<800x64xf32, #tpu.memory_space<vmem>>, vector<16xf32>,
      %mul3A_320 = arith.constant 4 : i32
      %mul3A_321 = arith.muli %scan3A_208, %mul3A_320 : i32
      %add3A_322 = arith.constant 2 : i32
      %add3A_323 = arith.addi %mul3A_321, %add3A_322 : i32
      %mul3A_324 = arith.constant 16 : i32
      %mul3A_325 = arith.muli %add3A_323, %mul3A_324 : i32
      %get3A_326 = arith.index_cast %mul3A_325 : i32 to index
      %get3A_327 = tpu.vector_load %arg8[%get3A_326] {strides = array<i32>} : memref<12800xi32, #tpu.memory_space<vmem>>, vector<16xi32>,
      %bitcast3A_328 = vector.bitcast %get3A_327 : vector<16xi32> to vector<16xf32>
      %add3A_329 = arith.constant 0 : i32
      %add3A_330 = arith.addi %add3A_329, %scan3A_208 : i32
      %get3A_331 = arith.index_cast %add3A_330 : i32 to index
      %get3A_332 = arith.constant 32 : index
      %get3A_333 = tpu.vector_load %arg7[%get3A_331, %get3A_332] {strides = array<i32>} : memref<800x64xf32, #tpu.memory_space<vmem>>, vector<16xf32>,
      %mul3A_334 = arith.constant 8.000000e+00 : f32
      %mul3A_335 = vector.broadcast %mul3A_334 : f32 to vector<16xf32>
      %mul3A_336 = arith.mulf %get3A_333, %mul3A_335 : vector<16xf32>
      %add3A_337 = arith.addf %mul3A_336, %bitcast3A_328 : vector<16xf32>
      %swap3A_338 = arith.index_cast %add3A_330 : i32 to index
      %swap3A_339 = arith.constant 32 : index
      %swap3A_340 = tpu.vector_load %arg7[%swap3A_338, %swap3A_339] {strides = array<i32>} : memref<800x64xf32, #tpu.memory_space<vmem>>, vector<16xf32>,
      tpu.vector_store %arg7[%swap3A_338, %swap3A_339], %add3A_337 {strides = array<i32>} : memref<800x64xf32, #tpu.memory_space<vmem>>, vector<16xf32>,
      %add3A_341 = arith.constant 200 : i32
      %add3A_342 = arith.addi %add3A_341, %scan3A_208 : i32
      %get3A_343 = arith.index_cast %add3A_342 : i32 to index
      %get3A_344 = arith.constant 32 : index
      %get3A_345 = tpu.vector_load %arg7[%get3A_343, %get3A_344] {strides = array<i32>} : memref<800x64xf32, #tpu.memory_space<vmem>>, vector<16xf32>,
      %mul3A_346 = arith.constant 8.000000e+00 : f32
      %mul3A_347 = vector.broadcast %mul3A_346 : f32 to vector<16xf32>
      %mul3A_348 = arith.mulf %get3A_345, %mul3A_347 : vector<16xf32>
      %add3A_349 = arith.addf %mul3A_348, %bitcast3A_328 : vector<16xf32>
      %swap3A_350 = arith.index_cast %add3A_342 : i32 to index
      %swap3A_351 = arith.constant 32 : index
      %swap3A_352 = tpu.vector_load %arg7[%swap3A_350, %swap3A_351] {strides = array<i32>} : memref<800x64xf32, #tpu.memory_space<vmem>>, vector<16xf32>,
      tpu.vector_store %arg7[%swap3A_350, %swap3A_351], %add3A_349 {strides = array<i32>} : memref<800x64xf32, #tpu.memory_space<vmem>>, vector<16xf32>,
      %add3A_353 = arith.constant 400 : i32
      %add3A_354 = arith.addi %add3A_353, %scan3A_208 : i32
      %get3A_355 = arith.index_cast %add3A_354 : i32 to index
      %get3A_356 = arith.constant 32 : index
      %get3A_357 = tpu.vector_load %arg7[%get3A_355, %get3A_356] {strides = array<i32>} : memref<800x64xf32, #tpu.memory_space<vmem>>, vector<16xf32>,
      %mul3A_358 = arith.constant 8.000000e+00 : f32
      %mul3A_359 = vector.broadcast %mul3A_358 : f32 to vector<16xf32>
      %mul3A_360 = arith.mulf %get3A_357, %mul3A_359 : vector<16xf32>
      %add3A_361 = arith.addf %mul3A_360, %bitcast3A_328 : vector<16xf32>
      %swap3A_362 = arith.index_cast %add3A_354 : i32 to index
      %swap3A_363 = arith.constant 32 : index
      %swap3A_364 = tpu.vector_load %arg7[%swap3A_362, %swap3A_363] {strides = array<i32>} : memref<800x64xf32, #tpu.memory_space<vmem>>, vector<16xf32>,
      tpu.vector_store %arg7[%swap3A_362, %swap3A_363], %add3A_361 {strides = array<i32>} : memref<800x64xf32, #tpu.memory_space<vmem>>, vector<16xf32>,
      %add3A_365 = arith.constant 600 : i32
      %add3A_366 = arith.addi %add3A_365, %scan3A_208 : i32
      %get3A_367 = arith.index_cast %add3A_366 : i32 to index
      %get3A_368 = arith.constant 32 : index
      %get3A_369 = tpu.vector_load %arg7[%get3A_367, %get3A_368] {strides = array<i32>} : memref<800x64xf32, #tpu.memory_space<vmem>>, vector<16xf32>,
      %mul3A_370 = arith.constant 8.000000e+00 : f32
      %mul3A_371 = vector.broadcast %mul3A_370 : f32 to vector<16xf32>
      %mul3A_372 = arith.mulf %get3A_369, %mul3A_371 : vector<16xf32>
      %add3A_373 = arith.addf %mul3A_372, %bitcast3A_328 : vector<16xf32>
      %swap3A_374 = arith.index_cast %add3A_366 : i32 to index
      %swap3A_375 = arith.constant 32 : index
      %swap3A_376 = tpu.vector_load %arg7[%swap3A_374, %swap3A_375] {strides = array<i32>} : memref<800x64xf32, #tpu.memory_space<vmem>>, vector<16xf32>,
      tpu.vector_store %arg7[%swap3A_374, %swap3A_375], %add3A_373 {strides = array<i32>} : memref<800x64xf32, #tpu.memory_space<vmem>>, vector<16xf32>,
      %mul3A_377 = arith.constant 4 : i32
      %mul3A_378 = arith.muli %scan3A_208, %mul3A_377 : i32
      %add3A_379 = arith.constant 3 : i32
      %add3A_380 = arith.addi %mul3A_378, %add3A_379 : i32
      %mul3A_381 = arith.constant 16 : i32
      %mul3A_382 = arith.muli %add3A_380, %mul3A_381 : i32
      %get3A_383 = arith.index_cast %mul3A_382 : i32 to index
      %get3A_384 = tpu.vector_load %arg8[%get3A_383] {strides = array<i32>} : memref<12800xi32, #tpu.memory_space<vmem>>, vector<16xi32>,
      %bitcast3A_385 = vector.bitcast %get3A_384 : vector<16xi32> to vector<16xf32>
      %add3A_386 = arith.constant 0 : i32
      %add3A_387 = arith.addi %add3A_386, %scan3A_208 : i32
      %get3A_388 = arith.index_cast %add3A_387 : i32 to index
      %get3A_389 = arith.constant 48 : index
      %get3A_390 = tpu.vector_load %arg7[%get3A_388, %get3A_389] {strides = array<i32>} : memref<800x64xf32, #tpu.memory_space<vmem>>, vector<16xf32>,
      %mul3A_391 = arith.constant 8.000000e+00 : f32
      %mul3A_392 = vector.broadcast %mul3A_391 : f32 to vector<16xf32>
      %mul3A_393 = arith.mulf %get3A_390, %mul3A_392 : vector<16xf32>
      %add3A_394 = arith.addf %mul3A_393, %bitcast3A_385 : vector<16xf32>
      %swap3A_395 = arith.index_cast %add3A_387 : i32 to index
      %swap3A_396 = arith.constant 48 : index
      %swap3A_397 = tpu.vector_load %arg7[%swap3A_395, %swap3A_396] {strides = array<i32>} : memref<800x64xf32, #tpu.memory_space<vmem>>, vector<16xf32>,
      tpu.vector_store %arg7[%swap3A_395, %swap3A_396], %add3A_394 {strides = array<i32>} : memref<800x64xf32, #tpu.memory_space<vmem>>, vector<16xf32>,
      %add3A_398 = arith.constant 200 : i32
      %add3A_399 = arith.addi %add3A_398, %scan3A_208 : i32
      %get3A_400 = arith.index_cast %add3A_399 : i32 to index
      %get3A_401 = arith.constant 48 : index
      %get3A_402 = tpu.vector_load %arg7[%get3A_400, %get3A_401] {strides = array<i32>} : memref<800x64xf32, #tpu.memory_space<vmem>>, vector<16xf32>,
      %mul3A_403 = arith.constant 8.000000e+00 : f32
      %mul3A_404 = vector.broadcast %mul3A_403 : f32 to vector<16xf32>
      %mul3A_405 = arith.mulf %get3A_402, %mul3A_404 : vector<16xf32>
      %add3A_406 = arith.addf %mul3A_405, %bitcast3A_385 : vector<16xf32>
      %swap3A_407 = arith.index_cast %add3A_399 : i32 to index
      %swap3A_408 = arith.constant 48 : index
      %swap3A_409 = tpu.vector_load %arg7[%swap3A_407, %swap3A_408] {strides = array<i32>} : memref<800x64xf32, #tpu.memory_space<vmem>>, vector<16xf32>,
      tpu.vector_store %arg7[%swap3A_407, %swap3A_408], %add3A_406 {strides = array<i32>} : memref<800x64xf32, #tpu.memory_space<vmem>>, vector<16xf32>,
      %add3A_410 = arith.constant 400 : i32
      %add3A_411 = arith.addi %add3A_410, %scan3A_208 : i32
      %get3A_412 = arith.index_cast %add3A_411 : i32 to index
      %get3A_413 = arith.constant 48 : index
      %get3A_414 = tpu.vector_load %arg7[%get3A_412, %get3A_413] {strides = array<i32>} : memref<800x64xf32, #tpu.memory_space<vmem>>, vector<16xf32>,
      %mul3A_415 = arith.constant 8.000000e+00 : f32
      %mul3A_416 = vector.broadcast %mul3A_415 : f32 to vector<16xf32>
      %mul3A_417 = arith.mulf %get3A_414, %mul3A_416 : vector<16xf32>
      %add3A_418 = arith.addf %mul3A_417, %bitcast3A_385 : vector<16xf32>
      %swap3A_419 = arith.index_cast %add3A_411 : i32 to index
      %swap3A_420 = arith.constant 48 : index
      %swap3A_421 = tpu.vector_load %arg7[%swap3A_419, %swap3A_420] {strides = array<i32>} : memref<800x64xf32, #tpu.memory_space<vmem>>, vector<16xf32>,
      tpu.vector_store %arg7[%swap3A_419, %swap3A_420], %add3A_418 {strides = array<i32>} : memref<800x64xf32, #tpu.memory_space<vmem>>, vector<16xf32>,
      %add3A_422 = arith.constant 600 : i32
      %add3A_423 = arith.addi %add3A_422, %scan3A_208 : i32
      %get3A_424 = arith.index_cast %add3A_423 : i32 to index
      %get3A_425 = arith.constant 48 : index
      %get3A_426 = tpu.vector_load %arg7[%get3A_424, %get3A_425] {strides = array<i32>} : memref<800x64xf32, #tpu.memory_space<vmem>>, vector<16xf32>,
      %mul3A_427 = arith.constant 8.000000e+00 : f32
      %mul3A_428 = vector.broadcast %mul3A_427 : f32 to vector<16xf32>
      %mul3A_429 = arith.mulf %get3A_426, %mul3A_428 : vector<16xf32>
      %add3A_430 = arith.addf %mul3A_429, %bitcast3A_385 : vector<16xf32>
      %swap3A_431 = arith.index_cast %add3A_423 : i32 to index
      %swap3A_432 = arith.constant 48 : index
      %swap3A_433 = tpu.vector_load %arg7[%swap3A_431, %swap3A_432] {strides = array<i32>} : memref<800x64xf32, #tpu.memory_space<vmem>>, vector<16xf32>,
      tpu.vector_store %arg7[%swap3A_431, %swap3A_432], %add3A_430 {strides = array<i32>} : memref<800x64xf32, #tpu.memory_space<vmem>>, vector<16xf32>,
    }
    %scan3A_46 = arith.constant 200 : i32
    %add3A_47 = arith.constant 800 : i32
    %add3A_48 = arith.addi %mul3A_2, %add3A_47 : i32
    %dma_start3A_49 = arith.constant 0 : i32
    %dma_start3A_50 = tpu.memref_slice %arg4[%add3A_48, %dma_start3A_49] : memref<204800x128xf32, #tpu.memory_space<hbm>> -> memref<800x64xf32, #tpu.memory_space<hbm>>
    %dma_start3A_51 = arith.constant 0 : i32
    %dma_start3A_52 = tpu.memref_slice %arg4[%add3A_48, %dma_start3A_51] : memref<204800x128xf32, #tpu.memory_space<hbm>> -> memref<800x64xf32, #tpu.memory_space<hbm>>
    tpu.enqueue_dma source(%arg7 : memref<800x64xf32, #tpu.memory_space<vmem>>) target(%dma_start3A_52 : memref<800x64xf32, #tpu.memory_space<hbm>>) target_semaphore(%arg10 : memref<!tpu.dma_semaphore, #tpu.memory_space<semaphore_mem>>)
    %dma_wait3A_53 = arith.constant 1600 : i32
    %dma_wait3A_54 = tpu.memref_slice %arg5[%dma_wait3A_53] : memref<6400xi32, #tpu.memory_space<vmem>> -> memref<800xi32, #tpu.memory_space<vmem>>
    %dma_wait3A_55 = arith.constant 0 : i32
    %dma_wait3A_56 = arith.constant 0 : i32
    %dma_wait3A_57 = tpu.memref_slice %arg3[%dma_wait3A_55, %dma_wait3A_56] : memref<100000x64xf32, #tpu.memory_space<hbm>> -> memref<100000x64xf32, #tpu.memory_space<hbm>>
    tpu.wait_indirect_dma semaphore(%arg9 : memref<!tpu.dma_semaphore, #tpu.memory_space<semaphore_mem>>) src(%dma_wait3A_57 : memref<100000x64xf32, #tpu.memory_space<hbm>>) dst(%arg6 : memref<800x64xf32, #tpu.memory_space<vmem>>)
    %dma_wait3A_58 = arith.constant 0 : i32
    %dma_wait3A_59 = tpu.memref_slice %arg4[%add3A_48, %dma_wait3A_58] : memref<204800x128xf32, #tpu.memory_space<hbm>> -> memref<800x64xf32, #tpu.memory_space<hbm>>
    %dma_wait3A_60 = arith.constant 0 : i32
    %dma_wait3A_61 = tpu.memref_slice %arg4[%add3A_48, %dma_wait3A_60] : memref<204800x128xf32, #tpu.memory_space<hbm>> -> memref<800x64xf32, #tpu.memory_space<hbm>>
    tpu.wait_dma2 semaphore(%arg10 : memref<!tpu.dma_semaphore, #tpu.memory_space<semaphore_mem>>) src(%arg7 : memref<800x64xf32, #tpu.memory_space<vmem>>) dst(%dma_wait3A_61 : memref<800x64xf32, #tpu.memory_space<hbm>>)
    %dma_start3A_62 = arith.constant 2400 : i32
    %dma_start3A_63 = tpu.memref_slice %arg5[%dma_start3A_62] : memref<6400xi32, #tpu.memory_space<vmem>> -> memref<800xi32, #tpu.memory_space<vmem>>
    %dma_start3A_64 = arith.constant 0 : i32
    %dma_start3A_65 = arith.constant 0 : i32
    %dma_start3A_66 = tpu.memref_slice %arg3[%dma_start3A_64, %dma_start3A_65] : memref<100000x64xf32, #tpu.memory_space<hbm>> -> memref<100000x64xf32, #tpu.memory_space<hbm>>
    tpu.enqueue_indirect_dma source(%dma_start3A_66 : memref<100000x64xf32, #tpu.memory_space<hbm>>) target(%arg7 : memref<800x64xf32, #tpu.memory_space<vmem>>) offsets(%dma_start3A_63 : memref<800xi32, #tpu.memory_space<vmem>>) semaphore(%arg9 : memref<!tpu.dma_semaphore, #tpu.memory_space<semaphore_mem>>)
    %scan3A_67 = arith.constant 0 : i32
    %scan3A_68 = arith.constant 0 : i32
    %scan3A_69 = arith.constant 200 : i32
    %scan3A_70 = arith.addi %scan3A_68, %scan3A_69 : i32
    %scan3A_71 = arith.constant 1 : i32
    scf.for %scan3A_208 = %scan3A_68 to %scan3A_70 step %scan3A_71  : i32 {
      %mul3A_209 = arith.constant 4 : i32
      %mul3A_210 = arith.muli %scan3A_208, %mul3A_209 : i32
      %add3A_211 = arith.constant 0 : i32
      %add3A_212 = arith.addi %mul3A_210, %add3A_211 : i32
      %mul3A_213 = arith.constant 16 : i32
      %mul3A_214 = arith.muli %add3A_212, %mul3A_213 : i32
      %get3A = arith.index_cast %mul3A_214 : i32 to index
      %get3A_215 = tpu.vector_load %arg8[%get3A] {strides = array<i32>} : memref<12800xi32, #tpu.memory_space<vmem>>, vector<16xi32>,
      %bitcast3A = vector.bitcast %get3A_215 : vector<16xi32> to vector<16xf32>
      %add3A_216 = arith.constant 0 : i32
      %add3A_217 = arith.addi %add3A_216, %scan3A_208 : i32
      %get3A_218 = arith.index_cast %add3A_217 : i32 to index
      %get3A_219 = arith.constant 0 : index
      %get3A_220 = tpu.vector_load %arg6[%get3A_218, %get3A_219] {strides = array<i32>} : memref<800x64xf32, #tpu.memory_space<vmem>>, vector<16xf32>,
      %mul3A_221 = arith.constant 8.000000e+00 : f32
      %mul3A_222 = vector.broadcast %mul3A_221 : f32 to vector<16xf32>
      %mul3A_223 = arith.mulf %get3A_220, %mul3A_222 : vector<16xf32>
      %add3A_224 = arith.addf %mul3A_223, %bitcast3A : vector<16xf32>
      %swap3A = arith.index_cast %add3A_217 : i32 to index
      %swap3A_225 = arith.constant 0 : index
      %swap3A_226 = tpu.vector_load %arg6[%swap3A, %swap3A_225] {strides = array<i32>} : memref<800x64xf32, #tpu.memory_space<vmem>>, vector<16xf32>,
      tpu.vector_store %arg6[%swap3A, %swap3A_225], %add3A_224 {strides = array<i32>} : memref<800x64xf32, #tpu.memory_space<vmem>>, vector<16xf32>,
      %add3A_227 = arith.constant 200 : i32
      %add3A_228 = arith.addi %add3A_227, %scan3A_208 : i32
      %get3A_229 = arith.index_cast %add3A_228 : i32 to index
      %get3A_230 = arith.constant 0 : index
      %get3A_231 = tpu.vector_load %arg6[%get3A_229, %get3A_230] {strides = array<i32>} : memref<800x64xf32, #tpu.memory_space<vmem>>, vector<16xf32>,
      %mul3A_232 = arith.constant 8.000000e+00 : f32
      %mul3A_233 = vector.broadcast %mul3A_232 : f32 to vector<16xf32>
      %mul3A_234 = arith.mulf %get3A_231, %mul3A_233 : vector<16xf32>
      %add3A_235 = arith.addf %mul3A_234, %bitcast3A : vector<16xf32>
      %swap3A_236 = arith.index_cast %add3A_228 : i32 to index
      %swap3A_237 = arith.constant 0 : index
      %swap3A_238 = tpu.vector_load %arg6[%swap3A_236, %swap3A_237] {strides = array<i32>} : memref<800x64xf32, #tpu.memory_space<vmem>>, vector<16xf32>,
      tpu.vector_store %arg6[%swap3A_236, %swap3A_237], %add3A_235 {strides = array<i32>} : memref<800x64xf32, #tpu.memory_space<vmem>>, vector<16xf32>,
      %add3A_239 = arith.constant 400 : i32
      %add3A_240 = arith.addi %add3A_239, %scan3A_208 : i32
      %get3A_241 = arith.index_cast %add3A_240 : i32 to index
      %get3A_242 = arith.constant 0 : index
      %get3A_243 = tpu.vector_load %arg6[%get3A_241, %get3A_242] {strides = array<i32>} : memref<800x64xf32, #tpu.memory_space<vmem>>, vector<16xf32>,
      %mul3A_244 = arith.constant 8.000000e+00 : f32
      %mul3A_245 = vector.broadcast %mul3A_244 : f32 to vector<16xf32>
      %mul3A_246 = arith.mulf %get3A_243, %mul3A_245 : vector<16xf32>
      %add3A_247 = arith.addf %mul3A_246, %bitcast3A : vector<16xf32>
      %swap3A_248 = arith.index_cast %add3A_240 : i32 to index
      %swap3A_249 = arith.constant 0 : index
      %swap3A_250 = tpu.vector_load %arg6[%swap3A_248, %swap3A_249] {strides = array<i32>} : memref<800x64xf32, #tpu.memory_space<vmem>>, vector<16xf32>,
      tpu.vector_store %arg6[%swap3A_248, %swap3A_249], %add3A_247 {strides = array<i32>} : memref<800x64xf32, #tpu.memory_space<vmem>>, vector<16xf32>,
      %add3A_251 = arith.constant 600 : i32
      %add3A_252 = arith.addi %add3A_251, %scan3A_208 : i32
      %get3A_253 = arith.index_cast %add3A_252 : i32 to index
      %get3A_254 = arith.constant 0 : index
      %get3A_255 = tpu.vector_load %arg6[%get3A_253, %get3A_254] {strides = array<i32>} : memref<800x64xf32, #tpu.memory_space<vmem>>, vector<16xf32>,
      %mul3A_256 = arith.constant 8.000000e+00 : f32
      %mul3A_257 = vector.broadcast %mul3A_256 : f32 to vector<16xf32>
      %mul3A_258 = arith.mulf %get3A_255, %mul3A_257 : vector<16xf32>
      %add3A_259 = arith.addf %mul3A_258, %bitcast3A : vector<16xf32>
      %swap3A_260 = arith.index_cast %add3A_252 : i32 to index
      %swap3A_261 = arith.constant 0 : index
      %swap3A_262 = tpu.vector_load %arg6[%swap3A_260, %swap3A_261] {strides = array<i32>} : memref<800x64xf32, #tpu.memory_space<vmem>>, vector<16xf32>,
      tpu.vector_store %arg6[%swap3A_260, %swap3A_261], %add3A_259 {strides = array<i32>} : memref<800x64xf32, #tpu.memory_space<vmem>>, vector<16xf32>,
      %mul3A_263 = arith.constant 4 : i32
      %mul3A_264 = arith.muli %scan3A_208, %mul3A_263 : i32
      %add3A_265 = arith.constant 1 : i32
      %add3A_266 = arith.addi %mul3A_264, %add3A_265 : i32
      %mul3A_267 = arith.constant 16 : i32
      %mul3A_268 = arith.muli %add3A_266, %mul3A_267 : i32
      %get3A_269 = arith.index_cast %mul3A_268 : i32 to index
      %get3A_270 = tpu.vector_load %arg8[%get3A_269] {strides = array<i32>} : memref<12800xi32, #tpu.memory_space<vmem>>, vector<16xi32>,
      %bitcast3A_271 = vector.bitcast %get3A_270 : vector<16xi32> to vector<16xf32>
      %add3A_272 = arith.constant 0 : i32
      %add3A_273 = arith.addi %add3A_272, %scan3A_208 : i32
      %get3A_274 = arith.index_cast %add3A_273 : i32 to index
      %get3A_275 = arith.constant 16 : index
      %get3A_276 = tpu.vector_load %arg6[%get3A_274, %get3A_275] {strides = array<i32>} : memref<800x64xf32, #tpu.memory_space<vmem>>, vector<16xf32>,
      %mul3A_277 = arith.constant 8.000000e+00 : f32
      %mul3A_278 = vector.broadcast %mul3A_277 : f32 to vector<16xf32>
      %mul3A_279 = arith.mulf %get3A_276, %mul3A_278 : vector<16xf32>
      %add3A_280 = arith.addf %mul3A_279, %bitcast3A_271 : vector<16xf32>
      %swap3A_281 = arith.index_cast %add3A_273 : i32 to index
      %swap3A_282 = arith.constant 16 : index
      %swap3A_283 = tpu.vector_load %arg6[%swap3A_281, %swap3A_282] {strides = array<i32>} : memref<800x64xf32, #tpu.memory_space<vmem>>, vector<16xf32>,
      tpu.vector_store %arg6[%swap3A_281, %swap3A_282], %add3A_280 {strides = array<i32>} : memref<800x64xf32, #tpu.memory_space<vmem>>, vector<16xf32>,
      %add3A_284 = arith.constant 200 : i32
      %add3A_285 = arith.addi %add3A_284, %scan3A_208 : i32
      %get3A_286 = arith.index_cast %add3A_285 : i32 to index
      %get3A_287 = arith.constant 16 : index
      %get3A_288 = tpu.vector_load %arg6[%get3A_286, %get3A_287] {strides = array<i32>} : memref<800x64xf32, #tpu.memory_space<vmem>>, vector<16xf32>,
      %mul3A_289 = arith.constant 8.000000e+00 : f32
      %mul3A_290 = vector.broadcast %mul3A_289 : f32 to vector<16xf32>
      %mul3A_291 = arith.mulf %get3A_288, %mul3A_290 : vector<16xf32>
      %add3A_292 = arith.addf %mul3A_291, %bitcast3A_271 : vector<16xf32>
      %swap3A_293 = arith.index_cast %add3A_285 : i32 to index
      %swap3A_294 = arith.constant 16 : index
      %swap3A_295 = tpu.vector_load %arg6[%swap3A_293, %swap3A_294] {strides = array<i32>} : memref<800x64xf32, #tpu.memory_space<vmem>>, vector<16xf32>,
      tpu.vector_store %arg6[%swap3A_293, %swap3A_294], %add3A_292 {strides = array<i32>} : memref<800x64xf32, #tpu.memory_space<vmem>>, vector<16xf32>,
      %add3A_296 = arith.constant 400 : i32
      %add3A_297 = arith.addi %add3A_296, %scan3A_208 : i32
      %get3A_298 = arith.index_cast %add3A_297 : i32 to index
      %get3A_299 = arith.constant 16 : index
      %get3A_300 = tpu.vector_load %arg6[%get3A_298, %get3A_299] {strides = array<i32>} : memref<800x64xf32, #tpu.memory_space<vmem>>, vector<16xf32>,
      %mul3A_301 = arith.constant 8.000000e+00 : f32
      %mul3A_302 = vector.broadcast %mul3A_301 : f32 to vector<16xf32>
      %mul3A_303 = arith.mulf %get3A_300, %mul3A_302 : vector<16xf32>
      %add3A_304 = arith.addf %mul3A_303, %bitcast3A_271 : vector<16xf32>
      %swap3A_305 = arith.index_cast %add3A_297 : i32 to index
      %swap3A_306 = arith.constant 16 : index
      %swap3A_307 = tpu.vector_load %arg6[%swap3A_305, %swap3A_306] {strides = array<i32>} : memref<800x64xf32, #tpu.memory_space<vmem>>, vector<16xf32>,
      tpu.vector_store %arg6[%swap3A_305, %swap3A_306], %add3A_304 {strides = array<i32>} : memref<800x64xf32, #tpu.memory_space<vmem>>, vector<16xf32>,
      %add3A_308 = arith.constant 600 : i32
      %add3A_309 = arith.addi %add3A_308, %scan3A_208 : i32
      %get3A_310 = arith.index_cast %add3A_309 : i32 to index
      %get3A_311 = arith.constant 16 : index
      %get3A_312 = tpu.vector_load %arg6[%get3A_310, %get3A_311] {strides = array<i32>} : memref<800x64xf32, #tpu.memory_space<vmem>>, vector<16xf32>,
      %mul3A_313 = arith.constant 8.000000e+00 : f32
      %mul3A_314 = vector.broadcast %mul3A_313 : f32 to vector<16xf32>
      %mul3A_315 = arith.mulf %get3A_312, %mul3A_314 : vector<16xf32>
      %add3A_316 = arith.addf %mul3A_315, %bitcast3A_271 : vector<16xf32>
      %swap3A_317 = arith.index_cast %add3A_309 : i32 to index
      %swap3A_318 = arith.constant 16 : index
      %swap3A_319 = tpu.vector_load %arg6[%swap3A_317, %swap3A_318] {strides = array<i32>} : memref<800x64xf32, #tpu.memory_space<vmem>>, vector<16xf32>,
      tpu.vector_store %arg6[%swap3A_317, %swap3A_318], %add3A_316 {strides = array<i32>} : memref<800x64xf32, #tpu.memory_space<vmem>>, vector<16xf32>,
      %mul3A_320 = arith.constant 4 : i32
      %mul3A_321 = arith.muli %scan3A_208, %mul3A_320 : i32
      %add3A_322 = arith.constant 2 : i32
      %add3A_323 = arith.addi %mul3A_321, %add3A_322 : i32
      %mul3A_324 = arith.constant 16 : i32
      %mul3A_325 = arith.muli %add3A_323, %mul3A_324 : i32
      %get3A_326 = arith.index_cast %mul3A_325 : i32 to index
      %get3A_327 = tpu.vector_load %arg8[%get3A_326] {strides = array<i32>} : memref<12800xi32, #tpu.memory_space<vmem>>, vector<16xi32>,
      %bitcast3A_328 = vector.bitcast %get3A_327 : vector<16xi32> to vector<16xf32>
      %add3A_329 = arith.constant 0 : i32
      %add3A_330 = arith.addi %add3A_329, %scan3A_208 : i32
      %get3A_331 = arith.index_cast %add3A_330 : i32 to index
      %get3A_332 = arith.constant 32 : index
      %get3A_333 = tpu.vector_load %arg6[%get3A_331, %get3A_332] {strides = array<i32>} : memref<800x64xf32, #tpu.memory_space<vmem>>, vector<16xf32>,
      %mul3A_334 = arith.constant 8.000000e+00 : f32
      %mul3A_335 = vector.broadcast %mul3A_334 : f32 to vector<16xf32>
      %mul3A_336 = arith.mulf %get3A_333, %mul3A_335 : vector<16xf32>
      %add3A_337 = arith.addf %mul3A_336, %bitcast3A_328 : vector<16xf32>
      %swap3A_338 = arith.index_cast %add3A_330 : i32 to index
      %swap3A_339 = arith.constant 32 : index
      %swap3A_340 = tpu.vector_load %arg6[%swap3A_338, %swap3A_339] {strides = array<i32>} : memref<800x64xf32, #tpu.memory_space<vmem>>, vector<16xf32>,
      tpu.vector_store %arg6[%swap3A_338, %swap3A_339], %add3A_337 {strides = array<i32>} : memref<800x64xf32, #tpu.memory_space<vmem>>, vector<16xf32>,
      %add3A_341 = arith.constant 200 : i32
      %add3A_342 = arith.addi %add3A_341, %scan3A_208 : i32
      %get3A_343 = arith.index_cast %add3A_342 : i32 to index
      %get3A_344 = arith.constant 32 : index
      %get3A_345 = tpu.vector_load %arg6[%get3A_343, %get3A_344] {strides = array<i32>} : memref<800x64xf32, #tpu.memory_space<vmem>>, vector<16xf32>,
      %mul3A_346 = arith.constant 8.000000e+00 : f32
      %mul3A_347 = vector.broadcast %mul3A_346 : f32 to vector<16xf32>
      %mul3A_348 = arith.mulf %get3A_345, %mul3A_347 : vector<16xf32>
      %add3A_349 = arith.addf %mul3A_348, %bitcast3A_328 : vector<16xf32>
      %swap3A_350 = arith.index_cast %add3A_342 : i32 to index
      %swap3A_351 = arith.constant 32 : index
      %swap3A_352 = tpu.vector_load %arg6[%swap3A_350, %swap3A_351] {strides = array<i32>} : memref<800x64xf32, #tpu.memory_space<vmem>>, vector<16xf32>,
      tpu.vector_store %arg6[%swap3A_350, %swap3A_351], %add3A_349 {strides = array<i32>} : memref<800x64xf32, #tpu.memory_space<vmem>>, vector<16xf32>,
      %add3A_353 = arith.constant 400 : i32
      %add3A_354 = arith.addi %add3A_353, %scan3A_208 : i32
      %get3A_355 = arith.index_cast %add3A_354 : i32 to index
      %get3A_356 = arith.constant 32 : index
      %get3A_357 = tpu.vector_load %arg6[%get3A_355, %get3A_356] {strides = array<i32>} : memref<800x64xf32, #tpu.memory_space<vmem>>, vector<16xf32>,
      %mul3A_358 = arith.constant 8.000000e+00 : f32
      %mul3A_359 = vector.broadcast %mul3A_358 : f32 to vector<16xf32>
      %mul3A_360 = arith.mulf %get3A_357, %mul3A_359 : vector<16xf32>
      %add3A_361 = arith.addf %mul3A_360, %bitcast3A_328 : vector<16xf32>
      %swap3A_362 = arith.index_cast %add3A_354 : i32 to index
      %swap3A_363 = arith.constant 32 : index
      %swap3A_364 = tpu.vector_load %arg6[%swap3A_362, %swap3A_363] {strides = array<i32>} : memref<800x64xf32, #tpu.memory_space<vmem>>, vector<16xf32>,
      tpu.vector_store %arg6[%swap3A_362, %swap3A_363], %add3A_361 {strides = array<i32>} : memref<800x64xf32, #tpu.memory_space<vmem>>, vector<16xf32>,
      %add3A_365 = arith.constant 600 : i32
      %add3A_366 = arith.addi %add3A_365, %scan3A_208 : i32
      %get3A_367 = arith.index_cast %add3A_366 : i32 to index
      %get3A_368 = arith.constant 32 : index
      %get3A_369 = tpu.vector_load %arg6[%get3A_367, %get3A_368] {strides = array<i32>} : memref<800x64xf32, #tpu.memory_space<vmem>>, vector<16xf32>,
      %mul3A_370 = arith.constant 8.000000e+00 : f32
      %mul3A_371 = vector.broadcast %mul3A_370 : f32 to vector<16xf32>
      %mul3A_372 = arith.mulf %get3A_369, %mul3A_371 : vector<16xf32>
      %add3A_373 = arith.addf %mul3A_372, %bitcast3A_328 : vector<16xf32>
      %swap3A_374 = arith.index_cast %add3A_366 : i32 to index
      %swap3A_375 = arith.constant 32 : index
      %swap3A_376 = tpu.vector_load %arg6[%swap3A_374, %swap3A_375] {strides = array<i32>} : memref<800x64xf32, #tpu.memory_space<vmem>>, vector<16xf32>,
      tpu.vector_store %arg6[%swap3A_374, %swap3A_375], %add3A_373 {strides = array<i32>} : memref<800x64xf32, #tpu.memory_space<vmem>>, vector<16xf32>,
      %mul3A_377 = arith.constant 4 : i32
      %mul3A_378 = arith.muli %scan3A_208, %mul3A_377 : i32
      %add3A_379 = arith.constant 3 : i32
      %add3A_380 = arith.addi %mul3A_378, %add3A_379 : i32
      %mul3A_381 = arith.constant 16 : i32
      %mul3A_382 = arith.muli %add3A_380, %mul3A_381 : i32
      %get3A_383 = arith.index_cast %mul3A_382 : i32 to index
      %get3A_384 = tpu.vector_load %arg8[%get3A_383] {strides = array<i32>} : memref<12800xi32, #tpu.memory_space<vmem>>, vector<16xi32>,
      %bitcast3A_385 = vector.bitcast %get3A_384 : vector<16xi32> to vector<16xf32>
      %add3A_386 = arith.constant 0 : i32
      %add3A_387 = arith.addi %add3A_386, %scan3A_208 : i32
      %get3A_388 = arith.index_cast %add3A_387 : i32 to index
      %get3A_389 = arith.constant 48 : index
      %get3A_390 = tpu.vector_load %arg6[%get3A_388, %get3A_389] {strides = array<i32>} : memref<800x64xf32, #tpu.memory_space<vmem>>, vector<16xf32>,
      %mul3A_391 = arith.constant 8.000000e+00 : f32
      %mul3A_392 = vector.broadcast %mul3A_391 : f32 to vector<16xf32>
      %mul3A_393 = arith.mulf %get3A_390, %mul3A_392 : vector<16xf32>
      %add3A_394 = arith.addf %mul3A_393, %bitcast3A_385 : vector<16xf32>
      %swap3A_395 = arith.index_cast %add3A_387 : i32 to index
      %swap3A_396 = arith.constant 48 : index
      %swap3A_397 = tpu.vector_load %arg6[%swap3A_395, %swap3A_396] {strides = array<i32>} : memref<800x64xf32, #tpu.memory_space<vmem>>, vector<16xf32>,
      tpu.vector_store %arg6[%swap3A_395, %swap3A_396], %add3A_394 {strides = array<i32>} : memref<800x64xf32, #tpu.memory_space<vmem>>, vector<16xf32>,
      %add3A_398 = arith.constant 200 : i32
      %add3A_399 = arith.addi %add3A_398, %scan3A_208 : i32
      %get3A_400 = arith.index_cast %add3A_399 : i32 to index
      %get3A_401 = arith.constant 48 : index
      %get3A_402 = tpu.vector_load %arg6[%get3A_400, %get3A_401] {strides = array<i32>} : memref<800x64xf32, #tpu.memory_space<vmem>>, vector<16xf32>,
      %mul3A_403 = arith.constant 8.000000e+00 : f32
      %mul3A_404 = vector.broadcast %mul3A_403 : f32 to vector<16xf32>
      %mul3A_405 = arith.mulf %get3A_402, %mul3A_404 : vector<16xf32>
      %add3A_406 = arith.addf %mul3A_405, %bitcast3A_385 : vector<16xf32>
      %swap3A_407 = arith.index_cast %add3A_399 : i32 to index
      %swap3A_408 = arith.constant 48 : index
      %swap3A_409 = tpu.vector_load %arg6[%swap3A_407, %swap3A_408] {strides = array<i32>} : memref<800x64xf32, #tpu.memory_space<vmem>>, vector<16xf32>,
      tpu.vector_store %arg6[%swap3A_407, %swap3A_408], %add3A_406 {strides = array<i32>} : memref<800x64xf32, #tpu.memory_space<vmem>>, vector<16xf32>,
      %add3A_410 = arith.constant 400 : i32
      %add3A_411 = arith.addi %add3A_410, %scan3A_208 : i32
      %get3A_412 = arith.index_cast %add3A_411 : i32 to index
      %get3A_413 = arith.constant 48 : index
      %get3A_414 = tpu.vector_load %arg6[%get3A_412, %get3A_413] {strides = array<i32>} : memref<800x64xf32, #tpu.memory_space<vmem>>, vector<16xf32>,
      %mul3A_415 = arith.constant 8.000000e+00 : f32
      %mul3A_416 = vector.broadcast %mul3A_415 : f32 to vector<16xf32>
      %mul3A_417 = arith.mulf %get3A_414, %mul3A_416 : vector<16xf32>
      %add3A_418 = arith.addf %mul3A_417, %bitcast3A_385 : vector<16xf32>
      %swap3A_419 = arith.index_cast %add3A_411 : i32 to index
      %swap3A_420 = arith.constant 48 : index
      %swap3A_421 = tpu.vector_load %arg6[%swap3A_419, %swap3A_420] {strides = array<i32>} : memref<800x64xf32, #tpu.memory_space<vmem>>, vector<16xf32>,
      tpu.vector_store %arg6[%swap3A_419, %swap3A_420], %add3A_418 {strides = array<i32>} : memref<800x64xf32, #tpu.memory_space<vmem>>, vector<16xf32>,
      %add3A_422 = arith.constant 600 : i32
      %add3A_423 = arith.addi %add3A_422, %scan3A_208 : i32
      %get3A_424 = arith.index_cast %add3A_423 : i32 to index
      %get3A_425 = arith.constant 48 : index
      %get3A_426 = tpu.vector_load %arg6[%get3A_424, %get3A_425] {strides = array<i32>} : memref<800x64xf32, #tpu.memory_space<vmem>>, vector<16xf32>,
      %mul3A_427 = arith.constant 8.000000e+00 : f32
      %mul3A_428 = vector.broadcast %mul3A_427 : f32 to vector<16xf32>
      %mul3A_429 = arith.mulf %get3A_426, %mul3A_428 : vector<16xf32>
      %add3A_430 = arith.addf %mul3A_429, %bitcast3A_385 : vector<16xf32>
      %swap3A_431 = arith.index_cast %add3A_423 : i32 to index
      %swap3A_432 = arith.constant 48 : index
      %swap3A_433 = tpu.vector_load %arg6[%swap3A_431, %swap3A_432] {strides = array<i32>} : memref<800x64xf32, #tpu.memory_space<vmem>>, vector<16xf32>,
      tpu.vector_store %arg6[%swap3A_431, %swap3A_432], %add3A_430 {strides = array<i32>} : memref<800x64xf32, #tpu.memory_space<vmem>>, vector<16xf32>,
    }
    %scan3A_72 = arith.constant 200 : i32
    %add3A_73 = arith.constant 1600 : i32
    %add3A_74 = arith.addi %mul3A_2, %add3A_73 : i32
    %dma_start3A_75 = arith.constant 0 : i32
    %dma_start3A_76 = tpu.memref_slice %arg4[%add3A_74, %dma_start3A_75] : memref<204800x128xf32, #tpu.memory_space<hbm>> -> memref<800x64xf32, #tpu.memory_space<hbm>>
    %dma_start3A_77 = arith.constant 0 : i32
    %dma_start3A_78 = tpu.memref_slice %arg4[%add3A_74, %dma_start3A_77] : memref<204800x128xf32, #tpu.memory_space<hbm>> -> memref<800x64xf32, #tpu.memory_space<hbm>>
    tpu.enqueue_dma source(%arg6 : memref<800x64xf32, #tpu.memory_space<vmem>>) target(%dma_start3A_78 : memref<800x64xf32, #tpu.memory_space<hbm>>) target_semaphore(%arg10 : memref<!tpu.dma_semaphore, #tpu.memory_space<semaphore_mem>>)
    %dma_wait3A_79 = arith.constant 2400 : i32
    %dma_wait3A_80 = tpu.memref_slice %arg5[%dma_wait3A_79] : memref<6400xi32, #tpu.memory_space<vmem>> -> memref<800xi32, #tpu.memory_space<vmem>>
    %dma_wait3A_81 = arith.constant 0 : i32
    %dma_wait3A_82 = arith.constant 0 : i32
    %dma_wait3A_83 = tpu.memref_slice %arg3[%dma_wait3A_81, %dma_wait3A_82] : memref<100000x64xf32, #tpu.memory_space<hbm>> -> memref<100000x64xf32, #tpu.memory_space<hbm>>
    tpu.wait_indirect_dma semaphore(%arg9 : memref<!tpu.dma_semaphore, #tpu.memory_space<semaphore_mem>>) src(%dma_wait3A_83 : memref<100000x64xf32, #tpu.memory_space<hbm>>) dst(%arg7 : memref<800x64xf32, #tpu.memory_space<vmem>>)
    %dma_wait3A_84 = arith.constant 0 : i32
    %dma_wait3A_85 = tpu.memref_slice %arg4[%add3A_74, %dma_wait3A_84] : memref<204800x128xf32, #tpu.memory_space<hbm>> -> memref<800x64xf32, #tpu.memory_space<hbm>>
    %dma_wait3A_86 = arith.constant 0 : i32
    %dma_wait3A_87 = tpu.memref_slice %arg4[%add3A_74, %dma_wait3A_86] : memref<204800x128xf32, #tpu.memory_space<hbm>> -> memref<800x64xf32, #tpu.memory_space<hbm>>
    tpu.wait_dma2 semaphore(%arg10 : memref<!tpu.dma_semaphore, #tpu.memory_space<semaphore_mem>>) src(%arg6 : memref<800x64xf32, #tpu.memory_space<vmem>>) dst(%dma_wait3A_87 : memref<800x64xf32, #tpu.memory_space<hbm>>)
    %dma_start3A_88 = arith.constant 3200 : i32
    %dma_start3A_89 = tpu.memref_slice %arg5[%dma_start3A_88] : memref<6400xi32, #tpu.memory_space<vmem>> -> memref<800xi32, #tpu.memory_space<vmem>>
    %dma_start3A_90 = arith.constant 0 : i32
    %dma_start3A_91 = arith.constant 0 : i32
    %dma_start3A_92 = tpu.memref_slice %arg3[%dma_start3A_90, %dma_start3A_91] : memref<100000x64xf32, #tpu.memory_space<hbm>> -> memref<100000x64xf32, #tpu.memory_space<hbm>>
    tpu.enqueue_indirect_dma source(%dma_start3A_92 : memref<100000x64xf32, #tpu.memory_space<hbm>>) target(%arg6 : memref<800x64xf32, #tpu.memory_space<vmem>>) offsets(%dma_start3A_89 : memref<800xi32, #tpu.memory_space<vmem>>) semaphore(%arg9 : memref<!tpu.dma_semaphore, #tpu.memory_space<semaphore_mem>>)
    %scan3A_93 = arith.constant 0 : i32
    %scan3A_94 = arith.constant 0 : i32
    %scan3A_95 = arith.constant 200 : i32
    %scan3A_96 = arith.addi %scan3A_94, %scan3A_95 : i32
    %scan3A_97 = arith.constant 1 : i32
    scf.for %scan3A_208 = %scan3A_94 to %scan3A_96 step %scan3A_97  : i32 {
      %mul3A_209 = arith.constant 4 : i32
      %mul3A_210 = arith.muli %scan3A_208, %mul3A_209 : i32
      %add3A_211 = arith.constant 0 : i32
      %add3A_212 = arith.addi %mul3A_210, %add3A_211 : i32
      %mul3A_213 = arith.constant 16 : i32
      %mul3A_214 = arith.muli %add3A_212, %mul3A_213 : i32
      %get3A = arith.index_cast %mul3A_214 : i32 to index
      %get3A_215 = tpu.vector_load %arg8[%get3A] {strides = array<i32>} : memref<12800xi32, #tpu.memory_space<vmem>>, vector<16xi32>,
      %bitcast3A = vector.bitcast %get3A_215 : vector<16xi32> to vector<16xf32>
      %add3A_216 = arith.constant 0 : i32
      %add3A_217 = arith.addi %add3A_216, %scan3A_208 : i32
      %get3A_218 = arith.index_cast %add3A_217 : i32 to index
      %get3A_219 = arith.constant 0 : index
      %get3A_220 = tpu.vector_load %arg7[%get3A_218, %get3A_219] {strides = array<i32>} : memref<800x64xf32, #tpu.memory_space<vmem>>, vector<16xf32>,
      %mul3A_221 = arith.constant 8.000000e+00 : f32
      %mul3A_222 = vector.broadcast %mul3A_221 : f32 to vector<16xf32>
      %mul3A_223 = arith.mulf %get3A_220, %mul3A_222 : vector<16xf32>
      %add3A_224 = arith.addf %mul3A_223, %bitcast3A : vector<16xf32>
      %swap3A = arith.index_cast %add3A_217 : i32 to index
      %swap3A_225 = arith.constant 0 : index
      %swap3A_226 = tpu.vector_load %arg7[%swap3A, %swap3A_225] {strides = array<i32>} : memref<800x64xf32, #tpu.memory_space<vmem>>, vector<16xf32>,
      tpu.vector_store %arg7[%swap3A, %swap3A_225], %add3A_224 {strides = array<i32>} : memref<800x64xf32, #tpu.memory_space<vmem>>, vector<16xf32>,
      %add3A_227 = arith.constant 200 : i32
      %add3A_228 = arith.addi %add3A_227, %scan3A_208 : i32
      %get3A_229 = arith.index_cast %add3A_228 : i32 to index
      %get3A_230 = arith.constant 0 : index
      %get3A_231 = tpu.vector_load %arg7[%get3A_229, %get3A_230] {strides = array<i32>} : memref<800x64xf32, #tpu.memory_space<vmem>>, vector<16xf32>,
      %mul3A_232 = arith.constant 8.000000e+00 : f32
      %mul3A_233 = vector.broadcast %mul3A_232 : f32 to vector<16xf32>
      %mul3A_234 = arith.mulf %get3A_231, %mul3A_233 : vector<16xf32>
      %add3A_235 = arith.addf %mul3A_234, %bitcast3A : vector<16xf32>
      %swap3A_236 = arith.index_cast %add3A_228 : i32 to index
      %swap3A_237 = arith.constant 0 : index
      %swap3A_238 = tpu.vector_load %arg7[%swap3A_236, %swap3A_237] {strides = array<i32>} : memref<800x64xf32, #tpu.memory_space<vmem>>, vector<16xf32>,
      tpu.vector_store %arg7[%swap3A_236, %swap3A_237], %add3A_235 {strides = array<i32>} : memref<800x64xf32, #tpu.memory_space<vmem>>, vector<16xf32>,
      %add3A_239 = arith.constant 400 : i32
      %add3A_240 = arith.addi %add3A_239, %scan3A_208 : i32
      %get3A_241 = arith.index_cast %add3A_240 : i32 to index
      %get3A_242 = arith.constant 0 : index
      %get3A_243 = tpu.vector_load %arg7[%get3A_241, %get3A_242] {strides = array<i32>} : memref<800x64xf32, #tpu.memory_space<vmem>>, vector<16xf32>,
      %mul3A_244 = arith.constant 8.000000e+00 : f32
      %mul3A_245 = vector.broadcast %mul3A_244 : f32 to vector<16xf32>
      %mul3A_246 = arith.mulf %get3A_243, %mul3A_245 : vector<16xf32>
      %add3A_247 = arith.addf %mul3A_246, %bitcast3A : vector<16xf32>
      %swap3A_248 = arith.index_cast %add3A_240 : i32 to index
      %swap3A_249 = arith.constant 0 : index
      %swap3A_250 = tpu.vector_load %arg7[%swap3A_248, %swap3A_249] {strides = array<i32>} : memref<800x64xf32, #tpu.memory_space<vmem>>, vector<16xf32>,
      tpu.vector_store %arg7[%swap3A_248, %swap3A_249], %add3A_247 {strides = array<i32>} : memref<800x64xf32, #tpu.memory_space<vmem>>, vector<16xf32>,
      %add3A_251 = arith.constant 600 : i32
      %add3A_252 = arith.addi %add3A_251, %scan3A_208 : i32
      %get3A_253 = arith.index_cast %add3A_252 : i32 to index
      %get3A_254 = arith.constant 0 : index
      %get3A_255 = tpu.vector_load %arg7[%get3A_253, %get3A_254] {strides = array<i32>} : memref<800x64xf32, #tpu.memory_space<vmem>>, vector<16xf32>,
      %mul3A_256 = arith.constant 8.000000e+00 : f32
      %mul3A_257 = vector.broadcast %mul3A_256 : f32 to vector<16xf32>
      %mul3A_258 = arith.mulf %get3A_255, %mul3A_257 : vector<16xf32>
      %add3A_259 = arith.addf %mul3A_258, %bitcast3A : vector<16xf32>
      %swap3A_260 = arith.index_cast %add3A_252 : i32 to index
      %swap3A_261 = arith.constant 0 : index
      %swap3A_262 = tpu.vector_load %arg7[%swap3A_260, %swap3A_261] {strides = array<i32>} : memref<800x64xf32, #tpu.memory_space<vmem>>, vector<16xf32>,
      tpu.vector_store %arg7[%swap3A_260, %swap3A_261], %add3A_259 {strides = array<i32>} : memref<800x64xf32, #tpu.memory_space<vmem>>, vector<16xf32>,
      %mul3A_263 = arith.constant 4 : i32
      %mul3A_264 = arith.muli %scan3A_208, %mul3A_263 : i32
      %add3A_265 = arith.constant 1 : i32
      %add3A_266 = arith.addi %mul3A_264, %add3A_265 : i32
      %mul3A_267 = arith.constant 16 : i32
      %mul3A_268 = arith.muli %add3A_266, %mul3A_267 : i32
      %get3A_269 = arith.index_cast %mul3A_268 : i32 to index
      %get3A_270 = tpu.vector_load %arg8[%get3A_269] {strides = array<i32>} : memref<12800xi32, #tpu.memory_space<vmem>>, vector<16xi32>,
      %bitcast3A_271 = vector.bitcast %get3A_270 : vector<16xi32> to vector<16xf32>
      %add3A_272 = arith.constant 0 : i32
      %add3A_273 = arith.addi %add3A_272, %scan3A_208 : i32
      %get3A_274 = arith.index_cast %add3A_273 : i32 to index
      %get3A_275 = arith.constant 16 : index
      %get3A_276 = tpu.vector_load %arg7[%get3A_274, %get3A_275] {strides = array<i32>} : memref<800x64xf32, #tpu.memory_space<vmem>>, vector<16xf32>,
      %mul3A_277 = arith.constant 8.000000e+00 : f32
      %mul3A_278 = vector.broadcast %mul3A_277 : f32 to vector<16xf32>
      %mul3A_279 = arith.mulf %get3A_276, %mul3A_278 : vector<16xf32>
      %add3A_280 = arith.addf %mul3A_279, %bitcast3A_271 : vector<16xf32>
      %swap3A_281 = arith.index_cast %add3A_273 : i32 to index
      %swap3A_282 = arith.constant 16 : index
      %swap3A_283 = tpu.vector_load %arg7[%swap3A_281, %swap3A_282] {strides = array<i32>} : memref<800x64xf32, #tpu.memory_space<vmem>>, vector<16xf32>,
      tpu.vector_store %arg7[%swap3A_281, %swap3A_282], %add3A_280 {strides = array<i32>} : memref<800x64xf32, #tpu.memory_space<vmem>>, vector<16xf32>,
      %add3A_284 = arith.constant 200 : i32
      %add3A_285 = arith.addi %add3A_284, %scan3A_208 : i32
      %get3A_286 = arith.index_cast %add3A_285 : i32 to index
      %get3A_287 = arith.constant 16 : index
      %get3A_288 = tpu.vector_load %arg7[%get3A_286, %get3A_287] {strides = array<i32>} : memref<800x64xf32, #tpu.memory_space<vmem>>, vector<16xf32>,
      %mul3A_289 = arith.constant 8.000000e+00 : f32
      %mul3A_290 = vector.broadcast %mul3A_289 : f32 to vector<16xf32>
      %mul3A_291 = arith.mulf %get3A_288, %mul3A_290 : vector<16xf32>
      %add3A_292 = arith.addf %mul3A_291, %bitcast3A_271 : vector<16xf32>
      %swap3A_293 = arith.index_cast %add3A_285 : i32 to index
      %swap3A_294 = arith.constant 16 : index
      %swap3A_295 = tpu.vector_load %arg7[%swap3A_293, %swap3A_294] {strides = array<i32>} : memref<800x64xf32, #tpu.memory_space<vmem>>, vector<16xf32>,
      tpu.vector_store %arg7[%swap3A_293, %swap3A_294], %add3A_292 {strides = array<i32>} : memref<800x64xf32, #tpu.memory_space<vmem>>, vector<16xf32>,
      %add3A_296 = arith.constant 400 : i32
      %add3A_297 = arith.addi %add3A_296, %scan3A_208 : i32
      %get3A_298 = arith.index_cast %add3A_297 : i32 to index
      %get3A_299 = arith.constant 16 : index
      %get3A_300 = tpu.vector_load %arg7[%get3A_298, %get3A_299] {strides = array<i32>} : memref<800x64xf32, #tpu.memory_space<vmem>>, vector<16xf32>,
      %mul3A_301 = arith.constant 8.000000e+00 : f32
      %mul3A_302 = vector.broadcast %mul3A_301 : f32 to vector<16xf32>
      %mul3A_303 = arith.mulf %get3A_300, %mul3A_302 : vector<16xf32>
      %add3A_304 = arith.addf %mul3A_303, %bitcast3A_271 : vector<16xf32>
      %swap3A_305 = arith.index_cast %add3A_297 : i32 to index
      %swap3A_306 = arith.constant 16 : index
      %swap3A_307 = tpu.vector_load %arg7[%swap3A_305, %swap3A_306] {strides = array<i32>} : memref<800x64xf32, #tpu.memory_space<vmem>>, vector<16xf32>,
      tpu.vector_store %arg7[%swap3A_305, %swap3A_306], %add3A_304 {strides = array<i32>} : memref<800x64xf32, #tpu.memory_space<vmem>>, vector<16xf32>,
      %add3A_308 = arith.constant 600 : i32
      %add3A_309 = arith.addi %add3A_308, %scan3A_208 : i32
      %get3A_310 = arith.index_cast %add3A_309 : i32 to index
      %get3A_311 = arith.constant 16 : index
      %get3A_312 = tpu.vector_load %arg7[%get3A_310, %get3A_311] {strides = array<i32>} : memref<800x64xf32, #tpu.memory_space<vmem>>, vector<16xf32>,
      %mul3A_313 = arith.constant 8.000000e+00 : f32
      %mul3A_314 = vector.broadcast %mul3A_313 : f32 to vector<16xf32>
      %mul3A_315 = arith.mulf %get3A_312, %mul3A_314 : vector<16xf32>
      %add3A_316 = arith.addf %mul3A_315, %bitcast3A_271 : vector<16xf32>
      %swap3A_317 = arith.index_cast %add3A_309 : i32 to index
      %swap3A_318 = arith.constant 16 : index
      %swap3A_319 = tpu.vector_load %arg7[%swap3A_317, %swap3A_318] {strides = array<i32>} : memref<800x64xf32, #tpu.memory_space<vmem>>, vector<16xf32>,
      tpu.vector_store %arg7[%swap3A_317, %swap3A_318], %add3A_316 {strides = array<i32>} : memref<800x64xf32, #tpu.memory_space<vmem>>, vector<16xf32>,
      %mul3A_320 = arith.constant 4 : i32
      %mul3A_321 = arith.muli %scan3A_208, %mul3A_320 : i32
      %add3A_322 = arith.constant 2 : i32
      %add3A_323 = arith.addi %mul3A_321, %add3A_322 : i32
      %mul3A_324 = arith.constant 16 : i32
      %mul3A_325 = arith.muli %add3A_323, %mul3A_324 : i32
      %get3A_326 = arith.index_cast %mul3A_325 : i32 to index
      %get3A_327 = tpu.vector_load %arg8[%get3A_326] {strides = array<i32>} : memref<12800xi32, #tpu.memory_space<vmem>>, vector<16xi32>,
      %bitcast3A_328 = vector.bitcast %get3A_327 : vector<16xi32> to vector<16xf32>
      %add3A_329 = arith.constant 0 : i32
      %add3A_330 = arith.addi %add3A_329, %scan3A_208 : i32
      %get3A_331 = arith.index_cast %add3A_330 : i32 to index
      %get3A_332 = arith.constant 32 : index
      %get3A_333 = tpu.vector_load %arg7[%get3A_331, %get3A_332] {strides = array<i32>} : memref<800x64xf32, #tpu.memory_space<vmem>>, vector<16xf32>,
      %mul3A_334 = arith.constant 8.000000e+00 : f32
      %mul3A_335 = vector.broadcast %mul3A_334 : f32 to vector<16xf32>
      %mul3A_336 = arith.mulf %get3A_333, %mul3A_335 : vector<16xf32>
      %add3A_337 = arith.addf %mul3A_336, %bitcast3A_328 : vector<16xf32>
      %swap3A_338 = arith.index_cast %add3A_330 : i32 to index
      %swap3A_339 = arith.constant 32 : index
      %swap3A_340 = tpu.vector_load %arg7[%swap3A_338, %swap3A_339] {strides = array<i32>} : memref<800x64xf32, #tpu.memory_space<vmem>>, vector<16xf32>,
      tpu.vector_store %arg7[%swap3A_338, %swap3A_339], %add3A_337 {strides = array<i32>} : memref<800x64xf32, #tpu.memory_space<vmem>>, vector<16xf32>,
      %add3A_341 = arith.constant 200 : i32
      %add3A_342 = arith.addi %add3A_341, %scan3A_208 : i32
      %get3A_343 = arith.index_cast %add3A_342 : i32 to index
      %get3A_344 = arith.constant 32 : index
      %get3A_345 = tpu.vector_load %arg7[%get3A_343, %get3A_344] {strides = array<i32>} : memref<800x64xf32, #tpu.memory_space<vmem>>, vector<16xf32>,
      %mul3A_346 = arith.constant 8.000000e+00 : f32
      %mul3A_347 = vector.broadcast %mul3A_346 : f32 to vector<16xf32>
      %mul3A_348 = arith.mulf %get3A_345, %mul3A_347 : vector<16xf32>
      %add3A_349 = arith.addf %mul3A_348, %bitcast3A_328 : vector<16xf32>
      %swap3A_350 = arith.index_cast %add3A_342 : i32 to index
      %swap3A_351 = arith.constant 32 : index
      %swap3A_352 = tpu.vector_load %arg7[%swap3A_350, %swap3A_351] {strides = array<i32>} : memref<800x64xf32, #tpu.memory_space<vmem>>, vector<16xf32>,
      tpu.vector_store %arg7[%swap3A_350, %swap3A_351], %add3A_349 {strides = array<i32>} : memref<800x64xf32, #tpu.memory_space<vmem>>, vector<16xf32>,
      %add3A_353 = arith.constant 400 : i32
      %add3A_354 = arith.addi %add3A_353, %scan3A_208 : i32
      %get3A_355 = arith.index_cast %add3A_354 : i32 to index
      %get3A_356 = arith.constant 32 : index
      %get3A_357 = tpu.vector_load %arg7[%get3A_355, %get3A_356] {strides = array<i32>} : memref<800x64xf32, #tpu.memory_space<vmem>>, vector<16xf32>,
      %mul3A_358 = arith.constant 8.000000e+00 : f32
      %mul3A_359 = vector.broadcast %mul3A_358 : f32 to vector<16xf32>
      %mul3A_360 = arith.mulf %get3A_357, %mul3A_359 : vector<16xf32>
      %add3A_361 = arith.addf %mul3A_360, %bitcast3A_328 : vector<16xf32>
      %swap3A_362 = arith.index_cast %add3A_354 : i32 to index
      %swap3A_363 = arith.constant 32 : index
      %swap3A_364 = tpu.vector_load %arg7[%swap3A_362, %swap3A_363] {strides = array<i32>} : memref<800x64xf32, #tpu.memory_space<vmem>>, vector<16xf32>,
      tpu.vector_store %arg7[%swap3A_362, %swap3A_363], %add3A_361 {strides = array<i32>} : memref<800x64xf32, #tpu.memory_space<vmem>>, vector<16xf32>,
      %add3A_365 = arith.constant 600 : i32
      %add3A_366 = arith.addi %add3A_365, %scan3A_208 : i32
      %get3A_367 = arith.index_cast %add3A_366 : i32 to index
      %get3A_368 = arith.constant 32 : index
      %get3A_369 = tpu.vector_load %arg7[%get3A_367, %get3A_368] {strides = array<i32>} : memref<800x64xf32, #tpu.memory_space<vmem>>, vector<16xf32>,
      %mul3A_370 = arith.constant 8.000000e+00 : f32
      %mul3A_371 = vector.broadcast %mul3A_370 : f32 to vector<16xf32>
      %mul3A_372 = arith.mulf %get3A_369, %mul3A_371 : vector<16xf32>
      %add3A_373 = arith.addf %mul3A_372, %bitcast3A_328 : vector<16xf32>
      %swap3A_374 = arith.index_cast %add3A_366 : i32 to index
      %swap3A_375 = arith.constant 32 : index
      %swap3A_376 = tpu.vector_load %arg7[%swap3A_374, %swap3A_375] {strides = array<i32>} : memref<800x64xf32, #tpu.memory_space<vmem>>, vector<16xf32>,
      tpu.vector_store %arg7[%swap3A_374, %swap3A_375], %add3A_373 {strides = array<i32>} : memref<800x64xf32, #tpu.memory_space<vmem>>, vector<16xf32>,
      %mul3A_377 = arith.constant 4 : i32
      %mul3A_378 = arith.muli %scan3A_208, %mul3A_377 : i32
      %add3A_379 = arith.constant 3 : i32
      %add3A_380 = arith.addi %mul3A_378, %add3A_379 : i32
      %mul3A_381 = arith.constant 16 : i32
      %mul3A_382 = arith.muli %add3A_380, %mul3A_381 : i32
      %get3A_383 = arith.index_cast %mul3A_382 : i32 to index
      %get3A_384 = tpu.vector_load %arg8[%get3A_383] {strides = array<i32>} : memref<12800xi32, #tpu.memory_space<vmem>>, vector<16xi32>,
      %bitcast3A_385 = vector.bitcast %get3A_384 : vector<16xi32> to vector<16xf32>
      %add3A_386 = arith.constant 0 : i32
      %add3A_387 = arith.addi %add3A_386, %scan3A_208 : i32
      %get3A_388 = arith.index_cast %add3A_387 : i32 to index
      %get3A_389 = arith.constant 48 : index
      %get3A_390 = tpu.vector_load %arg7[%get3A_388, %get3A_389] {strides = array<i32>} : memref<800x64xf32, #tpu.memory_space<vmem>>, vector<16xf32>,
      %mul3A_391 = arith.constant 8.000000e+00 : f32
      %mul3A_392 = vector.broadcast %mul3A_391 : f32 to vector<16xf32>
      %mul3A_393 = arith.mulf %get3A_390, %mul3A_392 : vector<16xf32>
      %add3A_394 = arith.addf %mul3A_393, %bitcast3A_385 : vector<16xf32>
      %swap3A_395 = arith.index_cast %add3A_387 : i32 to index
      %swap3A_396 = arith.constant 48 : index
      %swap3A_397 = tpu.vector_load %arg7[%swap3A_395, %swap3A_396] {strides = array<i32>} : memref<800x64xf32, #tpu.memory_space<vmem>>, vector<16xf32>,
      tpu.vector_store %arg7[%swap3A_395, %swap3A_396], %add3A_394 {strides = array<i32>} : memref<800x64xf32, #tpu.memory_space<vmem>>, vector<16xf32>,
      %add3A_398 = arith.constant 200 : i32
      %add3A_399 = arith.addi %add3A_398, %scan3A_208 : i32
      %get3A_400 = arith.index_cast %add3A_399 : i32 to index
      %get3A_401 = arith.constant 48 : index
      %get3A_402 = tpu.vector_load %arg7[%get3A_400, %get3A_401] {strides = array<i32>} : memref<800x64xf32, #tpu.memory_space<vmem>>, vector<16xf32>,
      %mul3A_403 = arith.constant 8.000000e+00 : f32
      %mul3A_404 = vector.broadcast %mul3A_403 : f32 to vector<16xf32>
      %mul3A_405 = arith.mulf %get3A_402, %mul3A_404 : vector<16xf32>
      %add3A_406 = arith.addf %mul3A_405, %bitcast3A_385 : vector<16xf32>
      %swap3A_407 = arith.index_cast %add3A_399 : i32 to index
      %swap3A_408 = arith.constant 48 : index
      %swap3A_409 = tpu.vector_load %arg7[%swap3A_407, %swap3A_408] {strides = array<i32>} : memref<800x64xf32, #tpu.memory_space<vmem>>, vector<16xf32>,
      tpu.vector_store %arg7[%swap3A_407, %swap3A_408], %add3A_406 {strides = array<i32>} : memref<800x64xf32, #tpu.memory_space<vmem>>, vector<16xf32>,
      %add3A_410 = arith.constant 400 : i32
      %add3A_411 = arith.addi %add3A_410, %scan3A_208 : i32
      %get3A_412 = arith.index_cast %add3A_411 : i32 to index
      %get3A_413 = arith.constant 48 : index
      %get3A_414 = tpu.vector_load %arg7[%get3A_412, %get3A_413] {strides = array<i32>} : memref<800x64xf32, #tpu.memory_space<vmem>>, vector<16xf32>,
      %mul3A_415 = arith.constant 8.000000e+00 : f32
      %mul3A_416 = vector.broadcast %mul3A_415 : f32 to vector<16xf32>
      %mul3A_417 = arith.mulf %get3A_414, %mul3A_416 : vector<16xf32>
      %add3A_418 = arith.addf %mul3A_417, %bitcast3A_385 : vector<16xf32>
      %swap3A_419 = arith.index_cast %add3A_411 : i32 to index
      %swap3A_420 = arith.constant 48 : index
      %swap3A_421 = tpu.vector_load %arg7[%swap3A_419, %swap3A_420] {strides = array<i32>} : memref<800x64xf32, #tpu.memory_space<vmem>>, vector<16xf32>,
      tpu.vector_store %arg7[%swap3A_419, %swap3A_420], %add3A_418 {strides = array<i32>} : memref<800x64xf32, #tpu.memory_space<vmem>>, vector<16xf32>,
      %add3A_422 = arith.constant 600 : i32
      %add3A_423 = arith.addi %add3A_422, %scan3A_208 : i32
      %get3A_424 = arith.index_cast %add3A_423 : i32 to index
      %get3A_425 = arith.constant 48 : index
      %get3A_426 = tpu.vector_load %arg7[%get3A_424, %get3A_425] {strides = array<i32>} : memref<800x64xf32, #tpu.memory_space<vmem>>, vector<16xf32>,
      %mul3A_427 = arith.constant 8.000000e+00 : f32
      %mul3A_428 = vector.broadcast %mul3A_427 : f32 to vector<16xf32>
      %mul3A_429 = arith.mulf %get3A_426, %mul3A_428 : vector<16xf32>
      %add3A_430 = arith.addf %mul3A_429, %bitcast3A_385 : vector<16xf32>
      %swap3A_431 = arith.index_cast %add3A_423 : i32 to index
      %swap3A_432 = arith.constant 48 : index
      %swap3A_433 = tpu.vector_load %arg7[%swap3A_431, %swap3A_432] {strides = array<i32>} : memref<800x64xf32, #tpu.memory_space<vmem>>, vector<16xf32>,
      tpu.vector_store %arg7[%swap3A_431, %swap3A_432], %add3A_430 {strides = array<i32>} : memref<800x64xf32, #tpu.memory_space<vmem>>, vector<16xf32>,
    }
    %scan3A_98 = arith.constant 200 : i32
    %add3A_99 = arith.constant 2400 : i32
    %add3A_100 = arith.addi %mul3A_2, %add3A_99 : i32
    %dma_start3A_101 = arith.constant 0 : i32
    %dma_start3A_102 = tpu.memref_slice %arg4[%add3A_100, %dma_start3A_101] : memref<204800x128xf32, #tpu.memory_space<hbm>> -> memref<800x64xf32, #tpu.memory_space<hbm>>
    %dma_start3A_103 = arith.constant 0 : i32
    %dma_start3A_104 = tpu.memref_slice %arg4[%add3A_100, %dma_start3A_103] : memref<204800x128xf32, #tpu.memory_space<hbm>> -> memref<800x64xf32, #tpu.memory_space<hbm>>
    tpu.enqueue_dma source(%arg7 : memref<800x64xf32, #tpu.memory_space<vmem>>) target(%dma_start3A_104 : memref<800x64xf32, #tpu.memory_space<hbm>>) target_semaphore(%arg10 : memref<!tpu.dma_semaphore, #tpu.memory_space<semaphore_mem>>)
    %dma_wait3A_105 = arith.constant 3200 : i32
    %dma_wait3A_106 = tpu.memref_slice %arg5[%dma_wait3A_105] : memref<6400xi32, #tpu.memory_space<vmem>> -> memref<800xi32, #tpu.memory_space<vmem>>
    %dma_wait3A_107 = arith.constant 0 : i32
    %dma_wait3A_108 = arith.constant 0 : i32
    %dma_wait3A_109 = tpu.memref_slice %arg3[%dma_wait3A_107, %dma_wait3A_108] : memref<100000x64xf32, #tpu.memory_space<hbm>> -> memref<100000x64xf32, #tpu.memory_space<hbm>>
    tpu.wait_indirect_dma semaphore(%arg9 : memref<!tpu.dma_semaphore, #tpu.memory_space<semaphore_mem>>) src(%dma_wait3A_109 : memref<100000x64xf32, #tpu.memory_space<hbm>>) dst(%arg6 : memref<800x64xf32, #tpu.memory_space<vmem>>)
    %dma_wait3A_110 = arith.constant 0 : i32
    %dma_wait3A_111 = tpu.memref_slice %arg4[%add3A_100, %dma_wait3A_110] : memref<204800x128xf32, #tpu.memory_space<hbm>> -> memref<800x64xf32, #tpu.memory_space<hbm>>
    %dma_wait3A_112 = arith.constant 0 : i32
    %dma_wait3A_113 = tpu.memref_slice %arg4[%add3A_100, %dma_wait3A_112] : memref<204800x128xf32, #tpu.memory_space<hbm>> -> memref<800x64xf32, #tpu.memory_space<hbm>>
    tpu.wait_dma2 semaphore(%arg10 : memref<!tpu.dma_semaphore, #tpu.memory_space<semaphore_mem>>) src(%arg7 : memref<800x64xf32, #tpu.memory_space<vmem>>) dst(%dma_wait3A_113 : memref<800x64xf32, #tpu.memory_space<hbm>>)
    %dma_start3A_114 = arith.constant 4000 : i32
    %dma_start3A_115 = tpu.memref_slice %arg5[%dma_start3A_114] : memref<6400xi32, #tpu.memory_space<vmem>> -> memref<800xi32, #tpu.memory_space<vmem>>
    %dma_start3A_116 = arith.constant 0 : i32
    %dma_start3A_117 = arith.constant 0 : i32
    %dma_start3A_118 = tpu.memref_slice %arg3[%dma_start3A_116, %dma_start3A_117] : memref<100000x64xf32, #tpu.memory_space<hbm>> -> memref<100000x64xf32, #tpu.memory_space<hbm>>
    tpu.enqueue_indirect_dma source(%dma_start3A_118 : memref<100000x64xf32, #tpu.memory_space<hbm>>) target(%arg7 : memref<800x64xf32, #tpu.memory_space<vmem>>) offsets(%dma_start3A_115 : memref<800xi32, #tpu.memory_space<vmem>>) semaphore(%arg9 : memref<!tpu.dma_semaphore, #tpu.memory_space<semaphore_mem>>)
    %scan3A_119 = arith.constant 0 : i32
    %scan3A_120 = arith.constant 0 : i32
    %scan3A_121 = arith.constant 200 : i32
    %scan3A_122 = arith.addi %scan3A_120, %scan3A_121 : i32
    %scan3A_123 = arith.constant 1 : i32
    scf.for %scan3A_208 = %scan3A_120 to %scan3A_122 step %scan3A_123  : i32 {
      %mul3A_209 = arith.constant 4 : i32
      %mul3A_210 = arith.muli %scan3A_208, %mul3A_209 : i32
      %add3A_211 = arith.constant 0 : i32
      %add3A_212 = arith.addi %mul3A_210, %add3A_211 : i32
      %mul3A_213 = arith.constant 16 : i32
      %mul3A_214 = arith.muli %add3A_212, %mul3A_213 : i32
      %get3A = arith.index_cast %mul3A_214 : i32 to index
      %get3A_215 = tpu.vector_load %arg8[%get3A] {strides = array<i32>} : memref<12800xi32, #tpu.memory_space<vmem>>, vector<16xi32>,
      %bitcast3A = vector.bitcast %get3A_215 : vector<16xi32> to vector<16xf32>
      %add3A_216 = arith.constant 0 : i32
      %add3A_217 = arith.addi %add3A_216, %scan3A_208 : i32
      %get3A_218 = arith.index_cast %add3A_217 : i32 to index
      %get3A_219 = arith.constant 0 : index
      %get3A_220 = tpu.vector_load %arg6[%get3A_218, %get3A_219] {strides = array<i32>} : memref<800x64xf32, #tpu.memory_space<vmem>>, vector<16xf32>,
      %mul3A_221 = arith.constant 8.000000e+00 : f32
      %mul3A_222 = vector.broadcast %mul3A_221 : f32 to vector<16xf32>
      %mul3A_223 = arith.mulf %get3A_220, %mul3A_222 : vector<16xf32>
      %add3A_224 = arith.addf %mul3A_223, %bitcast3A : vector<16xf32>
      %swap3A = arith.index_cast %add3A_217 : i32 to index
      %swap3A_225 = arith.constant 0 : index
      %swap3A_226 = tpu.vector_load %arg6[%swap3A, %swap3A_225] {strides = array<i32>} : memref<800x64xf32, #tpu.memory_space<vmem>>, vector<16xf32>,
      tpu.vector_store %arg6[%swap3A, %swap3A_225], %add3A_224 {strides = array<i32>} : memref<800x64xf32, #tpu.memory_space<vmem>>, vector<16xf32>,
      %add3A_227 = arith.constant 200 : i32
      %add3A_228 = arith.addi %add3A_227, %scan3A_208 : i32
      %get3A_229 = arith.index_cast %add3A_228 : i32 to index
      %get3A_230 = arith.constant 0 : index
      %get3A_231 = tpu.vector_load %arg6[%get3A_229, %get3A_230] {strides = array<i32>} : memref<800x64xf32, #tpu.memory_space<vmem>>, vector<16xf32>,
      %mul3A_232 = arith.constant 8.000000e+00 : f32
      %mul3A_233 = vector.broadcast %mul3A_232 : f32 to vector<16xf32>
      %mul3A_234 = arith.mulf %get3A_231, %mul3A_233 : vector<16xf32>
      %add3A_235 = arith.addf %mul3A_234, %bitcast3A : vector<16xf32>
      %swap3A_236 = arith.index_cast %add3A_228 : i32 to index
      %swap3A_237 = arith.constant 0 : index
      %swap3A_238 = tpu.vector_load %arg6[%swap3A_236, %swap3A_237] {strides = array<i32>} : memref<800x64xf32, #tpu.memory_space<vmem>>, vector<16xf32>,
      tpu.vector_store %arg6[%swap3A_236, %swap3A_237], %add3A_235 {strides = array<i32>} : memref<800x64xf32, #tpu.memory_space<vmem>>, vector<16xf32>,
      %add3A_239 = arith.constant 400 : i32
      %add3A_240 = arith.addi %add3A_239, %scan3A_208 : i32
      %get3A_241 = arith.index_cast %add3A_240 : i32 to index
      %get3A_242 = arith.constant 0 : index
      %get3A_243 = tpu.vector_load %arg6[%get3A_241, %get3A_242] {strides = array<i32>} : memref<800x64xf32, #tpu.memory_space<vmem>>, vector<16xf32>,
      %mul3A_244 = arith.constant 8.000000e+00 : f32
      %mul3A_245 = vector.broadcast %mul3A_244 : f32 to vector<16xf32>
      %mul3A_246 = arith.mulf %get3A_243, %mul3A_245 : vector<16xf32>
      %add3A_247 = arith.addf %mul3A_246, %bitcast3A : vector<16xf32>
      %swap3A_248 = arith.index_cast %add3A_240 : i32 to index
      %swap3A_249 = arith.constant 0 : index
      %swap3A_250 = tpu.vector_load %arg6[%swap3A_248, %swap3A_249] {strides = array<i32>} : memref<800x64xf32, #tpu.memory_space<vmem>>, vector<16xf32>,
      tpu.vector_store %arg6[%swap3A_248, %swap3A_249], %add3A_247 {strides = array<i32>} : memref<800x64xf32, #tpu.memory_space<vmem>>, vector<16xf32>,
      %add3A_251 = arith.constant 600 : i32
      %add3A_252 = arith.addi %add3A_251, %scan3A_208 : i32
      %get3A_253 = arith.index_cast %add3A_252 : i32 to index
      %get3A_254 = arith.constant 0 : index
      %get3A_255 = tpu.vector_load %arg6[%get3A_253, %get3A_254] {strides = array<i32>} : memref<800x64xf32, #tpu.memory_space<vmem>>, vector<16xf32>,
      %mul3A_256 = arith.constant 8.000000e+00 : f32
      %mul3A_257 = vector.broadcast %mul3A_256 : f32 to vector<16xf32>
      %mul3A_258 = arith.mulf %get3A_255, %mul3A_257 : vector<16xf32>
      %add3A_259 = arith.addf %mul3A_258, %bitcast3A : vector<16xf32>
      %swap3A_260 = arith.index_cast %add3A_252 : i32 to index
      %swap3A_261 = arith.constant 0 : index
      %swap3A_262 = tpu.vector_load %arg6[%swap3A_260, %swap3A_261] {strides = array<i32>} : memref<800x64xf32, #tpu.memory_space<vmem>>, vector<16xf32>,
      tpu.vector_store %arg6[%swap3A_260, %swap3A_261], %add3A_259 {strides = array<i32>} : memref<800x64xf32, #tpu.memory_space<vmem>>, vector<16xf32>,
      %mul3A_263 = arith.constant 4 : i32
      %mul3A_264 = arith.muli %scan3A_208, %mul3A_263 : i32
      %add3A_265 = arith.constant 1 : i32
      %add3A_266 = arith.addi %mul3A_264, %add3A_265 : i32
      %mul3A_267 = arith.constant 16 : i32
      %mul3A_268 = arith.muli %add3A_266, %mul3A_267 : i32
      %get3A_269 = arith.index_cast %mul3A_268 : i32 to index
      %get3A_270 = tpu.vector_load %arg8[%get3A_269] {strides = array<i32>} : memref<12800xi32, #tpu.memory_space<vmem>>, vector<16xi32>,
      %bitcast3A_271 = vector.bitcast %get3A_270 : vector<16xi32> to vector<16xf32>
      %add3A_272 = arith.constant 0 : i32
      %add3A_273 = arith.addi %add3A_272, %scan3A_208 : i32
      %get3A_274 = arith.index_cast %add3A_273 : i32 to index
      %get3A_275 = arith.constant 16 : index
      %get3A_276 = tpu.vector_load %arg6[%get3A_274, %get3A_275] {strides = array<i32>} : memref<800x64xf32, #tpu.memory_space<vmem>>, vector<16xf32>,
      %mul3A_277 = arith.constant 8.000000e+00 : f32
      %mul3A_278 = vector.broadcast %mul3A_277 : f32 to vector<16xf32>
      %mul3A_279 = arith.mulf %get3A_276, %mul3A_278 : vector<16xf32>
      %add3A_280 = arith.addf %mul3A_279, %bitcast3A_271 : vector<16xf32>
      %swap3A_281 = arith.index_cast %add3A_273 : i32 to index
      %swap3A_282 = arith.constant 16 : index
      %swap3A_283 = tpu.vector_load %arg6[%swap3A_281, %swap3A_282] {strides = array<i32>} : memref<800x64xf32, #tpu.memory_space<vmem>>, vector<16xf32>,
      tpu.vector_store %arg6[%swap3A_281, %swap3A_282], %add3A_280 {strides = array<i32>} : memref<800x64xf32, #tpu.memory_space<vmem>>, vector<16xf32>,
      %add3A_284 = arith.constant 200 : i32
      %add3A_285 = arith.addi %add3A_284, %scan3A_208 : i32
      %get3A_286 = arith.index_cast %add3A_285 : i32 to index
      %get3A_287 = arith.constant 16 : index
      %get3A_288 = tpu.vector_load %arg6[%get3A_286, %get3A_287] {strides = array<i32>} : memref<800x64xf32, #tpu.memory_space<vmem>>, vector<16xf32>,
      %mul3A_289 = arith.constant 8.000000e+00 : f32
      %mul3A_290 = vector.broadcast %mul3A_289 : f32 to vector<16xf32>
      %mul3A_291 = arith.mulf %get3A_288, %mul3A_290 : vector<16xf32>
      %add3A_292 = arith.addf %mul3A_291, %bitcast3A_271 : vector<16xf32>
      %swap3A_293 = arith.index_cast %add3A_285 : i32 to index
      %swap3A_294 = arith.constant 16 : index
      %swap3A_295 = tpu.vector_load %arg6[%swap3A_293, %swap3A_294] {strides = array<i32>} : memref<800x64xf32, #tpu.memory_space<vmem>>, vector<16xf32>,
      tpu.vector_store %arg6[%swap3A_293, %swap3A_294], %add3A_292 {strides = array<i32>} : memref<800x64xf32, #tpu.memory_space<vmem>>, vector<16xf32>,
      %add3A_296 = arith.constant 400 : i32
      %add3A_297 = arith.addi %add3A_296, %scan3A_208 : i32
      %get3A_298 = arith.index_cast %add3A_297 : i32 to index
      %get3A_299 = arith.constant 16 : index
      %get3A_300 = tpu.vector_load %arg6[%get3A_298, %get3A_299] {strides = array<i32>} : memref<800x64xf32, #tpu.memory_space<vmem>>, vector<16xf32>,
      %mul3A_301 = arith.constant 8.000000e+00 : f32
      %mul3A_302 = vector.broadcast %mul3A_301 : f32 to vector<16xf32>
      %mul3A_303 = arith.mulf %get3A_300, %mul3A_302 : vector<16xf32>
      %add3A_304 = arith.addf %mul3A_303, %bitcast3A_271 : vector<16xf32>
      %swap3A_305 = arith.index_cast %add3A_297 : i32 to index
      %swap3A_306 = arith.constant 16 : index
      %swap3A_307 = tpu.vector_load %arg6[%swap3A_305, %swap3A_306] {strides = array<i32>} : memref<800x64xf32, #tpu.memory_space<vmem>>, vector<16xf32>,
      tpu.vector_store %arg6[%swap3A_305, %swap3A_306], %add3A_304 {strides = array<i32>} : memref<800x64xf32, #tpu.memory_space<vmem>>, vector<16xf32>,
      %add3A_308 = arith.constant 600 : i32
      %add3A_309 = arith.addi %add3A_308, %scan3A_208 : i32
      %get3A_310 = arith.index_cast %add3A_309 : i32 to index
      %get3A_311 = arith.constant 16 : index
      %get3A_312 = tpu.vector_load %arg6[%get3A_310, %get3A_311] {strides = array<i32>} : memref<800x64xf32, #tpu.memory_space<vmem>>, vector<16xf32>,
      %mul3A_313 = arith.constant 8.000000e+00 : f32
      %mul3A_314 = vector.broadcast %mul3A_313 : f32 to vector<16xf32>
      %mul3A_315 = arith.mulf %get3A_312, %mul3A_314 : vector<16xf32>
      %add3A_316 = arith.addf %mul3A_315, %bitcast3A_271 : vector<16xf32>
      %swap3A_317 = arith.index_cast %add3A_309 : i32 to index
      %swap3A_318 = arith.constant 16 : index
      %swap3A_319 = tpu.vector_load %arg6[%swap3A_317, %swap3A_318] {strides = array<i32>} : memref<800x64xf32, #tpu.memory_space<vmem>>, vector<16xf32>,
      tpu.vector_store %arg6[%swap3A_317, %swap3A_318], %add3A_316 {strides = array<i32>} : memref<800x64xf32, #tpu.memory_space<vmem>>, vector<16xf32>,
      %mul3A_320 = arith.constant 4 : i32
      %mul3A_321 = arith.muli %scan3A_208, %mul3A_320 : i32
      %add3A_322 = arith.constant 2 : i32
      %add3A_323 = arith.addi %mul3A_321, %add3A_322 : i32
      %mul3A_324 = arith.constant 16 : i32
      %mul3A_325 = arith.muli %add3A_323, %mul3A_324 : i32
      %get3A_326 = arith.index_cast %mul3A_325 : i32 to index
      %get3A_327 = tpu.vector_load %arg8[%get3A_326] {strides = array<i32>} : memref<12800xi32, #tpu.memory_space<vmem>>, vector<16xi32>,
      %bitcast3A_328 = vector.bitcast %get3A_327 : vector<16xi32> to vector<16xf32>
      %add3A_329 = arith.constant 0 : i32
      %add3A_330 = arith.addi %add3A_329, %scan3A_208 : i32
      %get3A_331 = arith.index_cast %add3A_330 : i32 to index
      %get3A_332 = arith.constant 32 : index
      %get3A_333 = tpu.vector_load %arg6[%get3A_331, %get3A_332] {strides = array<i32>} : memref<800x64xf32, #tpu.memory_space<vmem>>, vector<16xf32>,
      %mul3A_334 = arith.constant 8.000000e+00 : f32
      %mul3A_335 = vector.broadcast %mul3A_334 : f32 to vector<16xf32>
      %mul3A_336 = arith.mulf %get3A_333, %mul3A_335 : vector<16xf32>
      %add3A_337 = arith.addf %mul3A_336, %bitcast3A_328 : vector<16xf32>
      %swap3A_338 = arith.index_cast %add3A_330 : i32 to index
      %swap3A_339 = arith.constant 32 : index
      %swap3A_340 = tpu.vector_load %arg6[%swap3A_338, %swap3A_339] {strides = array<i32>} : memref<800x64xf32, #tpu.memory_space<vmem>>, vector<16xf32>,
      tpu.vector_store %arg6[%swap3A_338, %swap3A_339], %add3A_337 {strides = array<i32>} : memref<800x64xf32, #tpu.memory_space<vmem>>, vector<16xf32>,
      %add3A_341 = arith.constant 200 : i32
      %add3A_342 = arith.addi %add3A_341, %scan3A_208 : i32
      %get3A_343 = arith.index_cast %add3A_342 : i32 to index
      %get3A_344 = arith.constant 32 : index
      %get3A_345 = tpu.vector_load %arg6[%get3A_343, %get3A_344] {strides = array<i32>} : memref<800x64xf32, #tpu.memory_space<vmem>>, vector<16xf32>,
      %mul3A_346 = arith.constant 8.000000e+00 : f32
      %mul3A_347 = vector.broadcast %mul3A_346 : f32 to vector<16xf32>
      %mul3A_348 = arith.mulf %get3A_345, %mul3A_347 : vector<16xf32>
      %add3A_349 = arith.addf %mul3A_348, %bitcast3A_328 : vector<16xf32>
      %swap3A_350 = arith.index_cast %add3A_342 : i32 to index
      %swap3A_351 = arith.constant 32 : index
      %swap3A_352 = tpu.vector_load %arg6[%swap3A_350, %swap3A_351] {strides = array<i32>} : memref<800x64xf32, #tpu.memory_space<vmem>>, vector<16xf32>,
      tpu.vector_store %arg6[%swap3A_350, %swap3A_351], %add3A_349 {strides = array<i32>} : memref<800x64xf32, #tpu.memory_space<vmem>>, vector<16xf32>,
      %add3A_353 = arith.constant 400 : i32
      %add3A_354 = arith.addi %add3A_353, %scan3A_208 : i32
      %get3A_355 = arith.index_cast %add3A_354 : i32 to index
      %get3A_356 = arith.constant 32 : index
      %get3A_357 = tpu.vector_load %arg6[%get3A_355, %get3A_356] {strides = array<i32>} : memref<800x64xf32, #tpu.memory_space<vmem>>, vector<16xf32>,
      %mul3A_358 = arith.constant 8.000000e+00 : f32
      %mul3A_359 = vector.broadcast %mul3A_358 : f32 to vector<16xf32>
      %mul3A_360 = arith.mulf %get3A_357, %mul3A_359 : vector<16xf32>
      %add3A_361 = arith.addf %mul3A_360, %bitcast3A_328 : vector<16xf32>
      %swap3A_362 = arith.index_cast %add3A_354 : i32 to index
      %swap3A_363 = arith.constant 32 : index
      %swap3A_364 = tpu.vector_load %arg6[%swap3A_362, %swap3A_363] {strides = array<i32>} : memref<800x64xf32, #tpu.memory_space<vmem>>, vector<16xf32>,
      tpu.vector_store %arg6[%swap3A_362, %swap3A_363], %add3A_361 {strides = array<i32>} : memref<800x64xf32, #tpu.memory_space<vmem>>, vector<16xf32>,
      %add3A_365 = arith.constant 600 : i32
      %add3A_366 = arith.addi %add3A_365, %scan3A_208 : i32
      %get3A_367 = arith.index_cast %add3A_366 : i32 to index
      %get3A_368 = arith.constant 32 : index
      %get3A_369 = tpu.vector_load %arg6[%get3A_367, %get3A_368] {strides = array<i32>} : memref<800x64xf32, #tpu.memory_space<vmem>>, vector<16xf32>,
      %mul3A_370 = arith.constant 8.000000e+00 : f32
      %mul3A_371 = vector.broadcast %mul3A_370 : f32 to vector<16xf32>
      %mul3A_372 = arith.mulf %get3A_369, %mul3A_371 : vector<16xf32>
      %add3A_373 = arith.addf %mul3A_372, %bitcast3A_328 : vector<16xf32>
      %swap3A_374 = arith.index_cast %add3A_366 : i32 to index
      %swap3A_375 = arith.constant 32 : index
      %swap3A_376 = tpu.vector_load %arg6[%swap3A_374, %swap3A_375] {strides = array<i32>} : memref<800x64xf32, #tpu.memory_space<vmem>>, vector<16xf32>,
      tpu.vector_store %arg6[%swap3A_374, %swap3A_375], %add3A_373 {strides = array<i32>} : memref<800x64xf32, #tpu.memory_space<vmem>>, vector<16xf32>,
      %mul3A_377 = arith.constant 4 : i32
      %mul3A_378 = arith.muli %scan3A_208, %mul3A_377 : i32
      %add3A_379 = arith.constant 3 : i32
      %add3A_380 = arith.addi %mul3A_378, %add3A_379 : i32
      %mul3A_381 = arith.constant 16 : i32
      %mul3A_382 = arith.muli %add3A_380, %mul3A_381 : i32
      %get3A_383 = arith.index_cast %mul3A_382 : i32 to index
      %get3A_384 = tpu.vector_load %arg8[%get3A_383] {strides = array<i32>} : memref<12800xi32, #tpu.memory_space<vmem>>, vector<16xi32>,
      %bitcast3A_385 = vector.bitcast %get3A_384 : vector<16xi32> to vector<16xf32>
      %add3A_386 = arith.constant 0 : i32
      %add3A_387 = arith.addi %add3A_386, %scan3A_208 : i32
      %get3A_388 = arith.index_cast %add3A_387 : i32 to index
      %get3A_389 = arith.constant 48 : index
      %get3A_390 = tpu.vector_load %arg6[%get3A_388, %get3A_389] {strides = array<i32>} : memref<800x64xf32, #tpu.memory_space<vmem>>, vector<16xf32>,
      %mul3A_391 = arith.constant 8.000000e+00 : f32
      %mul3A_392 = vector.broadcast %mul3A_391 : f32 to vector<16xf32>
      %mul3A_393 = arith.mulf %get3A_390, %mul3A_392 : vector<16xf32>
      %add3A_394 = arith.addf %mul3A_393, %bitcast3A_385 : vector<16xf32>
      %swap3A_395 = arith.index_cast %add3A_387 : i32 to index
      %swap3A_396 = arith.constant 48 : index
      %swap3A_397 = tpu.vector_load %arg6[%swap3A_395, %swap3A_396] {strides = array<i32>} : memref<800x64xf32, #tpu.memory_space<vmem>>, vector<16xf32>,
      tpu.vector_store %arg6[%swap3A_395, %swap3A_396], %add3A_394 {strides = array<i32>} : memref<800x64xf32, #tpu.memory_space<vmem>>, vector<16xf32>,
      %add3A_398 = arith.constant 200 : i32
      %add3A_399 = arith.addi %add3A_398, %scan3A_208 : i32
      %get3A_400 = arith.index_cast %add3A_399 : i32 to index
      %get3A_401 = arith.constant 48 : index
      %get3A_402 = tpu.vector_load %arg6[%get3A_400, %get3A_401] {strides = array<i32>} : memref<800x64xf32, #tpu.memory_space<vmem>>, vector<16xf32>,
      %mul3A_403 = arith.constant 8.000000e+00 : f32
      %mul3A_404 = vector.broadcast %mul3A_403 : f32 to vector<16xf32>
      %mul3A_405 = arith.mulf %get3A_402, %mul3A_404 : vector<16xf32>
      %add3A_406 = arith.addf %mul3A_405, %bitcast3A_385 : vector<16xf32>
      %swap3A_407 = arith.index_cast %add3A_399 : i32 to index
      %swap3A_408 = arith.constant 48 : index
      %swap3A_409 = tpu.vector_load %arg6[%swap3A_407, %swap3A_408] {strides = array<i32>} : memref<800x64xf32, #tpu.memory_space<vmem>>, vector<16xf32>,
      tpu.vector_store %arg6[%swap3A_407, %swap3A_408], %add3A_406 {strides = array<i32>} : memref<800x64xf32, #tpu.memory_space<vmem>>, vector<16xf32>,
      %add3A_410 = arith.constant 400 : i32
      %add3A_411 = arith.addi %add3A_410, %scan3A_208 : i32
      %get3A_412 = arith.index_cast %add3A_411 : i32 to index
      %get3A_413 = arith.constant 48 : index
      %get3A_414 = tpu.vector_load %arg6[%get3A_412, %get3A_413] {strides = array<i32>} : memref<800x64xf32, #tpu.memory_space<vmem>>, vector<16xf32>,
      %mul3A_415 = arith.constant 8.000000e+00 : f32
      %mul3A_416 = vector.broadcast %mul3A_415 : f32 to vector<16xf32>
      %mul3A_417 = arith.mulf %get3A_414, %mul3A_416 : vector<16xf32>
      %add3A_418 = arith.addf %mul3A_417, %bitcast3A_385 : vector<16xf32>
      %swap3A_419 = arith.index_cast %add3A_411 : i32 to index
      %swap3A_420 = arith.constant 48 : index
      %swap3A_421 = tpu.vector_load %arg6[%swap3A_419, %swap3A_420] {strides = array<i32>} : memref<800x64xf32, #tpu.memory_space<vmem>>, vector<16xf32>,
      tpu.vector_store %arg6[%swap3A_419, %swap3A_420], %add3A_418 {strides = array<i32>} : memref<800x64xf32, #tpu.memory_space<vmem>>, vector<16xf32>,
      %add3A_422 = arith.constant 600 : i32
      %add3A_423 = arith.addi %add3A_422, %scan3A_208 : i32
      %get3A_424 = arith.index_cast %add3A_423 : i32 to index
      %get3A_425 = arith.constant 48 : index
      %get3A_426 = tpu.vector_load %arg6[%get3A_424, %get3A_425] {strides = array<i32>} : memref<800x64xf32, #tpu.memory_space<vmem>>, vector<16xf32>,
      %mul3A_427 = arith.constant 8.000000e+00 : f32
      %mul3A_428 = vector.broadcast %mul3A_427 : f32 to vector<16xf32>
      %mul3A_429 = arith.mulf %get3A_426, %mul3A_428 : vector<16xf32>
      %add3A_430 = arith.addf %mul3A_429, %bitcast3A_385 : vector<16xf32>
      %swap3A_431 = arith.index_cast %add3A_423 : i32 to index
      %swap3A_432 = arith.constant 48 : index
      %swap3A_433 = tpu.vector_load %arg6[%swap3A_431, %swap3A_432] {strides = array<i32>} : memref<800x64xf32, #tpu.memory_space<vmem>>, vector<16xf32>,
      tpu.vector_store %arg6[%swap3A_431, %swap3A_432], %add3A_430 {strides = array<i32>} : memref<800x64xf32, #tpu.memory_space<vmem>>, vector<16xf32>,
    }
    %scan3A_124 = arith.constant 200 : i32
    %add3A_125 = arith.constant 3200 : i32
    %add3A_126 = arith.addi %mul3A_2, %add3A_125 : i32
    %dma_start3A_127 = arith.constant 0 : i32
    %dma_start3A_128 = tpu.memref_slice %arg4[%add3A_126, %dma_start3A_127] : memref<204800x128xf32, #tpu.memory_space<hbm>> -> memref<800x64xf32, #tpu.memory_space<hbm>>
    %dma_start3A_129 = arith.constant 0 : i32
    %dma_start3A_130 = tpu.memref_slice %arg4[%add3A_126, %dma_start3A_129] : memref<204800x128xf32, #tpu.memory_space<hbm>> -> memref<800x64xf32, #tpu.memory_space<hbm>>
    tpu.enqueue_dma source(%arg6 : memref<800x64xf32, #tpu.memory_space<vmem>>) target(%dma_start3A_130 : memref<800x64xf32, #tpu.memory_space<hbm>>) target_semaphore(%arg10 : memref<!tpu.dma_semaphore, #tpu.memory_space<semaphore_mem>>)
    %dma_wait3A_131 = arith.constant 4000 : i32
    %dma_wait3A_132 = tpu.memref_slice %arg5[%dma_wait3A_131] : memref<6400xi32, #tpu.memory_space<vmem>> -> memref<800xi32, #tpu.memory_space<vmem>>
    %dma_wait3A_133 = arith.constant 0 : i32
    %dma_wait3A_134 = arith.constant 0 : i32
    %dma_wait3A_135 = tpu.memref_slice %arg3[%dma_wait3A_133, %dma_wait3A_134] : memref<100000x64xf32, #tpu.memory_space<hbm>> -> memref<100000x64xf32, #tpu.memory_space<hbm>>
    tpu.wait_indirect_dma semaphore(%arg9 : memref<!tpu.dma_semaphore, #tpu.memory_space<semaphore_mem>>) src(%dma_wait3A_135 : memref<100000x64xf32, #tpu.memory_space<hbm>>) dst(%arg7 : memref<800x64xf32, #tpu.memory_space<vmem>>)
    %dma_wait3A_136 = arith.constant 0 : i32
    %dma_wait3A_137 = tpu.memref_slice %arg4[%add3A_126, %dma_wait3A_136] : memref<204800x128xf32, #tpu.memory_space<hbm>> -> memref<800x64xf32, #tpu.memory_space<hbm>>
    %dma_wait3A_138 = arith.constant 0 : i32
    %dma_wait3A_139 = tpu.memref_slice %arg4[%add3A_126, %dma_wait3A_138] : memref<204800x128xf32, #tpu.memory_space<hbm>> -> memref<800x64xf32, #tpu.memory_space<hbm>>
    tpu.wait_dma2 semaphore(%arg10 : memref<!tpu.dma_semaphore, #tpu.memory_space<semaphore_mem>>) src(%arg6 : memref<800x64xf32, #tpu.memory_space<vmem>>) dst(%dma_wait3A_139 : memref<800x64xf32, #tpu.memory_space<hbm>>)
    %dma_start3A_140 = arith.constant 4800 : i32
    %dma_start3A_141 = tpu.memref_slice %arg5[%dma_start3A_140] : memref<6400xi32, #tpu.memory_space<vmem>> -> memref<800xi32, #tpu.memory_space<vmem>>
    %dma_start3A_142 = arith.constant 0 : i32
    %dma_start3A_143 = arith.constant 0 : i32
    %dma_start3A_144 = tpu.memref_slice %arg3[%dma_start3A_142, %dma_start3A_143] : memref<100000x64xf32, #tpu.memory_space<hbm>> -> memref<100000x64xf32, #tpu.memory_space<hbm>>
    tpu.enqueue_indirect_dma source(%dma_start3A_144 : memref<100000x64xf32, #tpu.memory_space<hbm>>) target(%arg6 : memref<800x64xf32, #tpu.memory_space<vmem>>) offsets(%dma_start3A_141 : memref<800xi32, #tpu.memory_space<vmem>>) semaphore(%arg9 : memref<!tpu.dma_semaphore, #tpu.memory_space<semaphore_mem>>)
    %scan3A_145 = arith.constant 0 : i32
    %scan3A_146 = arith.constant 0 : i32
    %scan3A_147 = arith.constant 200 : i32
    %scan3A_148 = arith.addi %scan3A_146, %scan3A_147 : i32
    %scan3A_149 = arith.constant 1 : i32
    scf.for %scan3A_208 = %scan3A_146 to %scan3A_148 step %scan3A_149  : i32 {
      %mul3A_209 = arith.constant 4 : i32
      %mul3A_210 = arith.muli %scan3A_208, %mul3A_209 : i32
      %add3A_211 = arith.constant 0 : i32
      %add3A_212 = arith.addi %mul3A_210, %add3A_211 : i32
      %mul3A_213 = arith.constant 16 : i32
      %mul3A_214 = arith.muli %add3A_212, %mul3A_213 : i32
      %get3A = arith.index_cast %mul3A_214 : i32 to index
      %get3A_215 = tpu.vector_load %arg8[%get3A] {strides = array<i32>} : memref<12800xi32, #tpu.memory_space<vmem>>, vector<16xi32>,
      %bitcast3A = vector.bitcast %get3A_215 : vector<16xi32> to vector<16xf32>
      %add3A_216 = arith.constant 0 : i32
      %add3A_217 = arith.addi %add3A_216, %scan3A_208 : i32
      %get3A_218 = arith.index_cast %add3A_217 : i32 to index
      %get3A_219 = arith.constant 0 : index
      %get3A_220 = tpu.vector_load %arg7[%get3A_218, %get3A_219] {strides = array<i32>} : memref<800x64xf32, #tpu.memory_space<vmem>>, vector<16xf32>,
      %mul3A_221 = arith.constant 8.000000e+00 : f32
      %mul3A_222 = vector.broadcast %mul3A_221 : f32 to vector<16xf32>
      %mul3A_223 = arith.mulf %get3A_220, %mul3A_222 : vector<16xf32>
      %add3A_224 = arith.addf %mul3A_223, %bitcast3A : vector<16xf32>
      %swap3A = arith.index_cast %add3A_217 : i32 to index
      %swap3A_225 = arith.constant 0 : index
      %swap3A_226 = tpu.vector_load %arg7[%swap3A, %swap3A_225] {strides = array<i32>} : memref<800x64xf32, #tpu.memory_space<vmem>>, vector<16xf32>,
      tpu.vector_store %arg7[%swap3A, %swap3A_225], %add3A_224 {strides = array<i32>} : memref<800x64xf32, #tpu.memory_space<vmem>>, vector<16xf32>,
      %add3A_227 = arith.constant 200 : i32
      %add3A_228 = arith.addi %add3A_227, %scan3A_208 : i32
      %get3A_229 = arith.index_cast %add3A_228 : i32 to index
      %get3A_230 = arith.constant 0 : index
      %get3A_231 = tpu.vector_load %arg7[%get3A_229, %get3A_230] {strides = array<i32>} : memref<800x64xf32, #tpu.memory_space<vmem>>, vector<16xf32>,
      %mul3A_232 = arith.constant 8.000000e+00 : f32
      %mul3A_233 = vector.broadcast %mul3A_232 : f32 to vector<16xf32>
      %mul3A_234 = arith.mulf %get3A_231, %mul3A_233 : vector<16xf32>
      %add3A_235 = arith.addf %mul3A_234, %bitcast3A : vector<16xf32>
      %swap3A_236 = arith.index_cast %add3A_228 : i32 to index
      %swap3A_237 = arith.constant 0 : index
      %swap3A_238 = tpu.vector_load %arg7[%swap3A_236, %swap3A_237] {strides = array<i32>} : memref<800x64xf32, #tpu.memory_space<vmem>>, vector<16xf32>,
      tpu.vector_store %arg7[%swap3A_236, %swap3A_237], %add3A_235 {strides = array<i32>} : memref<800x64xf32, #tpu.memory_space<vmem>>, vector<16xf32>,
      %add3A_239 = arith.constant 400 : i32
      %add3A_240 = arith.addi %add3A_239, %scan3A_208 : i32
      %get3A_241 = arith.index_cast %add3A_240 : i32 to index
      %get3A_242 = arith.constant 0 : index
      %get3A_243 = tpu.vector_load %arg7[%get3A_241, %get3A_242] {strides = array<i32>} : memref<800x64xf32, #tpu.memory_space<vmem>>, vector<16xf32>,
      %mul3A_244 = arith.constant 8.000000e+00 : f32
      %mul3A_245 = vector.broadcast %mul3A_244 : f32 to vector<16xf32>
      %mul3A_246 = arith.mulf %get3A_243, %mul3A_245 : vector<16xf32>
      %add3A_247 = arith.addf %mul3A_246, %bitcast3A : vector<16xf32>
      %swap3A_248 = arith.index_cast %add3A_240 : i32 to index
      %swap3A_249 = arith.constant 0 : index
      %swap3A_250 = tpu.vector_load %arg7[%swap3A_248, %swap3A_249] {strides = array<i32>} : memref<800x64xf32, #tpu.memory_space<vmem>>, vector<16xf32>,
      tpu.vector_store %arg7[%swap3A_248, %swap3A_249], %add3A_247 {strides = array<i32>} : memref<800x64xf32, #tpu.memory_space<vmem>>, vector<16xf32>,
      %add3A_251 = arith.constant 600 : i32
      %add3A_252 = arith.addi %add3A_251, %scan3A_208 : i32
      %get3A_253 = arith.index_cast %add3A_252 : i32 to index
      %get3A_254 = arith.constant 0 : index
      %get3A_255 = tpu.vector_load %arg7[%get3A_253, %get3A_254] {strides = array<i32>} : memref<800x64xf32, #tpu.memory_space<vmem>>, vector<16xf32>,
      %mul3A_256 = arith.constant 8.000000e+00 : f32
      %mul3A_257 = vector.broadcast %mul3A_256 : f32 to vector<16xf32>
      %mul3A_258 = arith.mulf %get3A_255, %mul3A_257 : vector<16xf32>
      %add3A_259 = arith.addf %mul3A_258, %bitcast3A : vector<16xf32>
      %swap3A_260 = arith.index_cast %add3A_252 : i32 to index
      %swap3A_261 = arith.constant 0 : index
      %swap3A_262 = tpu.vector_load %arg7[%swap3A_260, %swap3A_261] {strides = array<i32>} : memref<800x64xf32, #tpu.memory_space<vmem>>, vector<16xf32>,
      tpu.vector_store %arg7[%swap3A_260, %swap3A_261], %add3A_259 {strides = array<i32>} : memref<800x64xf32, #tpu.memory_space<vmem>>, vector<16xf32>,
      %mul3A_263 = arith.constant 4 : i32
      %mul3A_264 = arith.muli %scan3A_208, %mul3A_263 : i32
      %add3A_265 = arith.constant 1 : i32
      %add3A_266 = arith.addi %mul3A_264, %add3A_265 : i32
      %mul3A_267 = arith.constant 16 : i32
      %mul3A_268 = arith.muli %add3A_266, %mul3A_267 : i32
      %get3A_269 = arith.index_cast %mul3A_268 : i32 to index
      %get3A_270 = tpu.vector_load %arg8[%get3A_269] {strides = array<i32>} : memref<12800xi32, #tpu.memory_space<vmem>>, vector<16xi32>,
      %bitcast3A_271 = vector.bitcast %get3A_270 : vector<16xi32> to vector<16xf32>
      %add3A_272 = arith.constant 0 : i32
      %add3A_273 = arith.addi %add3A_272, %scan3A_208 : i32
      %get3A_274 = arith.index_cast %add3A_273 : i32 to index
      %get3A_275 = arith.constant 16 : index
      %get3A_276 = tpu.vector_load %arg7[%get3A_274, %get3A_275] {strides = array<i32>} : memref<800x64xf32, #tpu.memory_space<vmem>>, vector<16xf32>,
      %mul3A_277 = arith.constant 8.000000e+00 : f32
      %mul3A_278 = vector.broadcast %mul3A_277 : f32 to vector<16xf32>
      %mul3A_279 = arith.mulf %get3A_276, %mul3A_278 : vector<16xf32>
      %add3A_280 = arith.addf %mul3A_279, %bitcast3A_271 : vector<16xf32>
      %swap3A_281 = arith.index_cast %add3A_273 : i32 to index
      %swap3A_282 = arith.constant 16 : index
      %swap3A_283 = tpu.vector_load %arg7[%swap3A_281, %swap3A_282] {strides = array<i32>} : memref<800x64xf32, #tpu.memory_space<vmem>>, vector<16xf32>,
      tpu.vector_store %arg7[%swap3A_281, %swap3A_282], %add3A_280 {strides = array<i32>} : memref<800x64xf32, #tpu.memory_space<vmem>>, vector<16xf32>,
      %add3A_284 = arith.constant 200 : i32
      %add3A_285 = arith.addi %add3A_284, %scan3A_208 : i32
      %get3A_286 = arith.index_cast %add3A_285 : i32 to index
      %get3A_287 = arith.constant 16 : index
      %get3A_288 = tpu.vector_load %arg7[%get3A_286, %get3A_287] {strides = array<i32>} : memref<800x64xf32, #tpu.memory_space<vmem>>, vector<16xf32>,
      %mul3A_289 = arith.constant 8.000000e+00 : f32
      %mul3A_290 = vector.broadcast %mul3A_289 : f32 to vector<16xf32>
      %mul3A_291 = arith.mulf %get3A_288, %mul3A_290 : vector<16xf32>
      %add3A_292 = arith.addf %mul3A_291, %bitcast3A_271 : vector<16xf32>
      %swap3A_293 = arith.index_cast %add3A_285 : i32 to index
      %swap3A_294 = arith.constant 16 : index
      %swap3A_295 = tpu.vector_load %arg7[%swap3A_293, %swap3A_294] {strides = array<i32>} : memref<800x64xf32, #tpu.memory_space<vmem>>, vector<16xf32>,
      tpu.vector_store %arg7[%swap3A_293, %swap3A_294], %add3A_292 {strides = array<i32>} : memref<800x64xf32, #tpu.memory_space<vmem>>, vector<16xf32>,
      %add3A_296 = arith.constant 400 : i32
      %add3A_297 = arith.addi %add3A_296, %scan3A_208 : i32
      %get3A_298 = arith.index_cast %add3A_297 : i32 to index
      %get3A_299 = arith.constant 16 : index
      %get3A_300 = tpu.vector_load %arg7[%get3A_298, %get3A_299] {strides = array<i32>} : memref<800x64xf32, #tpu.memory_space<vmem>>, vector<16xf32>,
      %mul3A_301 = arith.constant 8.000000e+00 : f32
      %mul3A_302 = vector.broadcast %mul3A_301 : f32 to vector<16xf32>
      %mul3A_303 = arith.mulf %get3A_300, %mul3A_302 : vector<16xf32>
      %add3A_304 = arith.addf %mul3A_303, %bitcast3A_271 : vector<16xf32>
      %swap3A_305 = arith.index_cast %add3A_297 : i32 to index
      %swap3A_306 = arith.constant 16 : index
      %swap3A_307 = tpu.vector_load %arg7[%swap3A_305, %swap3A_306] {strides = array<i32>} : memref<800x64xf32, #tpu.memory_space<vmem>>, vector<16xf32>,
      tpu.vector_store %arg7[%swap3A_305, %swap3A_306], %add3A_304 {strides = array<i32>} : memref<800x64xf32, #tpu.memory_space<vmem>>, vector<16xf32>,
      %add3A_308 = arith.constant 600 : i32
      %add3A_309 = arith.addi %add3A_308, %scan3A_208 : i32
      %get3A_310 = arith.index_cast %add3A_309 : i32 to index
      %get3A_311 = arith.constant 16 : index
      %get3A_312 = tpu.vector_load %arg7[%get3A_310, %get3A_311] {strides = array<i32>} : memref<800x64xf32, #tpu.memory_space<vmem>>, vector<16xf32>,
      %mul3A_313 = arith.constant 8.000000e+00 : f32
      %mul3A_314 = vector.broadcast %mul3A_313 : f32 to vector<16xf32>
      %mul3A_315 = arith.mulf %get3A_312, %mul3A_314 : vector<16xf32>
      %add3A_316 = arith.addf %mul3A_315, %bitcast3A_271 : vector<16xf32>
      %swap3A_317 = arith.index_cast %add3A_309 : i32 to index
      %swap3A_318 = arith.constant 16 : index
      %swap3A_319 = tpu.vector_load %arg7[%swap3A_317, %swap3A_318] {strides = array<i32>} : memref<800x64xf32, #tpu.memory_space<vmem>>, vector<16xf32>,
      tpu.vector_store %arg7[%swap3A_317, %swap3A_318], %add3A_316 {strides = array<i32>} : memref<800x64xf32, #tpu.memory_space<vmem>>, vector<16xf32>,
      %mul3A_320 = arith.constant 4 : i32
      %mul3A_321 = arith.muli %scan3A_208, %mul3A_320 : i32
      %add3A_322 = arith.constant 2 : i32
      %add3A_323 = arith.addi %mul3A_321, %add3A_322 : i32
      %mul3A_324 = arith.constant 16 : i32
      %mul3A_325 = arith.muli %add3A_323, %mul3A_324 : i32
      %get3A_326 = arith.index_cast %mul3A_325 : i32 to index
      %get3A_327 = tpu.vector_load %arg8[%get3A_326] {strides = array<i32>} : memref<12800xi32, #tpu.memory_space<vmem>>, vector<16xi32>,
      %bitcast3A_328 = vector.bitcast %get3A_327 : vector<16xi32> to vector<16xf32>
      %add3A_329 = arith.constant 0 : i32
      %add3A_330 = arith.addi %add3A_329, %scan3A_208 : i32
      %get3A_331 = arith.index_cast %add3A_330 : i32 to index
      %get3A_332 = arith.constant 32 : index
      %get3A_333 = tpu.vector_load %arg7[%get3A_331, %get3A_332] {strides = array<i32>} : memref<800x64xf32, #tpu.memory_space<vmem>>, vector<16xf32>,
      %mul3A_334 = arith.constant 8.000000e+00 : f32
      %mul3A_335 = vector.broadcast %mul3A_334 : f32 to vector<16xf32>
      %mul3A_336 = arith.mulf %get3A_333, %mul3A_335 : vector<16xf32>
      %add3A_337 = arith.addf %mul3A_336, %bitcast3A_328 : vector<16xf32>
      %swap3A_338 = arith.index_cast %add3A_330 : i32 to index
      %swap3A_339 = arith.constant 32 : index
      %swap3A_340 = tpu.vector_load %arg7[%swap3A_338, %swap3A_339] {strides = array<i32>} : memref<800x64xf32, #tpu.memory_space<vmem>>, vector<16xf32>,
      tpu.vector_store %arg7[%swap3A_338, %swap3A_339], %add3A_337 {strides = array<i32>} : memref<800x64xf32, #tpu.memory_space<vmem>>, vector<16xf32>,
      %add3A_341 = arith.constant 200 : i32
      %add3A_342 = arith.addi %add3A_341, %scan3A_208 : i32
      %get3A_343 = arith.index_cast %add3A_342 : i32 to index
      %get3A_344 = arith.constant 32 : index
      %get3A_345 = tpu.vector_load %arg7[%get3A_343, %get3A_344] {strides = array<i32>} : memref<800x64xf32, #tpu.memory_space<vmem>>, vector<16xf32>,
      %mul3A_346 = arith.constant 8.000000e+00 : f32
      %mul3A_347 = vector.broadcast %mul3A_346 : f32 to vector<16xf32>
      %mul3A_348 = arith.mulf %get3A_345, %mul3A_347 : vector<16xf32>
      %add3A_349 = arith.addf %mul3A_348, %bitcast3A_328 : vector<16xf32>
      %swap3A_350 = arith.index_cast %add3A_342 : i32 to index
      %swap3A_351 = arith.constant 32 : index
      %swap3A_352 = tpu.vector_load %arg7[%swap3A_350, %swap3A_351] {strides = array<i32>} : memref<800x64xf32, #tpu.memory_space<vmem>>, vector<16xf32>,
      tpu.vector_store %arg7[%swap3A_350, %swap3A_351], %add3A_349 {strides = array<i32>} : memref<800x64xf32, #tpu.memory_space<vmem>>, vector<16xf32>,
      %add3A_353 = arith.constant 400 : i32
      %add3A_354 = arith.addi %add3A_353, %scan3A_208 : i32
      %get3A_355 = arith.index_cast %add3A_354 : i32 to index
      %get3A_356 = arith.constant 32 : index
      %get3A_357 = tpu.vector_load %arg7[%get3A_355, %get3A_356] {strides = array<i32>} : memref<800x64xf32, #tpu.memory_space<vmem>>, vector<16xf32>,
      %mul3A_358 = arith.constant 8.000000e+00 : f32
      %mul3A_359 = vector.broadcast %mul3A_358 : f32 to vector<16xf32>
      %mul3A_360 = arith.mulf %get3A_357, %mul3A_359 : vector<16xf32>
      %add3A_361 = arith.addf %mul3A_360, %bitcast3A_328 : vector<16xf32>
      %swap3A_362 = arith.index_cast %add3A_354 : i32 to index
      %swap3A_363 = arith.constant 32 : index
      %swap3A_364 = tpu.vector_load %arg7[%swap3A_362, %swap3A_363] {strides = array<i32>} : memref<800x64xf32, #tpu.memory_space<vmem>>, vector<16xf32>,
      tpu.vector_store %arg7[%swap3A_362, %swap3A_363], %add3A_361 {strides = array<i32>} : memref<800x64xf32, #tpu.memory_space<vmem>>, vector<16xf32>,
      %add3A_365 = arith.constant 600 : i32
      %add3A_366 = arith.addi %add3A_365, %scan3A_208 : i32
      %get3A_367 = arith.index_cast %add3A_366 : i32 to index
      %get3A_368 = arith.constant 32 : index
      %get3A_369 = tpu.vector_load %arg7[%get3A_367, %get3A_368] {strides = array<i32>} : memref<800x64xf32, #tpu.memory_space<vmem>>, vector<16xf32>,
      %mul3A_370 = arith.constant 8.000000e+00 : f32
      %mul3A_371 = vector.broadcast %mul3A_370 : f32 to vector<16xf32>
      %mul3A_372 = arith.mulf %get3A_369, %mul3A_371 : vector<16xf32>
      %add3A_373 = arith.addf %mul3A_372, %bitcast3A_328 : vector<16xf32>
      %swap3A_374 = arith.index_cast %add3A_366 : i32 to index
      %swap3A_375 = arith.constant 32 : index
      %swap3A_376 = tpu.vector_load %arg7[%swap3A_374, %swap3A_375] {strides = array<i32>} : memref<800x64xf32, #tpu.memory_space<vmem>>, vector<16xf32>,
      tpu.vector_store %arg7[%swap3A_374, %swap3A_375], %add3A_373 {strides = array<i32>} : memref<800x64xf32, #tpu.memory_space<vmem>>, vector<16xf32>,
      %mul3A_377 = arith.constant 4 : i32
      %mul3A_378 = arith.muli %scan3A_208, %mul3A_377 : i32
      %add3A_379 = arith.constant 3 : i32
      %add3A_380 = arith.addi %mul3A_378, %add3A_379 : i32
      %mul3A_381 = arith.constant 16 : i32
      %mul3A_382 = arith.muli %add3A_380, %mul3A_381 : i32
      %get3A_383 = arith.index_cast %mul3A_382 : i32 to index
      %get3A_384 = tpu.vector_load %arg8[%get3A_383] {strides = array<i32>} : memref<12800xi32, #tpu.memory_space<vmem>>, vector<16xi32>,
      %bitcast3A_385 = vector.bitcast %get3A_384 : vector<16xi32> to vector<16xf32>
      %add3A_386 = arith.constant 0 : i32
      %add3A_387 = arith.addi %add3A_386, %scan3A_208 : i32
      %get3A_388 = arith.index_cast %add3A_387 : i32 to index
      %get3A_389 = arith.constant 48 : index
      %get3A_390 = tpu.vector_load %arg7[%get3A_388, %get3A_389] {strides = array<i32>} : memref<800x64xf32, #tpu.memory_space<vmem>>, vector<16xf32>,
      %mul3A_391 = arith.constant 8.000000e+00 : f32
      %mul3A_392 = vector.broadcast %mul3A_391 : f32 to vector<16xf32>
      %mul3A_393 = arith.mulf %get3A_390, %mul3A_392 : vector<16xf32>
      %add3A_394 = arith.addf %mul3A_393, %bitcast3A_385 : vector<16xf32>
      %swap3A_395 = arith.index_cast %add3A_387 : i32 to index
      %swap3A_396 = arith.constant 48 : index
      %swap3A_397 = tpu.vector_load %arg7[%swap3A_395, %swap3A_396] {strides = array<i32>} : memref<800x64xf32, #tpu.memory_space<vmem>>, vector<16xf32>,
      tpu.vector_store %arg7[%swap3A_395, %swap3A_396], %add3A_394 {strides = array<i32>} : memref<800x64xf32, #tpu.memory_space<vmem>>, vector<16xf32>,
      %add3A_398 = arith.constant 200 : i32
      %add3A_399 = arith.addi %add3A_398, %scan3A_208 : i32
      %get3A_400 = arith.index_cast %add3A_399 : i32 to index
      %get3A_401 = arith.constant 48 : index
      %get3A_402 = tpu.vector_load %arg7[%get3A_400, %get3A_401] {strides = array<i32>} : memref<800x64xf32, #tpu.memory_space<vmem>>, vector<16xf32>,
      %mul3A_403 = arith.constant 8.000000e+00 : f32
      %mul3A_404 = vector.broadcast %mul3A_403 : f32 to vector<16xf32>
      %mul3A_405 = arith.mulf %get3A_402, %mul3A_404 : vector<16xf32>
      %add3A_406 = arith.addf %mul3A_405, %bitcast3A_385 : vector<16xf32>
      %swap3A_407 = arith.index_cast %add3A_399 : i32 to index
      %swap3A_408 = arith.constant 48 : index
      %swap3A_409 = tpu.vector_load %arg7[%swap3A_407, %swap3A_408] {strides = array<i32>} : memref<800x64xf32, #tpu.memory_space<vmem>>, vector<16xf32>,
      tpu.vector_store %arg7[%swap3A_407, %swap3A_408], %add3A_406 {strides = array<i32>} : memref<800x64xf32, #tpu.memory_space<vmem>>, vector<16xf32>,
      %add3A_410 = arith.constant 400 : i32
      %add3A_411 = arith.addi %add3A_410, %scan3A_208 : i32
      %get3A_412 = arith.index_cast %add3A_411 : i32 to index
      %get3A_413 = arith.constant 48 : index
      %get3A_414 = tpu.vector_load %arg7[%get3A_412, %get3A_413] {strides = array<i32>} : memref<800x64xf32, #tpu.memory_space<vmem>>, vector<16xf32>,
      %mul3A_415 = arith.constant 8.000000e+00 : f32
      %mul3A_416 = vector.broadcast %mul3A_415 : f32 to vector<16xf32>
      %mul3A_417 = arith.mulf %get3A_414, %mul3A_416 : vector<16xf32>
      %add3A_418 = arith.addf %mul3A_417, %bitcast3A_385 : vector<16xf32>
      %swap3A_419 = arith.index_cast %add3A_411 : i32 to index
      %swap3A_420 = arith.constant 48 : index
      %swap3A_421 = tpu.vector_load %arg7[%swap3A_419, %swap3A_420] {strides = array<i32>} : memref<800x64xf32, #tpu.memory_space<vmem>>, vector<16xf32>,
      tpu.vector_store %arg7[%swap3A_419, %swap3A_420], %add3A_418 {strides = array<i32>} : memref<800x64xf32, #tpu.memory_space<vmem>>, vector<16xf32>,
      %add3A_422 = arith.constant 600 : i32
      %add3A_423 = arith.addi %add3A_422, %scan3A_208 : i32
      %get3A_424 = arith.index_cast %add3A_423 : i32 to index
      %get3A_425 = arith.constant 48 : index
      %get3A_426 = tpu.vector_load %arg7[%get3A_424, %get3A_425] {strides = array<i32>} : memref<800x64xf32, #tpu.memory_space<vmem>>, vector<16xf32>,
      %mul3A_427 = arith.constant 8.000000e+00 : f32
      %mul3A_428 = vector.broadcast %mul3A_427 : f32 to vector<16xf32>
      %mul3A_429 = arith.mulf %get3A_426, %mul3A_428 : vector<16xf32>
      %add3A_430 = arith.addf %mul3A_429, %bitcast3A_385 : vector<16xf32>
      %swap3A_431 = arith.index_cast %add3A_423 : i32 to index
      %swap3A_432 = arith.constant 48 : index
      %swap3A_433 = tpu.vector_load %arg7[%swap3A_431, %swap3A_432] {strides = array<i32>} : memref<800x64xf32, #tpu.memory_space<vmem>>, vector<16xf32>,
      tpu.vector_store %arg7[%swap3A_431, %swap3A_432], %add3A_430 {strides = array<i32>} : memref<800x64xf32, #tpu.memory_space<vmem>>, vector<16xf32>,
    }
    %scan3A_150 = arith.constant 200 : i32
    %add3A_151 = arith.constant 4000 : i32
    %add3A_152 = arith.addi %mul3A_2, %add3A_151 : i32
    %dma_start3A_153 = arith.constant 0 : i32
    %dma_start3A_154 = tpu.memref_slice %arg4[%add3A_152, %dma_start3A_153] : memref<204800x128xf32, #tpu.memory_space<hbm>> -> memref<800x64xf32, #tpu.memory_space<hbm>>
    %dma_start3A_155 = arith.constant 0 : i32
    %dma_start3A_156 = tpu.memref_slice %arg4[%add3A_152, %dma_start3A_155] : memref<204800x128xf32, #tpu.memory_space<hbm>> -> memref<800x64xf32, #tpu.memory_space<hbm>>
    tpu.enqueue_dma source(%arg7 : memref<800x64xf32, #tpu.memory_space<vmem>>) target(%dma_start3A_156 : memref<800x64xf32, #tpu.memory_space<hbm>>) target_semaphore(%arg10 : memref<!tpu.dma_semaphore, #tpu.memory_space<semaphore_mem>>)
    %dma_wait3A_157 = arith.constant 4800 : i32
    %dma_wait3A_158 = tpu.memref_slice %arg5[%dma_wait3A_157] : memref<6400xi32, #tpu.memory_space<vmem>> -> memref<800xi32, #tpu.memory_space<vmem>>
    %dma_wait3A_159 = arith.constant 0 : i32
    %dma_wait3A_160 = arith.constant 0 : i32
    %dma_wait3A_161 = tpu.memref_slice %arg3[%dma_wait3A_159, %dma_wait3A_160] : memref<100000x64xf32, #tpu.memory_space<hbm>> -> memref<100000x64xf32, #tpu.memory_space<hbm>>
    tpu.wait_indirect_dma semaphore(%arg9 : memref<!tpu.dma_semaphore, #tpu.memory_space<semaphore_mem>>) src(%dma_wait3A_161 : memref<100000x64xf32, #tpu.memory_space<hbm>>) dst(%arg6 : memref<800x64xf32, #tpu.memory_space<vmem>>)
    %dma_wait3A_162 = arith.constant 0 : i32
    %dma_wait3A_163 = tpu.memref_slice %arg4[%add3A_152, %dma_wait3A_162] : memref<204800x128xf32, #tpu.memory_space<hbm>> -> memref<800x64xf32, #tpu.memory_space<hbm>>
    %dma_wait3A_164 = arith.constant 0 : i32
    %dma_wait3A_165 = tpu.memref_slice %arg4[%add3A_152, %dma_wait3A_164] : memref<204800x128xf32, #tpu.memory_space<hbm>> -> memref<800x64xf32, #tpu.memory_space<hbm>>
    tpu.wait_dma2 semaphore(%arg10 : memref<!tpu.dma_semaphore, #tpu.memory_space<semaphore_mem>>) src(%arg7 : memref<800x64xf32, #tpu.memory_space<vmem>>) dst(%dma_wait3A_165 : memref<800x64xf32, #tpu.memory_space<hbm>>)
    %dma_start3A_166 = arith.constant 5600 : i32
    %dma_start3A_167 = tpu.memref_slice %arg5[%dma_start3A_166] : memref<6400xi32, #tpu.memory_space<vmem>> -> memref<800xi32, #tpu.memory_space<vmem>>
    %dma_start3A_168 = arith.constant 0 : i32
    %dma_start3A_169 = arith.constant 0 : i32
    %dma_start3A_170 = tpu.memref_slice %arg3[%dma_start3A_168, %dma_start3A_169] : memref<100000x64xf32, #tpu.memory_space<hbm>> -> memref<100000x64xf32, #tpu.memory_space<hbm>>
    tpu.enqueue_indirect_dma source(%dma_start3A_170 : memref<100000x64xf32, #tpu.memory_space<hbm>>) target(%arg7 : memref<800x64xf32, #tpu.memory_space<vmem>>) offsets(%dma_start3A_167 : memref<800xi32, #tpu.memory_space<vmem>>) semaphore(%arg9 : memref<!tpu.dma_semaphore, #tpu.memory_space<semaphore_mem>>)
    %scan3A_171 = arith.constant 0 : i32
    %scan3A_172 = arith.constant 0 : i32
    %scan3A_173 = arith.constant 200 : i32
    %scan3A_174 = arith.addi %scan3A_172, %scan3A_173 : i32
    %scan3A_175 = arith.constant 1 : i32
    scf.for %scan3A_208 = %scan3A_172 to %scan3A_174 step %scan3A_175  : i32 {
      %mul3A_209 = arith.constant 4 : i32
      %mul3A_210 = arith.muli %scan3A_208, %mul3A_209 : i32
      %add3A_211 = arith.constant 0 : i32
      %add3A_212 = arith.addi %mul3A_210, %add3A_211 : i32
      %mul3A_213 = arith.constant 16 : i32
      %mul3A_214 = arith.muli %add3A_212, %mul3A_213 : i32
      %get3A = arith.index_cast %mul3A_214 : i32 to index
      %get3A_215 = tpu.vector_load %arg8[%get3A] {strides = array<i32>} : memref<12800xi32, #tpu.memory_space<vmem>>, vector<16xi32>,
      %bitcast3A = vector.bitcast %get3A_215 : vector<16xi32> to vector<16xf32>
      %add3A_216 = arith.constant 0 : i32
      %add3A_217 = arith.addi %add3A_216, %scan3A_208 : i32
      %get3A_218 = arith.index_cast %add3A_217 : i32 to index
      %get3A_219 = arith.constant 0 : index
      %get3A_220 = tpu.vector_load %arg6[%get3A_218, %get3A_219] {strides = array<i32>} : memref<800x64xf32, #tpu.memory_space<vmem>>, vector<16xf32>,
      %mul3A_221 = arith.constant 8.000000e+00 : f32
      %mul3A_222 = vector.broadcast %mul3A_221 : f32 to vector<16xf32>
      %mul3A_223 = arith.mulf %get3A_220, %mul3A_222 : vector<16xf32>
      %add3A_224 = arith.addf %mul3A_223, %bitcast3A : vector<16xf32>
      %swap3A = arith.index_cast %add3A_217 : i32 to index
      %swap3A_225 = arith.constant 0 : index
      %swap3A_226 = tpu.vector_load %arg6[%swap3A, %swap3A_225] {strides = array<i32>} : memref<800x64xf32, #tpu.memory_space<vmem>>, vector<16xf32>,
      tpu.vector_store %arg6[%swap3A, %swap3A_225], %add3A_224 {strides = array<i32>} : memref<800x64xf32, #tpu.memory_space<vmem>>, vector<16xf32>,
      %add3A_227 = arith.constant 200 : i32
      %add3A_228 = arith.addi %add3A_227, %scan3A_208 : i32
      %get3A_229 = arith.index_cast %add3A_228 : i32 to index
      %get3A_230 = arith.constant 0 : index
      %get3A_231 = tpu.vector_load %arg6[%get3A_229, %get3A_230] {strides = array<i32>} : memref<800x64xf32, #tpu.memory_space<vmem>>, vector<16xf32>,
      %mul3A_232 = arith.constant 8.000000e+00 : f32
      %mul3A_233 = vector.broadcast %mul3A_232 : f32 to vector<16xf32>
      %mul3A_234 = arith.mulf %get3A_231, %mul3A_233 : vector<16xf32>
      %add3A_235 = arith.addf %mul3A_234, %bitcast3A : vector<16xf32>
      %swap3A_236 = arith.index_cast %add3A_228 : i32 to index
      %swap3A_237 = arith.constant 0 : index
      %swap3A_238 = tpu.vector_load %arg6[%swap3A_236, %swap3A_237] {strides = array<i32>} : memref<800x64xf32, #tpu.memory_space<vmem>>, vector<16xf32>,
      tpu.vector_store %arg6[%swap3A_236, %swap3A_237], %add3A_235 {strides = array<i32>} : memref<800x64xf32, #tpu.memory_space<vmem>>, vector<16xf32>,
      %add3A_239 = arith.constant 400 : i32
      %add3A_240 = arith.addi %add3A_239, %scan3A_208 : i32
      %get3A_241 = arith.index_cast %add3A_240 : i32 to index
      %get3A_242 = arith.constant 0 : index
      %get3A_243 = tpu.vector_load %arg6[%get3A_241, %get3A_242] {strides = array<i32>} : memref<800x64xf32, #tpu.memory_space<vmem>>, vector<16xf32>,
      %mul3A_244 = arith.constant 8.000000e+00 : f32
      %mul3A_245 = vector.broadcast %mul3A_244 : f32 to vector<16xf32>
      %mul3A_246 = arith.mulf %get3A_243, %mul3A_245 : vector<16xf32>
      %add3A_247 = arith.addf %mul3A_246, %bitcast3A : vector<16xf32>
      %swap3A_248 = arith.index_cast %add3A_240 : i32 to index
      %swap3A_249 = arith.constant 0 : index
      %swap3A_250 = tpu.vector_load %arg6[%swap3A_248, %swap3A_249] {strides = array<i32>} : memref<800x64xf32, #tpu.memory_space<vmem>>, vector<16xf32>,
      tpu.vector_store %arg6[%swap3A_248, %swap3A_249], %add3A_247 {strides = array<i32>} : memref<800x64xf32, #tpu.memory_space<vmem>>, vector<16xf32>,
      %add3A_251 = arith.constant 600 : i32
      %add3A_252 = arith.addi %add3A_251, %scan3A_208 : i32
      %get3A_253 = arith.index_cast %add3A_252 : i32 to index
      %get3A_254 = arith.constant 0 : index
      %get3A_255 = tpu.vector_load %arg6[%get3A_253, %get3A_254] {strides = array<i32>} : memref<800x64xf32, #tpu.memory_space<vmem>>, vector<16xf32>,
      %mul3A_256 = arith.constant 8.000000e+00 : f32
      %mul3A_257 = vector.broadcast %mul3A_256 : f32 to vector<16xf32>
      %mul3A_258 = arith.mulf %get3A_255, %mul3A_257 : vector<16xf32>
      %add3A_259 = arith.addf %mul3A_258, %bitcast3A : vector<16xf32>
      %swap3A_260 = arith.index_cast %add3A_252 : i32 to index
      %swap3A_261 = arith.constant 0 : index
      %swap3A_262 = tpu.vector_load %arg6[%swap3A_260, %swap3A_261] {strides = array<i32>} : memref<800x64xf32, #tpu.memory_space<vmem>>, vector<16xf32>,
      tpu.vector_store %arg6[%swap3A_260, %swap3A_261], %add3A_259 {strides = array<i32>} : memref<800x64xf32, #tpu.memory_space<vmem>>, vector<16xf32>,
      %mul3A_263 = arith.constant 4 : i32
      %mul3A_264 = arith.muli %scan3A_208, %mul3A_263 : i32
      %add3A_265 = arith.constant 1 : i32
      %add3A_266 = arith.addi %mul3A_264, %add3A_265 : i32
      %mul3A_267 = arith.constant 16 : i32
      %mul3A_268 = arith.muli %add3A_266, %mul3A_267 : i32
      %get3A_269 = arith.index_cast %mul3A_268 : i32 to index
      %get3A_270 = tpu.vector_load %arg8[%get3A_269] {strides = array<i32>} : memref<12800xi32, #tpu.memory_space<vmem>>, vector<16xi32>,
      %bitcast3A_271 = vector.bitcast %get3A_270 : vector<16xi32> to vector<16xf32>
      %add3A_272 = arith.constant 0 : i32
      %add3A_273 = arith.addi %add3A_272, %scan3A_208 : i32
      %get3A_274 = arith.index_cast %add3A_273 : i32 to index
      %get3A_275 = arith.constant 16 : index
      %get3A_276 = tpu.vector_load %arg6[%get3A_274, %get3A_275] {strides = array<i32>} : memref<800x64xf32, #tpu.memory_space<vmem>>, vector<16xf32>,
      %mul3A_277 = arith.constant 8.000000e+00 : f32
      %mul3A_278 = vector.broadcast %mul3A_277 : f32 to vector<16xf32>
      %mul3A_279 = arith.mulf %get3A_276, %mul3A_278 : vector<16xf32>
      %add3A_280 = arith.addf %mul3A_279, %bitcast3A_271 : vector<16xf32>
      %swap3A_281 = arith.index_cast %add3A_273 : i32 to index
      %swap3A_282 = arith.constant 16 : index
      %swap3A_283 = tpu.vector_load %arg6[%swap3A_281, %swap3A_282] {strides = array<i32>} : memref<800x64xf32, #tpu.memory_space<vmem>>, vector<16xf32>,
      tpu.vector_store %arg6[%swap3A_281, %swap3A_282], %add3A_280 {strides = array<i32>} : memref<800x64xf32, #tpu.memory_space<vmem>>, vector<16xf32>,
      %add3A_284 = arith.constant 200 : i32
      %add3A_285 = arith.addi %add3A_284, %scan3A_208 : i32
      %get3A_286 = arith.index_cast %add3A_285 : i32 to index
      %get3A_287 = arith.constant 16 : index
      %get3A_288 = tpu.vector_load %arg6[%get3A_286, %get3A_287] {strides = array<i32>} : memref<800x64xf32, #tpu.memory_space<vmem>>, vector<16xf32>,
      %mul3A_289 = arith.constant 8.000000e+00 : f32
      %mul3A_290 = vector.broadcast %mul3A_289 : f32 to vector<16xf32>
      %mul3A_291 = arith.mulf %get3A_288, %mul3A_290 : vector<16xf32>
      %add3A_292 = arith.addf %mul3A_291, %bitcast3A_271 : vector<16xf32>
      %swap3A_293 = arith.index_cast %add3A_285 : i32 to index
      %swap3A_294 = arith.constant 16 : index
      %swap3A_295 = tpu.vector_load %arg6[%swap3A_293, %swap3A_294] {strides = array<i32>} : memref<800x64xf32, #tpu.memory_space<vmem>>, vector<16xf32>,
      tpu.vector_store %arg6[%swap3A_293, %swap3A_294], %add3A_292 {strides = array<i32>} : memref<800x64xf32, #tpu.memory_space<vmem>>, vector<16xf32>,
      %add3A_296 = arith.constant 400 : i32
      %add3A_297 = arith.addi %add3A_296, %scan3A_208 : i32
      %get3A_298 = arith.index_cast %add3A_297 : i32 to index
      %get3A_299 = arith.constant 16 : index
      %get3A_300 = tpu.vector_load %arg6[%get3A_298, %get3A_299] {strides = array<i32>} : memref<800x64xf32, #tpu.memory_space<vmem>>, vector<16xf32>,
      %mul3A_301 = arith.constant 8.000000e+00 : f32
      %mul3A_302 = vector.broadcast %mul3A_301 : f32 to vector<16xf32>
      %mul3A_303 = arith.mulf %get3A_300, %mul3A_302 : vector<16xf32>
      %add3A_304 = arith.addf %mul3A_303, %bitcast3A_271 : vector<16xf32>
      %swap3A_305 = arith.index_cast %add3A_297 : i32 to index
      %swap3A_306 = arith.constant 16 : index
      %swap3A_307 = tpu.vector_load %arg6[%swap3A_305, %swap3A_306] {strides = array<i32>} : memref<800x64xf32, #tpu.memory_space<vmem>>, vector<16xf32>,
      tpu.vector_store %arg6[%swap3A_305, %swap3A_306], %add3A_304 {strides = array<i32>} : memref<800x64xf32, #tpu.memory_space<vmem>>, vector<16xf32>,
      %add3A_308 = arith.constant 600 : i32
      %add3A_309 = arith.addi %add3A_308, %scan3A_208 : i32
      %get3A_310 = arith.index_cast %add3A_309 : i32 to index
      %get3A_311 = arith.constant 16 : index
      %get3A_312 = tpu.vector_load %arg6[%get3A_310, %get3A_311] {strides = array<i32>} : memref<800x64xf32, #tpu.memory_space<vmem>>, vector<16xf32>,
      %mul3A_313 = arith.constant 8.000000e+00 : f32
      %mul3A_314 = vector.broadcast %mul3A_313 : f32 to vector<16xf32>
      %mul3A_315 = arith.mulf %get3A_312, %mul3A_314 : vector<16xf32>
      %add3A_316 = arith.addf %mul3A_315, %bitcast3A_271 : vector<16xf32>
      %swap3A_317 = arith.index_cast %add3A_309 : i32 to index
      %swap3A_318 = arith.constant 16 : index
      %swap3A_319 = tpu.vector_load %arg6[%swap3A_317, %swap3A_318] {strides = array<i32>} : memref<800x64xf32, #tpu.memory_space<vmem>>, vector<16xf32>,
      tpu.vector_store %arg6[%swap3A_317, %swap3A_318], %add3A_316 {strides = array<i32>} : memref<800x64xf32, #tpu.memory_space<vmem>>, vector<16xf32>,
      %mul3A_320 = arith.constant 4 : i32
      %mul3A_321 = arith.muli %scan3A_208, %mul3A_320 : i32
      %add3A_322 = arith.constant 2 : i32
      %add3A_323 = arith.addi %mul3A_321, %add3A_322 : i32
      %mul3A_324 = arith.constant 16 : i32
      %mul3A_325 = arith.muli %add3A_323, %mul3A_324 : i32
      %get3A_326 = arith.index_cast %mul3A_325 : i32 to index
      %get3A_327 = tpu.vector_load %arg8[%get3A_326] {strides = array<i32>} : memref<12800xi32, #tpu.memory_space<vmem>>, vector<16xi32>,
      %bitcast3A_328 = vector.bitcast %get3A_327 : vector<16xi32> to vector<16xf32>
      %add3A_329 = arith.constant 0 : i32
      %add3A_330 = arith.addi %add3A_329, %scan3A_208 : i32
      %get3A_331 = arith.index_cast %add3A_330 : i32 to index
      %get3A_332 = arith.constant 32 : index
      %get3A_333 = tpu.vector_load %arg6[%get3A_331, %get3A_332] {strides = array<i32>} : memref<800x64xf32, #tpu.memory_space<vmem>>, vector<16xf32>,
      %mul3A_334 = arith.constant 8.000000e+00 : f32
      %mul3A_335 = vector.broadcast %mul3A_334 : f32 to vector<16xf32>
      %mul3A_336 = arith.mulf %get3A_333, %mul3A_335 : vector<16xf32>
      %add3A_337 = arith.addf %mul3A_336, %bitcast3A_328 : vector<16xf32>
      %swap3A_338 = arith.index_cast %add3A_330 : i32 to index
      %swap3A_339 = arith.constant 32 : index
      %swap3A_340 = tpu.vector_load %arg6[%swap3A_338, %swap3A_339] {strides = array<i32>} : memref<800x64xf32, #tpu.memory_space<vmem>>, vector<16xf32>,
      tpu.vector_store %arg6[%swap3A_338, %swap3A_339], %add3A_337 {strides = array<i32>} : memref<800x64xf32, #tpu.memory_space<vmem>>, vector<16xf32>,
      %add3A_341 = arith.constant 200 : i32
      %add3A_342 = arith.addi %add3A_341, %scan3A_208 : i32
      %get3A_343 = arith.index_cast %add3A_342 : i32 to index
      %get3A_344 = arith.constant 32 : index
      %get3A_345 = tpu.vector_load %arg6[%get3A_343, %get3A_344] {strides = array<i32>} : memref<800x64xf32, #tpu.memory_space<vmem>>, vector<16xf32>,
      %mul3A_346 = arith.constant 8.000000e+00 : f32
      %mul3A_347 = vector.broadcast %mul3A_346 : f32 to vector<16xf32>
      %mul3A_348 = arith.mulf %get3A_345, %mul3A_347 : vector<16xf32>
      %add3A_349 = arith.addf %mul3A_348, %bitcast3A_328 : vector<16xf32>
      %swap3A_350 = arith.index_cast %add3A_342 : i32 to index
      %swap3A_351 = arith.constant 32 : index
      %swap3A_352 = tpu.vector_load %arg6[%swap3A_350, %swap3A_351] {strides = array<i32>} : memref<800x64xf32, #tpu.memory_space<vmem>>, vector<16xf32>,
      tpu.vector_store %arg6[%swap3A_350, %swap3A_351], %add3A_349 {strides = array<i32>} : memref<800x64xf32, #tpu.memory_space<vmem>>, vector<16xf32>,
      %add3A_353 = arith.constant 400 : i32
      %add3A_354 = arith.addi %add3A_353, %scan3A_208 : i32
      %get3A_355 = arith.index_cast %add3A_354 : i32 to index
      %get3A_356 = arith.constant 32 : index
      %get3A_357 = tpu.vector_load %arg6[%get3A_355, %get3A_356] {strides = array<i32>} : memref<800x64xf32, #tpu.memory_space<vmem>>, vector<16xf32>,
      %mul3A_358 = arith.constant 8.000000e+00 : f32
      %mul3A_359 = vector.broadcast %mul3A_358 : f32 to vector<16xf32>
      %mul3A_360 = arith.mulf %get3A_357, %mul3A_359 : vector<16xf32>
      %add3A_361 = arith.addf %mul3A_360, %bitcast3A_328 : vector<16xf32>
      %swap3A_362 = arith.index_cast %add3A_354 : i32 to index
      %swap3A_363 = arith.constant 32 : index
      %swap3A_364 = tpu.vector_load %arg6[%swap3A_362, %swap3A_363] {strides = array<i32>} : memref<800x64xf32, #tpu.memory_space<vmem>>, vector<16xf32>,
      tpu.vector_store %arg6[%swap3A_362, %swap3A_363], %add3A_361 {strides = array<i32>} : memref<800x64xf32, #tpu.memory_space<vmem>>, vector<16xf32>,
      %add3A_365 = arith.constant 600 : i32
      %add3A_366 = arith.addi %add3A_365, %scan3A_208 : i32
      %get3A_367 = arith.index_cast %add3A_366 : i32 to index
      %get3A_368 = arith.constant 32 : index
      %get3A_369 = tpu.vector_load %arg6[%get3A_367, %get3A_368] {strides = array<i32>} : memref<800x64xf32, #tpu.memory_space<vmem>>, vector<16xf32>,
      %mul3A_370 = arith.constant 8.000000e+00 : f32
      %mul3A_371 = vector.broadcast %mul3A_370 : f32 to vector<16xf32>
      %mul3A_372 = arith.mulf %get3A_369, %mul3A_371 : vector<16xf32>
      %add3A_373 = arith.addf %mul3A_372, %bitcast3A_328 : vector<16xf32>
      %swap3A_374 = arith.index_cast %add3A_366 : i32 to index
      %swap3A_375 = arith.constant 32 : index
      %swap3A_376 = tpu.vector_load %arg6[%swap3A_374, %swap3A_375] {strides = array<i32>} : memref<800x64xf32, #tpu.memory_space<vmem>>, vector<16xf32>,
      tpu.vector_store %arg6[%swap3A_374, %swap3A_375], %add3A_373 {strides = array<i32>} : memref<800x64xf32, #tpu.memory_space<vmem>>, vector<16xf32>,
      %mul3A_377 = arith.constant 4 : i32
      %mul3A_378 = arith.muli %scan3A_208, %mul3A_377 : i32
      %add3A_379 = arith.constant 3 : i32
      %add3A_380 = arith.addi %mul3A_378, %add3A_379 : i32
      %mul3A_381 = arith.constant 16 : i32
      %mul3A_382 = arith.muli %add3A_380, %mul3A_381 : i32
      %get3A_383 = arith.index_cast %mul3A_382 : i32 to index
      %get3A_384 = tpu.vector_load %arg8[%get3A_383] {strides = array<i32>} : memref<12800xi32, #tpu.memory_space<vmem>>, vector<16xi32>,
      %bitcast3A_385 = vector.bitcast %get3A_384 : vector<16xi32> to vector<16xf32>
      %add3A_386 = arith.constant 0 : i32
      %add3A_387 = arith.addi %add3A_386, %scan3A_208 : i32
      %get3A_388 = arith.index_cast %add3A_387 : i32 to index
      %get3A_389 = arith.constant 48 : index
      %get3A_390 = tpu.vector_load %arg6[%get3A_388, %get3A_389] {strides = array<i32>} : memref<800x64xf32, #tpu.memory_space<vmem>>, vector<16xf32>,
      %mul3A_391 = arith.constant 8.000000e+00 : f32
      %mul3A_392 = vector.broadcast %mul3A_391 : f32 to vector<16xf32>
      %mul3A_393 = arith.mulf %get3A_390, %mul3A_392 : vector<16xf32>
      %add3A_394 = arith.addf %mul3A_393, %bitcast3A_385 : vector<16xf32>
      %swap3A_395 = arith.index_cast %add3A_387 : i32 to index
      %swap3A_396 = arith.constant 48 : index
      %swap3A_397 = tpu.vector_load %arg6[%swap3A_395, %swap3A_396] {strides = array<i32>} : memref<800x64xf32, #tpu.memory_space<vmem>>, vector<16xf32>,
      tpu.vector_store %arg6[%swap3A_395, %swap3A_396], %add3A_394 {strides = array<i32>} : memref<800x64xf32, #tpu.memory_space<vmem>>, vector<16xf32>,
      %add3A_398 = arith.constant 200 : i32
      %add3A_399 = arith.addi %add3A_398, %scan3A_208 : i32
      %get3A_400 = arith.index_cast %add3A_399 : i32 to index
      %get3A_401 = arith.constant 48 : index
      %get3A_402 = tpu.vector_load %arg6[%get3A_400, %get3A_401] {strides = array<i32>} : memref<800x64xf32, #tpu.memory_space<vmem>>, vector<16xf32>,
      %mul3A_403 = arith.constant 8.000000e+00 : f32
      %mul3A_404 = vector.broadcast %mul3A_403 : f32 to vector<16xf32>
      %mul3A_405 = arith.mulf %get3A_402, %mul3A_404 : vector<16xf32>
      %add3A_406 = arith.addf %mul3A_405, %bitcast3A_385 : vector<16xf32>
      %swap3A_407 = arith.index_cast %add3A_399 : i32 to index
      %swap3A_408 = arith.constant 48 : index
      %swap3A_409 = tpu.vector_load %arg6[%swap3A_407, %swap3A_408] {strides = array<i32>} : memref<800x64xf32, #tpu.memory_space<vmem>>, vector<16xf32>,
      tpu.vector_store %arg6[%swap3A_407, %swap3A_408], %add3A_406 {strides = array<i32>} : memref<800x64xf32, #tpu.memory_space<vmem>>, vector<16xf32>,
      %add3A_410 = arith.constant 400 : i32
      %add3A_411 = arith.addi %add3A_410, %scan3A_208 : i32
      %get3A_412 = arith.index_cast %add3A_411 : i32 to index
      %get3A_413 = arith.constant 48 : index
      %get3A_414 = tpu.vector_load %arg6[%get3A_412, %get3A_413] {strides = array<i32>} : memref<800x64xf32, #tpu.memory_space<vmem>>, vector<16xf32>,
      %mul3A_415 = arith.constant 8.000000e+00 : f32
      %mul3A_416 = vector.broadcast %mul3A_415 : f32 to vector<16xf32>
      %mul3A_417 = arith.mulf %get3A_414, %mul3A_416 : vector<16xf32>
      %add3A_418 = arith.addf %mul3A_417, %bitcast3A_385 : vector<16xf32>
      %swap3A_419 = arith.index_cast %add3A_411 : i32 to index
      %swap3A_420 = arith.constant 48 : index
      %swap3A_421 = tpu.vector_load %arg6[%swap3A_419, %swap3A_420] {strides = array<i32>} : memref<800x64xf32, #tpu.memory_space<vmem>>, vector<16xf32>,
      tpu.vector_store %arg6[%swap3A_419, %swap3A_420], %add3A_418 {strides = array<i32>} : memref<800x64xf32, #tpu.memory_space<vmem>>, vector<16xf32>,
      %add3A_422 = arith.constant 600 : i32
      %add3A_423 = arith.addi %add3A_422, %scan3A_208 : i32
      %get3A_424 = arith.index_cast %add3A_423 : i32 to index
      %get3A_425 = arith.constant 48 : index
      %get3A_426 = tpu.vector_load %arg6[%get3A_424, %get3A_425] {strides = array<i32>} : memref<800x64xf32, #tpu.memory_space<vmem>>, vector<16xf32>,
      %mul3A_427 = arith.constant 8.000000e+00 : f32
      %mul3A_428 = vector.broadcast %mul3A_427 : f32 to vector<16xf32>
      %mul3A_429 = arith.mulf %get3A_426, %mul3A_428 : vector<16xf32>
      %add3A_430 = arith.addf %mul3A_429, %bitcast3A_385 : vector<16xf32>
      %swap3A_431 = arith.index_cast %add3A_423 : i32 to index
      %swap3A_432 = arith.constant 48 : index
      %swap3A_433 = tpu.vector_load %arg6[%swap3A_431, %swap3A_432] {strides = array<i32>} : memref<800x64xf32, #tpu.memory_space<vmem>>, vector<16xf32>,
      tpu.vector_store %arg6[%swap3A_431, %swap3A_432], %add3A_430 {strides = array<i32>} : memref<800x64xf32, #tpu.memory_space<vmem>>, vector<16xf32>,
    }
    %scan3A_176 = arith.constant 200 : i32
    %add3A_177 = arith.constant 4800 : i32
    %add3A_178 = arith.addi %mul3A_2, %add3A_177 : i32
    %dma_start3A_179 = arith.constant 0 : i32
    %dma_start3A_180 = tpu.memref_slice %arg4[%add3A_178, %dma_start3A_179] : memref<204800x128xf32, #tpu.memory_space<hbm>> -> memref<800x64xf32, #tpu.memory_space<hbm>>
    %dma_start3A_181 = arith.constant 0 : i32
    %dma_start3A_182 = tpu.memref_slice %arg4[%add3A_178, %dma_start3A_181] : memref<204800x128xf32, #tpu.memory_space<hbm>> -> memref<800x64xf32, #tpu.memory_space<hbm>>
    tpu.enqueue_dma source(%arg6 : memref<800x64xf32, #tpu.memory_space<vmem>>) target(%dma_start3A_182 : memref<800x64xf32, #tpu.memory_space<hbm>>) target_semaphore(%arg10 : memref<!tpu.dma_semaphore, #tpu.memory_space<semaphore_mem>>)
    %dma_wait3A_183 = arith.constant 5600 : i32
    %dma_wait3A_184 = tpu.memref_slice %arg5[%dma_wait3A_183] : memref<6400xi32, #tpu.memory_space<vmem>> -> memref<800xi32, #tpu.memory_space<vmem>>
    %dma_wait3A_185 = arith.constant 0 : i32
    %dma_wait3A_186 = arith.constant 0 : i32
    %dma_wait3A_187 = tpu.memref_slice %arg3[%dma_wait3A_185, %dma_wait3A_186] : memref<100000x64xf32, #tpu.memory_space<hbm>> -> memref<100000x64xf32, #tpu.memory_space<hbm>>
    tpu.wait_indirect_dma semaphore(%arg9 : memref<!tpu.dma_semaphore, #tpu.memory_space<semaphore_mem>>) src(%dma_wait3A_187 : memref<100000x64xf32, #tpu.memory_space<hbm>>) dst(%arg7 : memref<800x64xf32, #tpu.memory_space<vmem>>)
    %scan3A_188 = arith.constant 0 : i32
    %scan3A_189 = arith.constant 0 : i32
    %scan3A_190 = arith.constant 200 : i32
    %scan3A_191 = arith.addi %scan3A_189, %scan3A_190 : i32
    %scan3A_192 = arith.constant 1 : i32
    scf.for %scan3A_208 = %scan3A_189 to %scan3A_191 step %scan3A_192  : i32 {
      %mul3A_209 = arith.constant 4 : i32
      %mul3A_210 = arith.muli %scan3A_208, %mul3A_209 : i32
      %add3A_211 = arith.constant 0 : i32
      %add3A_212 = arith.addi %mul3A_210, %add3A_211 : i32
      %mul3A_213 = arith.constant 16 : i32
      %mul3A_214 = arith.muli %add3A_212, %mul3A_213 : i32
      %get3A = arith.index_cast %mul3A_214 : i32 to index
      %get3A_215 = tpu.vector_load %arg8[%get3A] {strides = array<i32>} : memref<12800xi32, #tpu.memory_space<vmem>>, vector<16xi32>,
      %bitcast3A = vector.bitcast %get3A_215 : vector<16xi32> to vector<16xf32>
      %add3A_216 = arith.constant 0 : i32
      %add3A_217 = arith.addi %add3A_216, %scan3A_208 : i32
      %get3A_218 = arith.index_cast %add3A_217 : i32 to index
      %get3A_219 = arith.constant 0 : index
      %get3A_220 = tpu.vector_load %arg7[%get3A_218, %get3A_219] {strides = array<i32>} : memref<800x64xf32, #tpu.memory_space<vmem>>, vector<16xf32>,
      %mul3A_221 = arith.constant 8.000000e+00 : f32
      %mul3A_222 = vector.broadcast %mul3A_221 : f32 to vector<16xf32>
      %mul3A_223 = arith.mulf %get3A_220, %mul3A_222 : vector<16xf32>
      %add3A_224 = arith.addf %mul3A_223, %bitcast3A : vector<16xf32>
      %swap3A = arith.index_cast %add3A_217 : i32 to index
      %swap3A_225 = arith.constant 0 : index
      %swap3A_226 = tpu.vector_load %arg7[%swap3A, %swap3A_225] {strides = array<i32>} : memref<800x64xf32, #tpu.memory_space<vmem>>, vector<16xf32>,
      tpu.vector_store %arg7[%swap3A, %swap3A_225], %add3A_224 {strides = array<i32>} : memref<800x64xf32, #tpu.memory_space<vmem>>, vector<16xf32>,
      %add3A_227 = arith.constant 200 : i32
      %add3A_228 = arith.addi %add3A_227, %scan3A_208 : i32
      %get3A_229 = arith.index_cast %add3A_228 : i32 to index
      %get3A_230 = arith.constant 0 : index
      %get3A_231 = tpu.vector_load %arg7[%get3A_229, %get3A_230] {strides = array<i32>} : memref<800x64xf32, #tpu.memory_space<vmem>>, vector<16xf32>,
      %mul3A_232 = arith.constant 8.000000e+00 : f32
      %mul3A_233 = vector.broadcast %mul3A_232 : f32 to vector<16xf32>
      %mul3A_234 = arith.mulf %get3A_231, %mul3A_233 : vector<16xf32>
      %add3A_235 = arith.addf %mul3A_234, %bitcast3A : vector<16xf32>
      %swap3A_236 = arith.index_cast %add3A_228 : i32 to index
      %swap3A_237 = arith.constant 0 : index
      %swap3A_238 = tpu.vector_load %arg7[%swap3A_236, %swap3A_237] {strides = array<i32>} : memref<800x64xf32, #tpu.memory_space<vmem>>, vector<16xf32>,
      tpu.vector_store %arg7[%swap3A_236, %swap3A_237], %add3A_235 {strides = array<i32>} : memref<800x64xf32, #tpu.memory_space<vmem>>, vector<16xf32>,
      %add3A_239 = arith.constant 400 : i32
      %add3A_240 = arith.addi %add3A_239, %scan3A_208 : i32
      %get3A_241 = arith.index_cast %add3A_240 : i32 to index
      %get3A_242 = arith.constant 0 : index
      %get3A_243 = tpu.vector_load %arg7[%get3A_241, %get3A_242] {strides = array<i32>} : memref<800x64xf32, #tpu.memory_space<vmem>>, vector<16xf32>,
      %mul3A_244 = arith.constant 8.000000e+00 : f32
      %mul3A_245 = vector.broadcast %mul3A_244 : f32 to vector<16xf32>
      %mul3A_246 = arith.mulf %get3A_243, %mul3A_245 : vector<16xf32>
      %add3A_247 = arith.addf %mul3A_246, %bitcast3A : vector<16xf32>
      %swap3A_248 = arith.index_cast %add3A_240 : i32 to index
      %swap3A_249 = arith.constant 0 : index
      %swap3A_250 = tpu.vector_load %arg7[%swap3A_248, %swap3A_249] {strides = array<i32>} : memref<800x64xf32, #tpu.memory_space<vmem>>, vector<16xf32>,
      tpu.vector_store %arg7[%swap3A_248, %swap3A_249], %add3A_247 {strides = array<i32>} : memref<800x64xf32, #tpu.memory_space<vmem>>, vector<16xf32>,
      %add3A_251 = arith.constant 600 : i32
      %add3A_252 = arith.addi %add3A_251, %scan3A_208 : i32
      %get3A_253 = arith.index_cast %add3A_252 : i32 to index
      %get3A_254 = arith.constant 0 : index
      %get3A_255 = tpu.vector_load %arg7[%get3A_253, %get3A_254] {strides = array<i32>} : memref<800x64xf32, #tpu.memory_space<vmem>>, vector<16xf32>,
      %mul3A_256 = arith.constant 8.000000e+00 : f32
      %mul3A_257 = vector.broadcast %mul3A_256 : f32 to vector<16xf32>
      %mul3A_258 = arith.mulf %get3A_255, %mul3A_257 : vector<16xf32>
      %add3A_259 = arith.addf %mul3A_258, %bitcast3A : vector<16xf32>
      %swap3A_260 = arith.index_cast %add3A_252 : i32 to index
      %swap3A_261 = arith.constant 0 : index
      %swap3A_262 = tpu.vector_load %arg7[%swap3A_260, %swap3A_261] {strides = array<i32>} : memref<800x64xf32, #tpu.memory_space<vmem>>, vector<16xf32>,
      tpu.vector_store %arg7[%swap3A_260, %swap3A_261], %add3A_259 {strides = array<i32>} : memref<800x64xf32, #tpu.memory_space<vmem>>, vector<16xf32>,
      %mul3A_263 = arith.constant 4 : i32
      %mul3A_264 = arith.muli %scan3A_208, %mul3A_263 : i32
      %add3A_265 = arith.constant 1 : i32
      %add3A_266 = arith.addi %mul3A_264, %add3A_265 : i32
      %mul3A_267 = arith.constant 16 : i32
      %mul3A_268 = arith.muli %add3A_266, %mul3A_267 : i32
      %get3A_269 = arith.index_cast %mul3A_268 : i32 to index
      %get3A_270 = tpu.vector_load %arg8[%get3A_269] {strides = array<i32>} : memref<12800xi32, #tpu.memory_space<vmem>>, vector<16xi32>,
      %bitcast3A_271 = vector.bitcast %get3A_270 : vector<16xi32> to vector<16xf32>
      %add3A_272 = arith.constant 0 : i32
      %add3A_273 = arith.addi %add3A_272, %scan3A_208 : i32
      %get3A_274 = arith.index_cast %add3A_273 : i32 to index
      %get3A_275 = arith.constant 16 : index
      %get3A_276 = tpu.vector_load %arg7[%get3A_274, %get3A_275] {strides = array<i32>} : memref<800x64xf32, #tpu.memory_space<vmem>>, vector<16xf32>,
      %mul3A_277 = arith.constant 8.000000e+00 : f32
      %mul3A_278 = vector.broadcast %mul3A_277 : f32 to vector<16xf32>
      %mul3A_279 = arith.mulf %get3A_276, %mul3A_278 : vector<16xf32>
      %add3A_280 = arith.addf %mul3A_279, %bitcast3A_271 : vector<16xf32>
      %swap3A_281 = arith.index_cast %add3A_273 : i32 to index
      %swap3A_282 = arith.constant 16 : index
      %swap3A_283 = tpu.vector_load %arg7[%swap3A_281, %swap3A_282] {strides = array<i32>} : memref<800x64xf32, #tpu.memory_space<vmem>>, vector<16xf32>,
      tpu.vector_store %arg7[%swap3A_281, %swap3A_282], %add3A_280 {strides = array<i32>} : memref<800x64xf32, #tpu.memory_space<vmem>>, vector<16xf32>,
      %add3A_284 = arith.constant 200 : i32
      %add3A_285 = arith.addi %add3A_284, %scan3A_208 : i32
      %get3A_286 = arith.index_cast %add3A_285 : i32 to index
      %get3A_287 = arith.constant 16 : index
      %get3A_288 = tpu.vector_load %arg7[%get3A_286, %get3A_287] {strides = array<i32>} : memref<800x64xf32, #tpu.memory_space<vmem>>, vector<16xf32>,
      %mul3A_289 = arith.constant 8.000000e+00 : f32
      %mul3A_290 = vector.broadcast %mul3A_289 : f32 to vector<16xf32>
      %mul3A_291 = arith.mulf %get3A_288, %mul3A_290 : vector<16xf32>
      %add3A_292 = arith.addf %mul3A_291, %bitcast3A_271 : vector<16xf32>
      %swap3A_293 = arith.index_cast %add3A_285 : i32 to index
      %swap3A_294 = arith.constant 16 : index
      %swap3A_295 = tpu.vector_load %arg7[%swap3A_293, %swap3A_294] {strides = array<i32>} : memref<800x64xf32, #tpu.memory_space<vmem>>, vector<16xf32>,
      tpu.vector_store %arg7[%swap3A_293, %swap3A_294], %add3A_292 {strides = array<i32>} : memref<800x64xf32, #tpu.memory_space<vmem>>, vector<16xf32>,
      %add3A_296 = arith.constant 400 : i32
      %add3A_297 = arith.addi %add3A_296, %scan3A_208 : i32
      %get3A_298 = arith.index_cast %add3A_297 : i32 to index
      %get3A_299 = arith.constant 16 : index
      %get3A_300 = tpu.vector_load %arg7[%get3A_298, %get3A_299] {strides = array<i32>} : memref<800x64xf32, #tpu.memory_space<vmem>>, vector<16xf32>,
      %mul3A_301 = arith.constant 8.000000e+00 : f32
      %mul3A_302 = vector.broadcast %mul3A_301 : f32 to vector<16xf32>
      %mul3A_303 = arith.mulf %get3A_300, %mul3A_302 : vector<16xf32>
      %add3A_304 = arith.addf %mul3A_303, %bitcast3A_271 : vector<16xf32>
      %swap3A_305 = arith.index_cast %add3A_297 : i32 to index
      %swap3A_306 = arith.constant 16 : index
      %swap3A_307 = tpu.vector_load %arg7[%swap3A_305, %swap3A_306] {strides = array<i32>} : memref<800x64xf32, #tpu.memory_space<vmem>>, vector<16xf32>,
      tpu.vector_store %arg7[%swap3A_305, %swap3A_306], %add3A_304 {strides = array<i32>} : memref<800x64xf32, #tpu.memory_space<vmem>>, vector<16xf32>,
      %add3A_308 = arith.constant 600 : i32
      %add3A_309 = arith.addi %add3A_308, %scan3A_208 : i32
      %get3A_310 = arith.index_cast %add3A_309 : i32 to index
      %get3A_311 = arith.constant 16 : index
      %get3A_312 = tpu.vector_load %arg7[%get3A_310, %get3A_311] {strides = array<i32>} : memref<800x64xf32, #tpu.memory_space<vmem>>, vector<16xf32>,
      %mul3A_313 = arith.constant 8.000000e+00 : f32
      %mul3A_314 = vector.broadcast %mul3A_313 : f32 to vector<16xf32>
      %mul3A_315 = arith.mulf %get3A_312, %mul3A_314 : vector<16xf32>
      %add3A_316 = arith.addf %mul3A_315, %bitcast3A_271 : vector<16xf32>
      %swap3A_317 = arith.index_cast %add3A_309 : i32 to index
      %swap3A_318 = arith.constant 16 : index
      %swap3A_319 = tpu.vector_load %arg7[%swap3A_317, %swap3A_318] {strides = array<i32>} : memref<800x64xf32, #tpu.memory_space<vmem>>, vector<16xf32>,
      tpu.vector_store %arg7[%swap3A_317, %swap3A_318], %add3A_316 {strides = array<i32>} : memref<800x64xf32, #tpu.memory_space<vmem>>, vector<16xf32>,
      %mul3A_320 = arith.constant 4 : i32
      %mul3A_321 = arith.muli %scan3A_208, %mul3A_320 : i32
      %add3A_322 = arith.constant 2 : i32
      %add3A_323 = arith.addi %mul3A_321, %add3A_322 : i32
      %mul3A_324 = arith.constant 16 : i32
      %mul3A_325 = arith.muli %add3A_323, %mul3A_324 : i32
      %get3A_326 = arith.index_cast %mul3A_325 : i32 to index
      %get3A_327 = tpu.vector_load %arg8[%get3A_326] {strides = array<i32>} : memref<12800xi32, #tpu.memory_space<vmem>>, vector<16xi32>,
      %bitcast3A_328 = vector.bitcast %get3A_327 : vector<16xi32> to vector<16xf32>
      %add3A_329 = arith.constant 0 : i32
      %add3A_330 = arith.addi %add3A_329, %scan3A_208 : i32
      %get3A_331 = arith.index_cast %add3A_330 : i32 to index
      %get3A_332 = arith.constant 32 : index
      %get3A_333 = tpu.vector_load %arg7[%get3A_331, %get3A_332] {strides = array<i32>} : memref<800x64xf32, #tpu.memory_space<vmem>>, vector<16xf32>,
      %mul3A_334 = arith.constant 8.000000e+00 : f32
      %mul3A_335 = vector.broadcast %mul3A_334 : f32 to vector<16xf32>
      %mul3A_336 = arith.mulf %get3A_333, %mul3A_335 : vector<16xf32>
      %add3A_337 = arith.addf %mul3A_336, %bitcast3A_328 : vector<16xf32>
      %swap3A_338 = arith.index_cast %add3A_330 : i32 to index
      %swap3A_339 = arith.constant 32 : index
      %swap3A_340 = tpu.vector_load %arg7[%swap3A_338, %swap3A_339] {strides = array<i32>} : memref<800x64xf32, #tpu.memory_space<vmem>>, vector<16xf32>,
      tpu.vector_store %arg7[%swap3A_338, %swap3A_339], %add3A_337 {strides = array<i32>} : memref<800x64xf32, #tpu.memory_space<vmem>>, vector<16xf32>,
      %add3A_341 = arith.constant 200 : i32
      %add3A_342 = arith.addi %add3A_341, %scan3A_208 : i32
      %get3A_343 = arith.index_cast %add3A_342 : i32 to index
      %get3A_344 = arith.constant 32 : index
      %get3A_345 = tpu.vector_load %arg7[%get3A_343, %get3A_344] {strides = array<i32>} : memref<800x64xf32, #tpu.memory_space<vmem>>, vector<16xf32>,
      %mul3A_346 = arith.constant 8.000000e+00 : f32
      %mul3A_347 = vector.broadcast %mul3A_346 : f32 to vector<16xf32>
      %mul3A_348 = arith.mulf %get3A_345, %mul3A_347 : vector<16xf32>
      %add3A_349 = arith.addf %mul3A_348, %bitcast3A_328 : vector<16xf32>
      %swap3A_350 = arith.index_cast %add3A_342 : i32 to index
      %swap3A_351 = arith.constant 32 : index
      %swap3A_352 = tpu.vector_load %arg7[%swap3A_350, %swap3A_351] {strides = array<i32>} : memref<800x64xf32, #tpu.memory_space<vmem>>, vector<16xf32>,
      tpu.vector_store %arg7[%swap3A_350, %swap3A_351], %add3A_349 {strides = array<i32>} : memref<800x64xf32, #tpu.memory_space<vmem>>, vector<16xf32>,
      %add3A_353 = arith.constant 400 : i32
      %add3A_354 = arith.addi %add3A_353, %scan3A_208 : i32
      %get3A_355 = arith.index_cast %add3A_354 : i32 to index
      %get3A_356 = arith.constant 32 : index
      %get3A_357 = tpu.vector_load %arg7[%get3A_355, %get3A_356] {strides = array<i32>} : memref<800x64xf32, #tpu.memory_space<vmem>>, vector<16xf32>,
      %mul3A_358 = arith.constant 8.000000e+00 : f32
      %mul3A_359 = vector.broadcast %mul3A_358 : f32 to vector<16xf32>
      %mul3A_360 = arith.mulf %get3A_357, %mul3A_359 : vector<16xf32>
      %add3A_361 = arith.addf %mul3A_360, %bitcast3A_328 : vector<16xf32>
      %swap3A_362 = arith.index_cast %add3A_354 : i32 to index
      %swap3A_363 = arith.constant 32 : index
      %swap3A_364 = tpu.vector_load %arg7[%swap3A_362, %swap3A_363] {strides = array<i32>} : memref<800x64xf32, #tpu.memory_space<vmem>>, vector<16xf32>,
      tpu.vector_store %arg7[%swap3A_362, %swap3A_363], %add3A_361 {strides = array<i32>} : memref<800x64xf32, #tpu.memory_space<vmem>>, vector<16xf32>,
      %add3A_365 = arith.constant 600 : i32
      %add3A_366 = arith.addi %add3A_365, %scan3A_208 : i32
      %get3A_367 = arith.index_cast %add3A_366 : i32 to index
      %get3A_368 = arith.constant 32 : index
      %get3A_369 = tpu.vector_load %arg7[%get3A_367, %get3A_368] {strides = array<i32>} : memref<800x64xf32, #tpu.memory_space<vmem>>, vector<16xf32>,
      %mul3A_370 = arith.constant 8.000000e+00 : f32
      %mul3A_371 = vector.broadcast %mul3A_370 : f32 to vector<16xf32>
      %mul3A_372 = arith.mulf %get3A_369, %mul3A_371 : vector<16xf32>
      %add3A_373 = arith.addf %mul3A_372, %bitcast3A_328 : vector<16xf32>
      %swap3A_374 = arith.index_cast %add3A_366 : i32 to index
      %swap3A_375 = arith.constant 32 : index
      %swap3A_376 = tpu.vector_load %arg7[%swap3A_374, %swap3A_375] {strides = array<i32>} : memref<800x64xf32, #tpu.memory_space<vmem>>, vector<16xf32>,
      tpu.vector_store %arg7[%swap3A_374, %swap3A_375], %add3A_373 {strides = array<i32>} : memref<800x64xf32, #tpu.memory_space<vmem>>, vector<16xf32>,
      %mul3A_377 = arith.constant 4 : i32
      %mul3A_378 = arith.muli %scan3A_208, %mul3A_377 : i32
      %add3A_379 = arith.constant 3 : i32
      %add3A_380 = arith.addi %mul3A_378, %add3A_379 : i32
      %mul3A_381 = arith.constant 16 : i32
      %mul3A_382 = arith.muli %add3A_380, %mul3A_381 : i32
      %get3A_383 = arith.index_cast %mul3A_382 : i32 to index
      %get3A_384 = tpu.vector_load %arg8[%get3A_383] {strides = array<i32>} : memref<12800xi32, #tpu.memory_space<vmem>>, vector<16xi32>,
      %bitcast3A_385 = vector.bitcast %get3A_384 : vector<16xi32> to vector<16xf32>
      %add3A_386 = arith.constant 0 : i32
      %add3A_387 = arith.addi %add3A_386, %scan3A_208 : i32
      %get3A_388 = arith.index_cast %add3A_387 : i32 to index
      %get3A_389 = arith.constant 48 : index
      %get3A_390 = tpu.vector_load %arg7[%get3A_388, %get3A_389] {strides = array<i32>} : memref<800x64xf32, #tpu.memory_space<vmem>>, vector<16xf32>,
      %mul3A_391 = arith.constant 8.000000e+00 : f32
      %mul3A_392 = vector.broadcast %mul3A_391 : f32 to vector<16xf32>
      %mul3A_393 = arith.mulf %get3A_390, %mul3A_392 : vector<16xf32>
      %add3A_394 = arith.addf %mul3A_393, %bitcast3A_385 : vector<16xf32>
      %swap3A_395 = arith.index_cast %add3A_387 : i32 to index
      %swap3A_396 = arith.constant 48 : index
      %swap3A_397 = tpu.vector_load %arg7[%swap3A_395, %swap3A_396] {strides = array<i32>} : memref<800x64xf32, #tpu.memory_space<vmem>>, vector<16xf32>,
      tpu.vector_store %arg7[%swap3A_395, %swap3A_396], %add3A_394 {strides = array<i32>} : memref<800x64xf32, #tpu.memory_space<vmem>>, vector<16xf32>,
      %add3A_398 = arith.constant 200 : i32
      %add3A_399 = arith.addi %add3A_398, %scan3A_208 : i32
      %get3A_400 = arith.index_cast %add3A_399 : i32 to index
      %get3A_401 = arith.constant 48 : index
      %get3A_402 = tpu.vector_load %arg7[%get3A_400, %get3A_401] {strides = array<i32>} : memref<800x64xf32, #tpu.memory_space<vmem>>, vector<16xf32>,
      %mul3A_403 = arith.constant 8.000000e+00 : f32
      %mul3A_404 = vector.broadcast %mul3A_403 : f32 to vector<16xf32>
      %mul3A_405 = arith.mulf %get3A_402, %mul3A_404 : vector<16xf32>
      %add3A_406 = arith.addf %mul3A_405, %bitcast3A_385 : vector<16xf32>
      %swap3A_407 = arith.index_cast %add3A_399 : i32 to index
      %swap3A_408 = arith.constant 48 : index
      %swap3A_409 = tpu.vector_load %arg7[%swap3A_407, %swap3A_408] {strides = array<i32>} : memref<800x64xf32, #tpu.memory_space<vmem>>, vector<16xf32>,
      tpu.vector_store %arg7[%swap3A_407, %swap3A_408], %add3A_406 {strides = array<i32>} : memref<800x64xf32, #tpu.memory_space<vmem>>, vector<16xf32>,
      %add3A_410 = arith.constant 400 : i32
      %add3A_411 = arith.addi %add3A_410, %scan3A_208 : i32
      %get3A_412 = arith.index_cast %add3A_411 : i32 to index
      %get3A_413 = arith.constant 48 : index
      %get3A_414 = tpu.vector_load %arg7[%get3A_412, %get3A_413] {strides = array<i32>} : memref<800x64xf32, #tpu.memory_space<vmem>>, vector<16xf32>,
      %mul3A_415 = arith.constant 8.000000e+00 : f32
      %mul3A_416 = vector.broadcast %mul3A_415 : f32 to vector<16xf32>
      %mul3A_417 = arith.mulf %get3A_414, %mul3A_416 : vector<16xf32>
      %add3A_418 = arith.addf %mul3A_417, %bitcast3A_385 : vector<16xf32>
      %swap3A_419 = arith.index_cast %add3A_411 : i32 to index
      %swap3A_420 = arith.constant 48 : index
      %swap3A_421 = tpu.vector_load %arg7[%swap3A_419, %swap3A_420] {strides = array<i32>} : memref<800x64xf32, #tpu.memory_space<vmem>>, vector<16xf32>,
      tpu.vector_store %arg7[%swap3A_419, %swap3A_420], %add3A_418 {strides = array<i32>} : memref<800x64xf32, #tpu.memory_space<vmem>>, vector<16xf32>,
      %add3A_422 = arith.constant 600 : i32
      %add3A_423 = arith.addi %add3A_422, %scan3A_208 : i32
      %get3A_424 = arith.index_cast %add3A_423 : i32 to index
      %get3A_425 = arith.constant 48 : index
      %get3A_426 = tpu.vector_load %arg7[%get3A_424, %get3A_425] {strides = array<i32>} : memref<800x64xf32, #tpu.memory_space<vmem>>, vector<16xf32>,
      %mul3A_427 = arith.constant 8.000000e+00 : f32
      %mul3A_428 = vector.broadcast %mul3A_427 : f32 to vector<16xf32>
      %mul3A_429 = arith.mulf %get3A_426, %mul3A_428 : vector<16xf32>
      %add3A_430 = arith.addf %mul3A_429, %bitcast3A_385 : vector<16xf32>
      %swap3A_431 = arith.index_cast %add3A_423 : i32 to index
      %swap3A_432 = arith.constant 48 : index
      %swap3A_433 = tpu.vector_load %arg7[%swap3A_431, %swap3A_432] {strides = array<i32>} : memref<800x64xf32, #tpu.memory_space<vmem>>, vector<16xf32>,
      tpu.vector_store %arg7[%swap3A_431, %swap3A_432], %add3A_430 {strides = array<i32>} : memref<800x64xf32, #tpu.memory_space<vmem>>, vector<16xf32>,
    }
    %scan3A_193 = arith.constant 200 : i32
    %add3A_194 = arith.constant 5600 : i32
    %add3A_195 = arith.addi %mul3A_2, %add3A_194 : i32
    %dma_start3A_196 = arith.constant 0 : i32
    %dma_start3A_197 = tpu.memref_slice %arg4[%add3A_195, %dma_start3A_196] : memref<204800x128xf32, #tpu.memory_space<hbm>> -> memref<800x64xf32, #tpu.memory_space<hbm>>
    %dma_start3A_198 = arith.constant 0 : i32
    %dma_start3A_199 = tpu.memref_slice %arg4[%add3A_195, %dma_start3A_198] : memref<204800x128xf32, #tpu.memory_space<hbm>> -> memref<800x64xf32, #tpu.memory_space<hbm>>
    tpu.enqueue_dma source(%arg7 : memref<800x64xf32, #tpu.memory_space<vmem>>) target(%dma_start3A_199 : memref<800x64xf32, #tpu.memory_space<hbm>>) target_semaphore(%arg10 : memref<!tpu.dma_semaphore, #tpu.memory_space<semaphore_mem>>)
    %dma_wait3A_200 = arith.constant 0 : i32
    %dma_wait3A_201 = tpu.memref_slice %arg4[%add3A_178, %dma_wait3A_200] : memref<204800x128xf32, #tpu.memory_space<hbm>> -> memref<800x64xf32, #tpu.memory_space<hbm>>
    %dma_wait3A_202 = arith.constant 0 : i32
    %dma_wait3A_203 = tpu.memref_slice %arg4[%add3A_178, %dma_wait3A_202] : memref<204800x128xf32, #tpu.memory_space<hbm>> -> memref<800x64xf32, #tpu.memory_space<hbm>>
    tpu.wait_dma2 semaphore(%arg10 : memref<!tpu.dma_semaphore, #tpu.memory_space<semaphore_mem>>) src(%arg6 : memref<800x64xf32, #tpu.memory_space<vmem>>) dst(%dma_wait3A_203 : memref<800x64xf32, #tpu.memory_space<hbm>>)
    %dma_wait3A_204 = arith.constant 0 : i32
    %dma_wait3A_205 = tpu.memref_slice %arg4[%add3A_195, %dma_wait3A_204] : memref<204800x128xf32, #tpu.memory_space<hbm>> -> memref<800x64xf32, #tpu.memory_space<hbm>>
    %dma_wait3A_206 = arith.constant 0 : i32
    %dma_wait3A_207 = tpu.memref_slice %arg4[%add3A_195, %dma_wait3A_206] : memref<204800x128xf32, #tpu.memory_space<hbm>> -> memref<800x64xf32, #tpu.memory_space<hbm>>
    tpu.wait_dma2 semaphore(%arg10 : memref<!tpu.dma_semaphore, #tpu.memory_space<semaphore_mem>>) src(%arg7 : memref<800x64xf32, #tpu.memory_space<vmem>>) dst(%dma_wait3A_207 : memref<800x64xf32, #tpu.memory_space<hbm>>)
    return
  }
}

</mosaic_0001>

<sc_bundles>
// kernel: _embed.3.cloned.1.call-start
scs
__scs_entry_jumppad:
0x0: {  	(pc) =	sbr.rel $0x88, $3  }
0x1: {  	(tag) =	ssettag $0x0;
	lr =	simm.s32 $0x1  }
0x2: {  	[smem:$0x3F9F] =	sst lr;
	_ =	strace $0xD0000000  }
0x3: {  	_ = 	snop  }
0x4: {  	_ = 	snop  }
0x5: {  	_ = 	snop  }
0x6: {  	_ = 	snop  }
0x7: {  	_ = 	snop  }
__scs_overlays_trampoline_lowered:
0x8: {  	[smem:$0x3FAE] =	sst s0  }
0x9: {  	[smem:$0x3FAF] =	sst s1  }
0xa: {  	[smem:$0x3FB0] =	sst s2  }
0xb: {  	[smem:$0x3FB1] =	sst s3  }
0xc: {  	[smem:$0x3FB2] =	sst s4  }
0xd: {  	[smem:$0x3FB3] =	sst s5  }
0xe: {  	[smem:$0x3FB4] =	sst s6  }
0xf: {  	[smem:$0x3FB5] =	sst s7  }
0x10: {  	[smem:$0x3FB6] =	sst s8  }
0x11: {  	[smem:$0x3FB7] =	sst s9;
	s0 =	simm.s32 @!p0 $0x0  }
0x12: {  	s1 =	sld [smem:$0x3F9D];
	s0 =	simm.s32 @p0 $0x1  }
0x13: {  	[smem:$0x3FB8] =	sst s0;
	s0 =	simm.s32 @!p1 $0x0  }
0x14: {  	s2 =	sld [smem:$0x3F9C];
	s0 =	simm.s32 @p1 $0x1  }
0x15: {  	[smem:$0x3FB9] =	sst s0;
	s0 =	simm.s32 @!p2 $0x0  }
0x16: {  	s3 =	sld [smem:$0x3FDB];
	s0 =	simm.s32 @p2 $0x1  }
0x17: {  	s4 =	simm.s32 $0x1BF5;
	[smem:$0x3FBB] =	sst s0  }
0x18: {  	s0 =	sld [smem:$0x3F9E];
	_ =	swait.ge [sflag:s4], $0x0  }
0x19: {  	s7 =	sld [smem:$0x3F9F]  }
0x1a: {  	s8 =	sadd.s32 $0xFFFFE003, lr  }
0x1b: {  	s9 =	sadd.s32 $0xFFFFFEF7, lr;
	s5 =	simm.s32 $0xFFFFFFFF;
	p2 =	slt.u32 s8, $0xFFFFF086  }
0x1c: {  	p1 =	slt.u32 s9, $0xF7A;
	s5 =	simm.s32 @!p2 $0x0  }
0x1d: {  	s5 =	simm.s32 @p1 $0x1;
	p0 =	seq.s32 s7, s2  }
0x1e: {  	s7 =	smul.u32 @!p0 $0xF7A, s2;
	p2 =	seq.s32 @!p0 s5, $0x0  }
0x1f: {  	s9 =	smul.u32 $0xF7A, s1;
	s8 =	simm.s32 @!p0 $0x1BF5;
	p2 =	por !p2, p0  }
0x20: {  	[sflag:s8] =	ssyncset.s32 @!p0 $0xFFFFF086;
	s6 =	sadd.s32 @!p0 s3, s7;
	s7 =	simm.s32 @!p0 $0x108  }
0x21: {  	s3 =	sadd.s32 s3, s9;
	s6 =	sadd.s32 @!p0 $0x88, s6;
	s7 =	simm.s32 @p2 $0x1082  }
0x22: {  	[simem:s7], [sflag:s8] =	dma.local @!p0 [hbm:s6], $0xF7A  }
0x23: {  	s9 =	sor.u32 $0xD0000000, s2;
	s6 =	simm.s32 $0x108;
	_ =	swait.ge @!p0 [sflag:s8], $0x0  }
0x24: {  	s3 =	sadd.s32 $0x88, s3;
	s6 =	simm.s32 @!p1 $0x1082;
	[sflag:s4] =	ssyncset.s32 $0xFFFFF086  }
0x25: {  	[simem:s6], [sflag:s4] =	dma.local [hbm:s3], $0xF7A  }
0x26: {  	[smem:$0x3F9F] =	sst s1;
	(tag) =	ssettag s2;
	_ =	strace s9  }
0x27: {  	s1 =	sld [smem:$0x3FAF]  }
0x28: {  	s2 =	sld [smem:$0x3FB0]  }
0x29: {  	s4 =	sld [smem:$0x3FB2]  }
0x2a: {  	p0 =	seq.s32 s5, $0x0;
	s5 =	sld [smem:$0x3FB3]  }
0x2b: {  	s6 =	sld [smem:$0x3FB4]  }
0x2c: {  	s7 =	sld [smem:$0x3FB5]  }
0x2d: {  	s3 =	simm.s32 $0x108;
	s8 =	sld [smem:$0x3FB6]  }
0x2e: {  	s3 =	simm.s32 @!p0 $0x1082;
	s9 =	sld [smem:$0x3FB7]  }
0x2f: {  	lr =	sadd.s32 s0, s3;
	s0 =	sld [smem:$0x3FAE]  }
0x30: {  	s3 =	sld [smem:$0x3FB1]  }
0x31: {  	[smem:$0x3FBA] =	sst s10  }
0x32: {  	s10 =	sld [smem:$0x3FB8];
	_ =	sdelay $0x3  }
0x33: {  	p0 =	seq.s32 s10, $0x1;
	s10 =	sld [smem:$0x3FBA];
	_ =	sdelay $0x3  }
0x34: {  	[smem:$0x3FBA] =	sst s10  }
0x35: {  	s10 =	sld [smem:$0x3FB9];
	_ =	sdelay $0x3  }
0x36: {  	p1 =	seq.s32 s10, $0x1;
	s10 =	sld [smem:$0x3FBA];
	_ =	sdelay $0x3  }
0x37: {  	[smem:$0x3FBA] =	sst s10  }
0x38: {  	s10 =	sld [smem:$0x3FBB]  }
0x39: {  	_ = 	snop;
	(pc) =	sbr.ind lr, $3  }
0x3a: {  	_ = 	snop  }
0x3b: {  	_ = 	snop  }
0x3c: {  	p2 =	seq.s32 s10, $0x1;
	s10 =	sld [smem:$0x3FBA]  }
0x3d: {  	_ =	shalt  }
0x3e: {  	_ =	shalt  }
0x3f: {  	_ =	shalt  }
0x40: {  	_ =	shalt  }
0x41: {  	_ =	shalt  }
0x42: {  	_ =	shalt  }
0x43: {  	_ =	shalt  }
0x44: {  	_ =	shalt  }
0x45: {  	_ =	shalt  }
0x46: {  	_ =	shalt  }
0x47: {  	_ =	shalt  }
0x48: {  	_ =	shalt  }
0x49: {  	_ =	shalt  }
0x4a: {  	_ =	shalt  }
0x4b: {  	_ =	shalt  }
0x4c: {  	_ =	shalt  }
0x4d: {  	_ =	shalt  }
0x4e: {  	_ =	shalt  }
0x4f: {  	_ =	shalt  }
0x50: {  	_ =	shalt  }
0x51: {  	_ =	shalt  }
0x52: {  	_ =	shalt  }
0x53: {  	_ =	shalt  }
0x54: {  	_ =	shalt  }
0x55: {  	_ =	shalt  }
0x56: {  	_ =	shalt  }
0x57: {  	_ =	shalt  }
0x58: {  	_ =	shalt  }
0x59: {  	_ =	shalt  }
0x5a: {  	_ =	shalt  }
0x5b: {  	_ =	shalt  }
0x5c: {  	_ =	shalt  }
0x5d: {  	_ =	shalt  }
0x5e: {  	_ =	shalt  }
0x5f: {  	_ =	shalt  }
0x60: {  	_ =	shalt  }
0x61: {  	_ =	shalt  }
0x62: {  	_ =	shalt  }
0x63: {  	_ =	shalt  }
0x64: {  	_ =	shalt  }
0x65: {  	_ =	shalt  }
0x66: {  	_ =	shalt  }
0x67: {  	_ =	shalt  }
0x68: {  	_ =	shalt  }
0x69: {  	_ =	shalt  }
0x6a: {  	_ =	shalt  }
0x6b: {  	_ =	shalt  }
0x6c: {  	_ =	shalt  }
0x6d: {  	_ =	shalt  }
0x6e: {  	_ =	shalt  }
0x6f: {  	_ =	shalt  }
0x70: {  	_ =	shalt  }
0x71: {  	_ =	shalt  }
0x72: {  	_ =	shalt  }
0x73: {  	_ =	shalt  }
0x74: {  	_ =	shalt  }
0x75: {  	_ =	shalt  }
0x76: {  	_ =	shalt  }
0x77: {  	_ =	shalt  }
0x78: {  	_ =	shalt  }
0x79: {  	_ =	shalt  }
0x7a: {  	_ =	shalt  }
0x7b: {  	_ =	shalt  }
0x7c: {  	_ =	shalt  }
0x7d: {  	_ =	shalt  }
0x7e: {  	_ =	shalt  }
0x7f: {  	_ =	shalt  }
0x80: {  	_ =	shalt  }
0x81: {  	_ =	shalt  }
0x82: {  	_ =	shalt  }
0x83: {  	_ =	shalt  }
0x84: {  	_ =	shalt  }
0x85: {  	_ =	shalt  }
0x86: {  	_ =	shalt  }
0x87: {  	_ =	shalt  }
.Lfunc_end0:
.L_simem_size_0:
called_computation_lowered:
.L_overlay_start_0:
0x88: {  	s2 =	sld [smem:$0x3FD9]  }
0x89: {  	s3 =	sld [smem:$0x3FFE];
	_ =	sdelay $0x1  }
0x8a: {  	s1 =	srdreg.scid  }
0x8b: {  	s0 =	sand.u32 $0x1, s1  }
0x8c: {  	s17 =	sshll.u32 s0, $0xA;
	s2 =	sadd.s32 s3, s2  }
0x8d: {  	s2 =	sadd.s32 s2, s17  }
0x8e: {  	[smem:$0x3FC6] =	sst s2  }
0x8f: {  	_ = 	snop  }
0x90: {  	s2 =	sld [smem:$0x3FC9]  }
0x91: {  	s18 =	sld [smem:$0x3FD0];
	(tm) =	ssettm $0x1  }
0x92: {  	s4 =	sld [smem:$0x3FFB];
	_ =	sdelay $0x3  }
0x93: {  	_ =	strace s4  }
0x94: {  	s4 =	sld [smem:$0x3FFC];
	_ =	sdelay $0x3  }
0x95: {  	_ =	strace s4  }
0x96: {  	s4 =	sld [smem:$0x3FFD];
	_ =	sdelay $0x3  }
0x97: {  	_ =	strace s4  }
0x98: {  	_ =	strace $0x8FFFFFFF  }
0x99: {  	s19 =	sld [smem:$0x3FDB];
	_ =	sdelay $0x1  }
0x9a: {  	s5 =	simm.s32 $_scs_section_size  }
0x9b: {  	s6 =	simm.s32 $_size__tile_overlayer_lowered;
	s7 =	simm.s32 $_tile_overlayer_lowered  }
0x9c: {  	s22 =	simm.s32 $0x1BFF;
	s21 =	sshll.u32 s7, $0x1;
	s4 =	sadd.s32 s5, s19  }
0x9d: {  	s8 =	simm.s32 $0x0;
	s20 =	sshll.u32 s6, $0x1;
	s6 =	sadd.s32 s21, s4  }
0x9e: {  	[timem:s8], [sflag:s22] =	dma.local [hbm:s6], s20  }
0x9f: {  	_ =	swait.ge [sflag:s22], s20  }
0xa0: {  	s5 =	ssub.s32 $0x0, s20;
	[sflag:s22] =	ssyncset.done $0x0  }
0xa1: {  	[sflag:s22] =	ssyncadd.s32 s5;
	_ =	sdelay $0x1  }
0xa2: {  	s23 =	simm.s32 $0x1B8B  }
0xa3: {  	_ =	swait.ge [sflag:s23], $0x1  }
0xa4: {  	[sflag:s23] =	ssyncset.done $0x0  }
0xa5: {  	s25 =	simm.s32 $0x1B8E;
	s24 =	sld [smem:$0x3FFE];
	[sflag:s23] =	ssyncadd.s32 $0xFFFFFFFF  }
0xa6: {  	s26 =	simm.s32 $execute0_lowered;
	[smem:$0x3FD2] =	sst s25  }
0xa7: {  	s6 =	sshll.u32 s26, $0x1;
	_ =	strace $0x80000046;
	[dreg:$0x1] =	wrdreg $0xFFFFFFFF  }
0xa8: {  	s28 =	simm.s32 $_size_execute0_lowered;
	s4 =	sadd.s32 s4, s6;
	[dreg:$0x0] =	wrdreg $0x0  }
0xa9: {  	s6 =	sshll.u32 s28, $0x1;
	[dreg:$0x2] =	wrdreg s4  }
0xaa: {  	[dreg:$0x3] =	wrdreg s6  }
0xab: {  	[dreg:$0x4] =	wrdreg $0xC0  }
0xac: {  	_ =	task [dreg:s8], $0x5FFFF  }
0xad: {  	[dreg:$0x1] =	wrdreg $0xFFFFFFFF  }
0xae: {  	[dreg:$0x0] =	wrdreg $0x60  }
0xaf: {  	[dreg:$0x2] =	wrdreg s2  }
0xb0: {  	[dreg:$0x3] =	wrdreg s24  }
0xb1: {  	[dreg:$0x4] =	wrdreg s18  }
0xb2: {  	[dreg:$0x5] =	wrdreg $0x9  }
0xb3: {  	_ =	task.clear_ibuf [dreg:s8], $0x6FFFF;
	_ =	strace $0x90000046  }
0xb4: {  	s29 =	simm.s32 $0x9;
	_ =	strace $0x80000048  }
0xb5: {  	_ =	swait.ge [sflag:s29], $0x1  }
0xb6: {  	[sflag:s29] =	ssyncadd.s32 $0xFFFFFFFF  }
0xb7: {  	_ =	strace $0x90000048  }
0xb8: {  	_ =	sfence  }
0xb9: {  	s30 =	sld [smem:$0x0];
	_ =	sdelay $0x2  }
0xba: {  	s31 =	sshll.u32 s1, $0xD;
	s1 =	sshrl.u32 s1, $0x2  }
0xbb: {  	s3 =	sand.u32 $0x4000, s31;
	s1 =	sadd.s32 s1, s30  }
0xbc: {  	s0 =	sor.u32 s3, s0;
	s1 =	sshll.u32 s1, $0x11  }
0xbd: {  	s0 =	sor.u32 s1, s0  }
0xbe: {  	s0 =	sadd.s32 $0x8F2B, s0  }
0xbf: {  	[sflag:s0] =	ssyncadd.remote.s32 $0x1  }
0xc0: {  	_ =	sfence.sel $0xFFFF  }
0xc1: {  	[dreg:$0x0] =	wrdreg $0xFFFFFFFF;
	(pc) =	sbr.abs _section_cstart, $3  }
0xc2: {  	[dreg:$0x1] =	wrdreg $0xFFFFFFFF  }
0xc3: {  	_ =	task.clear_ibuf [dreg:s8], $0x2FFFF;
	_ =	strace $0x9FFFFFFF  }
0xc4: {  	(tm) =	ssettm $0x7FFFFFFF  }
0xc5: {  	_ =	shalt  }
tec
execute0_lowered:
.L_overlay_start_1:
0x0: {  	(tag) =	ssettag $0x1  }
0x1: {  	s0 =	rddreg [dreg:$0x0]  }
0x2: {  	s1 =	rddreg [dreg:$0x1]  }
0x3: {  	s2 =	srdreg.scid;
	s4 =	stileid.u32  }
0x4: {  	s7 =	rddreg [dreg:$0x2];
	s15 =	simm.s32 $0x3;
	s17 =	simm.s32 $0x320  }
0x5: {  	s18 =	simm.s32 $0x1900;
	s19 =	simm.s32 $0x1;
	s20 =	simm.s32 $0xE100  }
0x6: {  	s21 =	simm.s32 $0x40;
	s22 =	simm.s32 $0x80;
	s23 =	simm.s32 $0x2  }
0x7: {  	s24 =	simm.s32 $0x640;
	s28 =	simm.s32 $0xFA0;
	s29 =	simm.s32 $0x12C0  }
0x8: {  	s30 =	simm.s32 $0x15E0;
	s3 =	sand.u32 $0x1, s2;
	s4 =	sshll.u32 s4, $0x1  }
0x9: {  	s31 =	simm.s32 $0x0;
	s2 =	simm.s32 $0x0;
	s4 =	sor.u32 s3, s4  }
0xa: {  	[smem:$0x7FF] =	sst s2;
	s6 =	ssub.s32 $0x2, s3;
	s5 =	smul.u32 $0x320, s4  }
0xb: {  	s3 =	sadd.s32 $0x400, s1;
	s8 =	smul.u32 $0xC8000, s4;
	s25 =	sshrl.u32 s6, $0x1  }
0xc: {  	_ =	strace $0x80000047;
	s9 =	smul.u32 $0x19000, s4;
	s1 =	ssub.s32 s6, s25  }
0xd: {  	s25 =	simm.s32 $0x960;
	s4 =	sadd.s32 s0, s5;
	s8 =	sshrl.u32 s8, $0x3  }
0xe: {  	s5 =	sadd.s32 $0x6400, s0;
	s6 =	sadd.s32 s7, s9;
	s26 =	sadd.s32 s7, s8  }
0xf: {  	s14 =	smax.u32 s1, $0x1;
	s7 =	sadd.s32 $0x3200, s26;
	s8 =	sadd.s32 $0x6400, s26  }
0x10: {  	s9 =	sadd.s32 $0x9600, s26;
	s10 =	sadd.s32 $0xC800, s26;
	s11 =	sadd.s32 $0xFA00, s26  }
0x11: {  	s12 =	sadd.s32 $0x12C00, s26;
	s13 =	sadd.s32 $0x15E00, s26;
	s26 =	simm.s32 $0xC80  }
.LBB2_1:
0x12: {  	[tilespmem:s2], [sflag:$0x3] =	stream.linear.gather [hbm4b:s4+s2], $0x1900, $0x38;
	[tilespmem:$0x1DB00] =	vst v63  }
0x13: {  	_ =	swait.ge [sflag:s15], $0x1900  }
0x14: {  	[sflag:s15] =	ssyncset.done $0x0  }
0x15: {  	s0 =	simm.s32 $0x1A900;
	[sflag:s15] =	ssyncadd.s32 $0xFFFFE700  }
0x16: {  	[tilespmem:s0], [sflag:$0x3] =	stream.linear.gather [hbm4b:s5+s2], $0x3200, $0x38;
	[tilespmem:$0x1DB00] =	vst v63  }
0x17: {  	_ =	swait.ge [sflag:s15], $0x3200  }
0x18: {  	[sflag:s15] =	ssyncset.done $0x0  }
0x19: {  	[sflag:s15] =	ssyncadd.s32 $0xFFFFCE00  }
0x1a: {  	[tilespmem:s18], [sflag:$0x1] =	stream.indirect.gather [hbm4b:s3+s17], $0x40, s2, s17, $0xb8;
	[tilespmem:$0x1DB00] =	vst v63  }
0x1b: {  	_ =	swait.ge [sflag:s19], $0xC800  }
0x1c: {  	[sflag:s19] =	ssyncset.done $0x0  }
0x1d: {  	s1 =	simm.s32 $0x0;
	[sflag:s19] =	ssyncadd.s32 $0xFFFF3800  }
0x1e: {  	[tilespmem:s20], [sflag:$0x1] =	stream.indirect.gather [hbm4b:s3+s17], $0x40, s17, s17, $0xb8;
	[tilespmem:$0x1DB00] =	vst v63  }
0x1f: {  	v2 =	vld [tilespmem:s1+$0x1A900]  }
0x20: {  	v6 =	vld [tilespmem:s1+$0x1A910]  }
0x21: {  	v1 =	vld [tilespmem:s1+$0x1A920]  }
0x22: {  	v4 =	vld [tilespmem:s1+$0x4B00]  }
0x23: {  	v5 =	vld [tilespmem:s1+$0x7D00]  }
0x24: {  	v3 =	vld [tilespmem:s1+$0x1900]  }
0x25: {  	v7 =	vld [tilespmem:s1+$0xAF00]  }
0x26: {  	v8 =	vld [tilespmem:s1+$0x1910]  }
0x27: {  	v9 =	vld [tilespmem:s1+$0x4B10];
	v4 =	vmul.f32 $8.000000000e+00, v4  }
0x28: {  	v0 =	vld [tilespmem:s1+$0x1A930];
	v5 =	vmul.f32 $8.000000000e+00, v5  }
0x29: {  	v10 =	vld [tilespmem:s1+$0x7D10];
	v3 =	vmul.f32 $8.000000000e+00, v3;
	v4 =	vadd.f32 v4, v2  }
0x2a: {  	v11 =	vld [tilespmem:s1+$0xAF10];
	v7 =	vmul.f32 $8.000000000e+00, v7;
	v5 =	vadd.f32 v5, v2  }
0x2b: {  	v12 =	vld [tilespmem:s1+$0x1920];
	v3 =	vadd.f32 v3, v2;
	[tilespmem:s1+$0x4B00] =	vst v4;
	v4 =	vmul.f32 $8.000000000e+00, v8  }
0x2c: {  	v13 =	vld [tilespmem:s1+$0x4B20];
	v7 =	vadd.f32 v7, v2;
	[tilespmem:s1+$0x7D00] =	vst v5;
	v5 =	vmul.f32 $8.000000000e+00, v9  }
0x2d: {  	[tilespmem:s1+$0x1900] =	vst v3;
	v3 =	vld [tilespmem:s1+$0x7D20];
	v8 =	vadd.f32 v4, v6  }
0x2e: {  	v2 =	vld [tilespmem:s1+$0xAF20];
	[tilespmem:s1+$0xAF00] =	vst v7;
	v7 =	vmul.f32 $8.000000000e+00, v10;
	v10 =	vadd.f32 v5, v6  }
0x2f: {  	v4 =	vld [tilespmem:s1+$0x1930];
	[tilespmem:s1+$0x1910] =	vst v8;
	v8 =	vmul.f32 $8.000000000e+00, v11  }
0x30: {  	v5 =	vld [tilespmem:s1+$0x4B30];
	v9 =	vadd.f32 v7, v6;
	[tilespmem:s1+$0x4B10] =	vst v10;
	v10 =	vmul.f32 $8.000000000e+00, v12  }
0x31: {  	s0 =	simm.s32 $0x100;
	v7 =	vadd.f32 v8, v6;
	v8 =	vmul.f32 $8.000000000e+00, v13;
	v6 =	vld [tilespmem:s1+$0x7D30]  }
.LBB2_2:
0x32: {  	s16 =	sshra.s32 s0, $0x2;
	p0 =	sne.s32 s0, $0xC700;
	[tilespmem:s1+$0x7D10] =	vst v9;
	v9 =	vadd.f32 v10, v1;
	v3 =	vmul.f32 $8.000000000e+00, v3;
	v10 =	vld [tilespmem:s1+$0xAF30]  }
0x33: {  	v11 =	vld [tilespmem:s16+$0x1A900];
	[tilespmem:s1+$0xAF10] =	vst v7;
	v7 =	vadd.f32 v8, v1;
	v2 =	vmul.f32 $8.000000000e+00, v2  }
0x34: {  	v8 =	vld [tilespmem:s16+$0x1A910];
	[tilespmem:s1+$0x1920] =	vst v9;
	v3 =	vadd.f32 v3, v1;
	v4 =	vmul.f32 $8.000000000e+00, v4  }
0x35: {  	[tilespmem:s1+$0x4B20] =	vst v7;
	v2 =	vadd.f32 v2, v1;
	v1 =	vld [tilespmem:s16+$0x1A920];
	v5 =	vmul.f32 $8.000000000e+00, v5  }
0x36: {  	v7 =	vld [tilespmem:s16+$0x1A930];
	[tilespmem:s1+$0x7D20] =	vst v3;
	v3 =	vadd.f32 v4, v0;
	v4 =	vmul.f32 $8.000000000e+00, v6  }
0x37: {  	v6 =	vld [tilespmem:s16+$0x1900];
	[tilespmem:s1+$0xAF20] =	vst v2;
	v2 =	vadd.f32 v5, v0;
	v5 =	vmul.f32 $8.000000000e+00, v10  }
0x38: {  	v9 =	vld [tilespmem:s16+$0x4B00];
	[tilespmem:s1+$0x1930] =	vst v3;
	v3 =	vadd.f32 v4, v0  }
0x39: {  	v4 =	vld [tilespmem:s16+$0x7D00];
	[tilespmem:s1+$0x4B30] =	vst v2;
	v5 =	vadd.f32 v5, v0  }
0x3a: {  	v2 =	vld [tilespmem:s16+$0xAF00];
	[tilespmem:s1+$0x7D30] =	vst v3  }
0x3b: {  	v3 =	vld [tilespmem:s16+$0x1910];
	[tilespmem:s1+$0xAF30] =	vst v5;
	v0 =	vmov v7;
	s1 =	smov.u32 s16  }
0x3c: {  	v5 =	vmul.f32 $8.000000000e+00, v6;
	v6 =	vld [tilespmem:s1+$0x4B10]  }
0x3d: {  	v7 =	vmul.f32 $8.000000000e+00, v9;
	v9 =	vld [tilespmem:s1+$0x7D10]  }
0x3e: {  	v5 =	vadd.f32 v5, v11;
	v4 =	vmul.f32 $8.000000000e+00, v4;
	v10 =	vld [tilespmem:s1+$0xAF10]  }
0x3f: {  	v7 =	vadd.f32 v7, v11;
	v2 =	vmul.f32 $8.000000000e+00, v2;
	v12 =	vld [tilespmem:s1+$0x1920]  }
0x40: {  	[tilespmem:s1+$0x1900] =	vst v5;
	v4 =	vadd.f32 v4, v11;
	v5 =	vmul.f32 $8.000000000e+00, v3;
	v13 =	vld [tilespmem:s1+$0x4B20]  }
.Ltmp0:
0x41: {  	[tilespmem:s1+$0x4B00] =	vst v7;
	v7 =	vadd.f32 v2, v11;
	v6 =	vmul.f32 $8.000000000e+00, v6;
	v3 =	vld [tilespmem:s1+$0x7D20];
	(pc) =	sbr.rel @p0 .LBB2_2-.Ltmp0, $4  }
0x42: {  	[tilespmem:s1+$0x7D00] =	vst v4;
	v5 =	vadd.f32 v5, v8;
	v9 =	vmul.f32 $8.000000000e+00, v9;
	v2 =	vld [tilespmem:s1+$0xAF20]  }
0x43: {  	[tilespmem:s1+$0xAF00] =	vst v7;
	v6 =	vadd.f32 v6, v8;
	v7 =	vmul.f32 $8.000000000e+00, v10;
	v4 =	vld [tilespmem:s1+$0x1930]  }
0x44: {  	[tilespmem:s1+$0x1910] =	vst v5;
	v9 =	vadd.f32 v9, v8;
	v10 =	vmul.f32 $8.000000000e+00, v12;
	v5 =	vld [tilespmem:s1+$0x4B30]  }
0x45: {  	s0 =	sadd.s32 $0x100, s0;
	[tilespmem:s1+$0x4B10] =	vst v6;
	v7 =	vadd.f32 v7, v8;
	v8 =	vmul.f32 $8.000000000e+00, v13;
	v6 =	vld [tilespmem:s1+$0x7D30]  }
0x46: {  	[tilespmem:s1+$0x7D10] =	vst v9;
	v9 =	vadd.f32 v10, v1;
	v3 =	vmul.f32 $8.000000000e+00, v3;
	v10 =	vld [tilespmem:s1+$0xAF30]  }
0x47: {  	[tilespmem:s1+$0xAF10] =	vst v7;
	v7 =	vadd.f32 v8, v1;
	v2 =	vmul.f32 $8.000000000e+00, v2  }
0x48: {  	[tilespmem:s1+$0x1920] =	vst v9;
	v3 =	vadd.f32 v3, v1;
	v4 =	vmul.f32 $8.000000000e+00, v4  }
0x49: {  	[tilespmem:s1+$0x4B20] =	vst v7;
	v1 =	vadd.f32 v2, v1;
	v2 =	vmul.f32 $8.000000000e+00, v5  }
0x4a: {  	[tilespmem:s1+$0x7D20] =	vst v3;
	v3 =	vadd.f32 v4, v0;
	v4 =	vmul.f32 $8.000000000e+00, v6  }
0x4b: {  	[tilespmem:s1+$0xAF20] =	vst v1;
	v1 =	vadd.f32 v2, v0;
	v2 =	vmul.f32 $8.000000000e+00, v10  }
0x4c: {  	[tilespmem:s1+$0x1930] =	vst v3;
	v3 =	vadd.f32 v4, v0  }
0x4d: {  	[tilespmem:s1+$0x4B30] =	vst v1;
	v0 =	vadd.f32 v2, v0  }
0x4e: {  	[tilespmem:s1+$0x7D30] =	vst v3  }
0x4f: {  	[tilespmem:s1+$0xAF30] =	vst v0  }
0x50: {  	[hbm4b:s6+s21] =	stream.strided.scatter [tilespmem:s18], [sflag:$0x2], $0xC800, s22, s21, $0x38;
	[tilespmem:$0x1DB00] =	vst v63  }
0x51: {  	_ =	swait.ge [sflag:s19], $0xC800  }
0x52: {  	[sflag:s19] =	ssyncset.done $0x0  }
0x53: {  	[sflag:s19] =	ssyncadd.s32 $0xFFFF3800  }
0x54: {  	_ =	swait.ge [sflag:s23], $0xC800  }
0x55: {  	[sflag:s23] =	ssyncset.done $0x0  }
0x56: {  	s1 =	simm.s32 $0x0;
	[sflag:s23] =	ssyncadd.s32 $0xFFFF3800  }
0x57: {  	[tilespmem:s18], [sflag:$0x1] =	stream.indirect.gather [hbm4b:s3+s17], $0x40, s24, s17, $0xb8;
	[tilespmem:$0x1DB00] =	vst v63  }
0x58: {  	v2 =	vld [tilespmem:s1+$0x1A900]  }
0x59: {  	v6 =	vld [tilespmem:s1+$0x1A910]  }
0x5a: {  	v1 =	vld [tilespmem:s1+$0x1A920]  }
0x5b: {  	v4 =	vld [tilespmem:s1+$0x11300]  }
0x5c: {  	v5 =	vld [tilespmem:s1+$0x14500]  }
0x5d: {  	v3 =	vld [tilespmem:s1+$0xE100]  }
0x5e: {  	v7 =	vld [tilespmem:s1+$0x17700]  }
0x5f: {  	v8 =	vld [tilespmem:s1+$0xE110]  }
0x60: {  	v9 =	vld [tilespmem:s1+$0x11310];
	v4 =	vmul.f32 $8.000000000e+00, v4  }
0x61: {  	v0 =	vld [tilespmem:s1+$0x1A930];
	v5 =	vmul.f32 $8.000000000e+00, v5  }
0x62: {  	v10 =	vld [tilespmem:s1+$0x14510];
	v3 =	vmul.f32 $8.000000000e+00, v3;
	v4 =	vadd.f32 v4, v2  }
0x63: {  	v11 =	vld [tilespmem:s1+$0x17710];
	v7 =	vmul.f32 $8.000000000e+00, v7;
	v5 =	vadd.f32 v5, v2  }
0x64: {  	v12 =	vld [tilespmem:s1+$0xE120];
	v3 =	vadd.f32 v3, v2;
	[tilespmem:s1+$0x11300] =	vst v4;
	v4 =	vmul.f32 $8.000000000e+00, v8  }
0x65: {  	v13 =	vld [tilespmem:s1+$0x11320];
	v7 =	vadd.f32 v7, v2;
	[tilespmem:s1+$0x14500] =	vst v5;
	v5 =	vmul.f32 $8.000000000e+00, v9  }
0x66: {  	[tilespmem:s1+$0xE100] =	vst v3;
	v3 =	vld [tilespmem:s1+$0x14520];
	v8 =	vadd.f32 v4, v6  }
0x67: {  	v2 =	vld [tilespmem:s1+$0x17720];
	[tilespmem:s1+$0x17700] =	vst v7;
	v7 =	vmul.f32 $8.000000000e+00, v10;
	v10 =	vadd.f32 v5, v6  }
0x68: {  	v4 =	vld [tilespmem:s1+$0xE130];
	[tilespmem:s1+$0xE110] =	vst v8;
	v8 =	vmul.f32 $8.000000000e+00, v11  }
0x69: {  	v5 =	vld [tilespmem:s1+$0x11330];
	v9 =	vadd.f32 v7, v6;
	[tilespmem:s1+$0x11310] =	vst v10;
	v10 =	vmul.f32 $8.000000000e+00, v12  }
0x6a: {  	s0 =	simm.s32 $0x100;
	v7 =	vadd.f32 v8, v6;
	v8 =	vmul.f32 $8.000000000e+00, v13;
	v6 =	vld [tilespmem:s1+$0x14530]  }
.LBB2_4:
0x6b: {  	s16 =	sshra.s32 s0, $0x2;
	p0 =	sne.s32 s0, $0xC700;
	[tilespmem:s1+$0x14510] =	vst v9;
	v9 =	vadd.f32 v10, v1;
	v3 =	vmul.f32 $8.000000000e+00, v3;
	v10 =	vld [tilespmem:s1+$0x17730]  }
0x6c: {  	v11 =	vld [tilespmem:s16+$0x1A900];
	[tilespmem:s1+$0x17710] =	vst v7;
	v7 =	vadd.f32 v8, v1;
	v2 =	vmul.f32 $8.000000000e+00, v2  }
0x6d: {  	v8 =	vld [tilespmem:s16+$0x1A910];
	[tilespmem:s1+$0xE120] =	vst v9;
	v3 =	vadd.f32 v3, v1;
	v4 =	vmul.f32 $8.000000000e+00, v4  }
0x6e: {  	[tilespmem:s1+$0x11320] =	vst v7;
	v2 =	vadd.f32 v2, v1;
	v1 =	vld [tilespmem:s16+$0x1A920];
	v5 =	vmul.f32 $8.000000000e+00, v5  }
0x6f: {  	v7 =	vld [tilespmem:s16+$0x1A930];
	[tilespmem:s1+$0x14520] =	vst v3;
	v3 =	vadd.f32 v4, v0;
	v4 =	vmul.f32 $8.000000000e+00, v6  }
0x70: {  	v6 =	vld [tilespmem:s16+$0xE100];
	[tilespmem:s1+$0x17720] =	vst v2;
	v2 =	vadd.f32 v5, v0;
	v5 =	vmul.f32 $8.000000000e+00, v10  }
0x71: {  	v9 =	vld [tilespmem:s16+$0x11300];
	[tilespmem:s1+$0xE130] =	vst v3;
	v3 =	vadd.f32 v4, v0  }
0x72: {  	v4 =	vld [tilespmem:s16+$0x14500];
	[tilespmem:s1+$0x11330] =	vst v2;
	v5 =	vadd.f32 v5, v0  }
0x73: {  	v2 =	vld [tilespmem:s16+$0x17700];
	[tilespmem:s1+$0x14530] =	vst v3  }
0x74: {  	v3 =	vld [tilespmem:s16+$0xE110];
	[tilespmem:s1+$0x17730] =	vst v5;
	v0 =	vmov v7;
	s1 =	smov.u32 s16  }
0x75: {  	v5 =	vmul.f32 $8.000000000e+00, v6;
	v6 =	vld [tilespmem:s1+$0x11310]  }
0x76: {  	v7 =	vmul.f32 $8.000000000e+00, v9;
	v9 =	vld [tilespmem:s1+$0x14510]  }
0x77: {  	v5 =	vadd.f32 v5, v11;
	v4 =	vmul.f32 $8.000000000e+00, v4;
	v10 =	vld [tilespmem:s1+$0x17710]  }
0x78: {  	v7 =	vadd.f32 v7, v11;
	v2 =	vmul.f32 $8.000000000e+00, v2;
	v12 =	vld [tilespmem:s1+$0xE120]  }
0x79: {  	[tilespmem:s1+$0xE100] =	vst v5;
	v4 =	vadd.f32 v4, v11;
	v5 =	vmul.f32 $8.000000000e+00, v3;
	v13 =	vld [tilespmem:s1+$0x11320]  }
.Ltmp1:
0x7a: {  	[tilespmem:s1+$0x11300] =	vst v7;
	v7 =	vadd.f32 v2, v11;
	v6 =	vmul.f32 $8.000000000e+00, v6;
	v3 =	vld [tilespmem:s1+$0x14520];
	(pc) =	sbr.rel @p0 .LBB2_4-.Ltmp1, $4  }
0x7b: {  	[tilespmem:s1+$0x14500] =	vst v4;
	v5 =	vadd.f32 v5, v8;
	v9 =	vmul.f32 $8.000000000e+00, v9;
	v2 =	vld [tilespmem:s1+$0x17720]  }
0x7c: {  	[tilespmem:s1+$0x17700] =	vst v7;
	v6 =	vadd.f32 v6, v8;
	v7 =	vmul.f32 $8.000000000e+00, v10;
	v4 =	vld [tilespmem:s1+$0xE130]  }
0x7d: {  	[tilespmem:s1+$0xE110] =	vst v5;
	v9 =	vadd.f32 v9, v8;
	v10 =	vmul.f32 $8.000000000e+00, v12;
	v5 =	vld [tilespmem:s1+$0x11330]  }
0x7e: {  	s0 =	sadd.s32 $0x100, s0;
	[tilespmem:s1+$0x11310] =	vst v6;
	v7 =	vadd.f32 v7, v8;
	v8 =	vmul.f32 $8.000000000e+00, v13;
	v6 =	vld [tilespmem:s1+$0x14530]  }
0x7f: {  	[tilespmem:s1+$0x14510] =	vst v9;
	v9 =	vadd.f32 v10, v1;
	v3 =	vmul.f32 $8.000000000e+00, v3;
	v10 =	vld [tilespmem:s1+$0x17730]  }
0x80: {  	[tilespmem:s1+$0x17710] =	vst v7;
	v7 =	vadd.f32 v8, v1;
	v2 =	vmul.f32 $8.000000000e+00, v2  }
0x81: {  	[tilespmem:s1+$0xE120] =	vst v9;
	v3 =	vadd.f32 v3, v1;
	v4 =	vmul.f32 $8.000000000e+00, v4  }
0x82: {  	[tilespmem:s1+$0x11320] =	vst v7;
	v1 =	vadd.f32 v2, v1;
	v2 =	vmul.f32 $8.000000000e+00, v5  }
0x83: {  	[tilespmem:s1+$0x14520] =	vst v3;
	v3 =	vadd.f32 v4, v0;
	v4 =	vmul.f32 $8.000000000e+00, v6  }
0x84: {  	[tilespmem:s1+$0x17720] =	vst v1;
	v1 =	vadd.f32 v2, v0;
	v2 =	vmul.f32 $8.000000000e+00, v10  }
0x85: {  	[tilespmem:s1+$0xE130] =	vst v3;
	v3 =	vadd.f32 v4, v0  }
0x86: {  	[tilespmem:s1+$0x11330] =	vst v1;
	v0 =	vadd.f32 v2, v0  }
0x87: {  	[tilespmem:s1+$0x14530] =	vst v3  }
0x88: {  	[tilespmem:s1+$0x17730] =	vst v0  }
0x89: {  	[hbm4b:s7+s21] =	stream.strided.scatter [tilespmem:s20], [sflag:$0x2], $0xC800, s22, s21, $0x38;
	[tilespmem:$0x1DB00] =	vst v63  }
0x8a: {  	_ =	swait.ge [sflag:s19], $0xC800  }
0x8b: {  	[sflag:s19] =	ssyncset.done $0x0  }
0x8c: {  	[sflag:s19] =	ssyncadd.s32 $0xFFFF3800  }
0x8d: {  	_ =	swait.ge [sflag:s23], $0xC800  }
0x8e: {  	[sflag:s23] =	ssyncset.done $0x0  }
0x8f: {  	s1 =	simm.s32 $0x0;
	[sflag:s23] =	ssyncadd.s32 $0xFFFF3800  }
0x90: {  	[tilespmem:s20], [sflag:$0x1] =	stream.indirect.gather [hbm4b:s3+s17], $0x40, s25, s17, $0xb8;
	[tilespmem:$0x1DB00] =	vst v63  }
0x91: {  	v2 =	vld [tilespmem:s1+$0x1A900]  }
0x92: {  	v6 =	vld [tilespmem:s1+$0x1A910]  }
0x93: {  	v1 =	vld [tilespmem:s1+$0x1A920]  }
0x94: {  	v4 =	vld [tilespmem:s1+$0x4B00]  }
0x95: {  	v5 =	vld [tilespmem:s1+$0x7D00]  }
0x96: {  	v3 =	vld [tilespmem:s1+$0x1900]  }
0x97: {  	v7 =	vld [tilespmem:s1+$0xAF00]  }
0x98: {  	v8 =	vld [tilespmem:s1+$0x1910]  }
0x99: {  	v9 =	vld [tilespmem:s1+$0x4B10];
	v4 =	vmul.f32 $8.000000000e+00, v4  }
0x9a: {  	v0 =	vld [tilespmem:s1+$0x1A930];
	v5 =	vmul.f32 $8.000000000e+00, v5  }
0x9b: {  	v10 =	vld [tilespmem:s1+$0x7D10];
	v3 =	vmul.f32 $8.000000000e+00, v3;
	v4 =	vadd.f32 v4, v2  }
0x9c: {  	v11 =	vld [tilespmem:s1+$0xAF10];
	v7 =	vmul.f32 $8.000000000e+00, v7;
	v5 =	vadd.f32 v5, v2  }
0x9d: {  	v12 =	vld [tilespmem:s1+$0x1920];
	v3 =	vadd.f32 v3, v2;
	[tilespmem:s1+$0x4B00] =	vst v4;
	v4 =	vmul.f32 $8.000000000e+00, v8  }
0x9e: {  	v13 =	vld [tilespmem:s1+$0x4B20];
	v7 =	vadd.f32 v7, v2;
	[tilespmem:s1+$0x7D00] =	vst v5;
	v5 =	vmul.f32 $8.000000000e+00, v9  }
0x9f: {  	[tilespmem:s1+$0x1900] =	vst v3;
	v3 =	vld [tilespmem:s1+$0x7D20];
	v8 =	vadd.f32 v4, v6  }
0xa0: {  	v2 =	vld [tilespmem:s1+$0xAF20];
	[tilespmem:s1+$0xAF00] =	vst v7;
	v7 =	vmul.f32 $8.000000000e+00, v10;
	v10 =	vadd.f32 v5, v6  }
0xa1: {  	v4 =	vld [tilespmem:s1+$0x1930];
	[tilespmem:s1+$0x1910] =	vst v8;
	v8 =	vmul.f32 $8.000000000e+00, v11  }
0xa2: {  	v5 =	vld [tilespmem:s1+$0x4B30];
	v9 =	vadd.f32 v7, v6;
	[tilespmem:s1+$0x4B10] =	vst v10;
	v10 =	vmul.f32 $8.000000000e+00, v12  }
0xa3: {  	s0 =	simm.s32 $0x100;
	v7 =	vadd.f32 v8, v6;
	v8 =	vmul.f32 $8.000000000e+00, v13;
	v6 =	vld [tilespmem:s1+$0x7D30]  }
.LBB2_6:
0xa4: {  	s16 =	sshra.s32 s0, $0x2;
	p0 =	sne.s32 s0, $0xC700;
	[tilespmem:s1+$0x7D10] =	vst v9;
	v9 =	vadd.f32 v10, v1;
	v3 =	vmul.f32 $8.000000000e+00, v3;
	v10 =	vld [tilespmem:s1+$0xAF30]  }
0xa5: {  	v11 =	vld [tilespmem:s16+$0x1A900];
	[tilespmem:s1+$0xAF10] =	vst v7;
	v7 =	vadd.f32 v8, v1;
	v2 =	vmul.f32 $8.000000000e+00, v2  }
0xa6: {  	v8 =	vld [tilespmem:s16+$0x1A910];
	[tilespmem:s1+$0x1920] =	vst v9;
	v3 =	vadd.f32 v3, v1;
	v4 =	vmul.f32 $8.000000000e+00, v4  }
0xa7: {  	[tilespmem:s1+$0x4B20] =	vst v7;
	v2 =	vadd.f32 v2, v1;
	v1 =	vld [tilespmem:s16+$0x1A920];
	v5 =	vmul.f32 $8.000000000e+00, v5  }
0xa8: {  	v7 =	vld [tilespmem:s16+$0x1A930];
	[tilespmem:s1+$0x7D20] =	vst v3;
	v3 =	vadd.f32 v4, v0;
	v4 =	vmul.f32 $8.000000000e+00, v6  }
0xa9: {  	v6 =	vld [tilespmem:s16+$0x1900];
	[tilespmem:s1+$0xAF20] =	vst v2;
	v2 =	vadd.f32 v5, v0;
	v5 =	vmul.f32 $8.000000000e+00, v10  }
0xaa: {  	v9 =	vld [tilespmem:s16+$0x4B00];
	[tilespmem:s1+$0x1930] =	vst v3;
	v3 =	vadd.f32 v4, v0  }
0xab: {  	v4 =	vld [tilespmem:s16+$0x7D00];
	[tilespmem:s1+$0x4B30] =	vst v2;
	v5 =	vadd.f32 v5, v0  }
0xac: {  	v2 =	vld [tilespmem:s16+$0xAF00];
	[tilespmem:s1+$0x7D30] =	vst v3  }
0xad: {  	v3 =	vld [tilespmem:s16+$0x1910];
	[tilespmem:s1+$0xAF30] =	vst v5;
	v0 =	vmov v7;
	s1 =	smov.u32 s16  }
0xae: {  	v5 =	vmul.f32 $8.000000000e+00, v6;
	v6 =	vld [tilespmem:s1+$0x4B10]  }
0xaf: {  	v7 =	vmul.f32 $8.000000000e+00, v9;
	v9 =	vld [tilespmem:s1+$0x7D10]  }
0xb0: {  	v5 =	vadd.f32 v5, v11;
	v4 =	vmul.f32 $8.000000000e+00, v4;
	v10 =	vld [tilespmem:s1+$0xAF10]  }
0xb1: {  	v7 =	vadd.f32 v7, v11;
	v2 =	vmul.f32 $8.000000000e+00, v2;
	v12 =	vld [tilespmem:s1+$0x1920]  }
0xb2: {  	[tilespmem:s1+$0x1900] =	vst v5;
	v4 =	vadd.f32 v4, v11;
	v5 =	vmul.f32 $8.000000000e+00, v3;
	v13 =	vld [tilespmem:s1+$0x4B20]  }
.Ltmp2:
0xb3: {  	[tilespmem:s1+$0x4B00] =	vst v7;
	v7 =	vadd.f32 v2, v11;
	v6 =	vmul.f32 $8.000000000e+00, v6;
	v3 =	vld [tilespmem:s1+$0x7D20];
	(pc) =	sbr.rel @p0 .LBB2_6-.Ltmp2, $4  }
0xb4: {  	[tilespmem:s1+$0x7D00] =	vst v4;
	v5 =	vadd.f32 v5, v8;
	v9 =	vmul.f32 $8.000000000e+00, v9;
	v2 =	vld [tilespmem:s1+$0xAF20]  }
0xb5: {  	[tilespmem:s1+$0xAF00] =	vst v7;
	v6 =	vadd.f32 v6, v8;
	v7 =	vmul.f32 $8.000000000e+00, v10;
	v4 =	vld [tilespmem:s1+$0x1930]  }
0xb6: {  	[tilespmem:s1+$0x1910] =	vst v5;
	v9 =	vadd.f32 v9, v8;
	v10 =	vmul.f32 $8.000000000e+00, v12;
	v5 =	vld [tilespmem:s1+$0x4B30]  }
0xb7: {  	s0 =	sadd.s32 $0x100, s0;
	[tilespmem:s1+$0x4B10] =	vst v6;
	v7 =	vadd.f32 v7, v8;
	v8 =	vmul.f32 $8.000000000e+00, v13;
	v6 =	vld [tilespmem:s1+$0x7D30]  }
0xb8: {  	[tilespmem:s1+$0x7D10] =	vst v9;
	v9 =	vadd.f32 v10, v1;
	v3 =	vmul.f32 $8.000000000e+00, v3;
	v10 =	vld [tilespmem:s1+$0xAF30]  }
0xb9: {  	[tilespmem:s1+$0xAF10] =	vst v7;
	v7 =	vadd.f32 v8, v1;
	v2 =	vmul.f32 $8.000000000e+00, v2  }
0xba: {  	[tilespmem:s1+$0x1920] =	vst v9;
	v3 =	vadd.f32 v3, v1;
	v4 =	vmul.f32 $8.000000000e+00, v4  }
0xbb: {  	[tilespmem:s1+$0x4B20] =	vst v7;
	v1 =	vadd.f32 v2, v1;
	v2 =	vmul.f32 $8.000000000e+00, v5  }
0xbc: {  	[tilespmem:s1+$0x7D20] =	vst v3;
	v3 =	vadd.f32 v4, v0;
	v4 =	vmul.f32 $8.000000000e+00, v6  }
0xbd: {  	[tilespmem:s1+$0xAF20] =	vst v1;
	v1 =	vadd.f32 v2, v0;
	v2 =	vmul.f32 $8.000000000e+00, v10  }
0xbe: {  	[tilespmem:s1+$0x1930] =	vst v3;
	v3 =	vadd.f32 v4, v0  }
0xbf: {  	[tilespmem:s1+$0x4B30] =	vst v1;
	v0 =	vadd.f32 v2, v0  }
0xc0: {  	[tilespmem:s1+$0x7D30] =	vst v3  }
0xc1: {  	[tilespmem:s1+$0xAF30] =	vst v0  }
0xc2: {  	[hbm4b:s8+s21] =	stream.strided.scatter [tilespmem:s18], [sflag:$0x2], $0xC800, s22, s21, $0x38;
	[tilespmem:$0x1DB00] =	vst v63  }
0xc3: {  	_ =	swait.ge [sflag:s19], $0xC800  }
0xc4: {  	[sflag:s19] =	ssyncset.done $0x0  }
0xc5: {  	[sflag:s19] =	ssyncadd.s32 $0xFFFF3800  }
0xc6: {  	_ =	swait.ge [sflag:s23], $0xC800  }
0xc7: {  	[sflag:s23] =	ssyncset.done $0x0  }
0xc8: {  	s1 =	simm.s32 $0x0;
	[sflag:s23] =	ssyncadd.s32 $0xFFFF3800  }
0xc9: {  	[tilespmem:s18], [sflag:$0x1] =	stream.indirect.gather [hbm4b:s3+s17], $0x40, s26, s17, $0xb8;
	[tilespmem:$0x1DB00] =	vst v63  }
0xca: {  	v2 =	vld [tilespmem:s1+$0x1A900]  }
0xcb: {  	v6 =	vld [tilespmem:s1+$0x1A910]  }
0xcc: {  	v1 =	vld [tilespmem:s1+$0x1A920]  }
0xcd: {  	v4 =	vld [tilespmem:s1+$0x11300]  }
0xce: {  	v5 =	vld [tilespmem:s1+$0x14500]  }
0xcf: {  	v3 =	vld [tilespmem:s1+$0xE100]  }
0xd0: {  	v7 =	vld [tilespmem:s1+$0x17700]  }
0xd1: {  	v8 =	vld [tilespmem:s1+$0xE110]  }
0xd2: {  	v9 =	vld [tilespmem:s1+$0x11310];
	v4 =	vmul.f32 $8.000000000e+00, v4  }
0xd3: {  	v0 =	vld [tilespmem:s1+$0x1A930];
	v5 =	vmul.f32 $8.000000000e+00, v5  }
0xd4: {  	v10 =	vld [tilespmem:s1+$0x14510];
	v3 =	vmul.f32 $8.000000000e+00, v3;
	v4 =	vadd.f32 v4, v2  }
0xd5: {  	v11 =	vld [tilespmem:s1+$0x17710];
	v7 =	vmul.f32 $8.000000000e+00, v7;
	v5 =	vadd.f32 v5, v2  }
0xd6: {  	v12 =	vld [tilespmem:s1+$0xE120];
	v3 =	vadd.f32 v3, v2;
	[tilespmem:s1+$0x11300] =	vst v4;
	v4 =	vmul.f32 $8.000000000e+00, v8  }
0xd7: {  	v13 =	vld [tilespmem:s1+$0x11320];
	v7 =	vadd.f32 v7, v2;
	[tilespmem:s1+$0x14500] =	vst v5;
	v5 =	vmul.f32 $8.000000000e+00, v9  }
0xd8: {  	[tilespmem:s1+$0xE100] =	vst v3;
	v3 =	vld [tilespmem:s1+$0x14520];
	v8 =	vadd.f32 v4, v6  }
0xd9: {  	v2 =	vld [tilespmem:s1+$0x17720];
	[tilespmem:s1+$0x17700] =	vst v7;
	v7 =	vmul.f32 $8.000000000e+00, v10;
	v10 =	vadd.f32 v5, v6  }
0xda: {  	v4 =	vld [tilespmem:s1+$0xE130];
	[tilespmem:s1+$0xE110] =	vst v8;
	v8 =	vmul.f32 $8.000000000e+00, v11  }
0xdb: {  	v5 =	vld [tilespmem:s1+$0x11330];
	v9 =	vadd.f32 v7, v6;
	[tilespmem:s1+$0x11310] =	vst v10;
	v10 =	vmul.f32 $8.000000000e+00, v12  }
0xdc: {  	s0 =	simm.s32 $0x100;
	v7 =	vadd.f32 v8, v6;
	v8 =	vmul.f32 $8.000000000e+00, v13;
	v6 =	vld [tilespmem:s1+$0x14530]  }
.LBB2_8:
0xdd: {  	s16 =	sshra.s32 s0, $0x2;
	p0 =	sne.s32 s0, $0xC700;
	[tilespmem:s1+$0x14510] =	vst v9;
	v9 =	vadd.f32 v10, v1;
	v3 =	vmul.f32 $8.000000000e+00, v3;
	v10 =	vld [tilespmem:s1+$0x17730]  }
0xde: {  	v11 =	vld [tilespmem:s16+$0x1A900];
	[tilespmem:s1+$0x17710] =	vst v7;
	v7 =	vadd.f32 v8, v1;
	v2 =	vmul.f32 $8.000000000e+00, v2  }
0xdf: {  	v8 =	vld [tilespmem:s16+$0x1A910];
	[tilespmem:s1+$0xE120] =	vst v9;
	v3 =	vadd.f32 v3, v1;
	v4 =	vmul.f32 $8.000000000e+00, v4  }
0xe0: {  	[tilespmem:s1+$0x11320] =	vst v7;
	v2 =	vadd.f32 v2, v1;
	v1 =	vld [tilespmem:s16+$0x1A920];
	v5 =	vmul.f32 $8.000000000e+00, v5  }
0xe1: {  	v7 =	vld [tilespmem:s16+$0x1A930];
	[tilespmem:s1+$0x14520] =	vst v3;
	v3 =	vadd.f32 v4, v0;
	v4 =	vmul.f32 $8.000000000e+00, v6  }
0xe2: {  	v6 =	vld [tilespmem:s16+$0xE100];
	[tilespmem:s1+$0x17720] =	vst v2;
	v2 =	vadd.f32 v5, v0;
	v5 =	vmul.f32 $8.000000000e+00, v10  }
0xe3: {  	v9 =	vld [tilespmem:s16+$0x11300];
	[tilespmem:s1+$0xE130] =	vst v3;
	v3 =	vadd.f32 v4, v0  }
0xe4: {  	v4 =	vld [tilespmem:s16+$0x14500];
	[tilespmem:s1+$0x11330] =	vst v2;
	v5 =	vadd.f32 v5, v0  }
0xe5: {  	v2 =	vld [tilespmem:s16+$0x17700];
	[tilespmem:s1+$0x14530] =	vst v3  }
0xe6: {  	v3 =	vld [tilespmem:s16+$0xE110];
	[tilespmem:s1+$0x17730] =	vst v5;
	v0 =	vmov v7;
	s1 =	smov.u32 s16  }
0xe7: {  	v5 =	vmul.f32 $8.000000000e+00, v6;
	v6 =	vld [tilespmem:s1+$0x11310]  }
0xe8: {  	v7 =	vmul.f32 $8.000000000e+00, v9;
	v9 =	vld [tilespmem:s1+$0x14510]  }
0xe9: {  	v5 =	vadd.f32 v5, v11;
	v4 =	vmul.f32 $8.000000000e+00, v4;
	v10 =	vld [tilespmem:s1+$0x17710]  }
0xea: {  	v7 =	vadd.f32 v7, v11;
	v2 =	vmul.f32 $8.000000000e+00, v2;
	v12 =	vld [tilespmem:s1+$0xE120]  }
0xeb: {  	[tilespmem:s1+$0xE100] =	vst v5;
	v4 =	vadd.f32 v4, v11;
	v5 =	vmul.f32 $8.000000000e+00, v3;
	v13 =	vld [tilespmem:s1+$0x11320]  }
.Ltmp3:
0xec: {  	[tilespmem:s1+$0x11300] =	vst v7;
	v7 =	vadd.f32 v2, v11;
	v6 =	vmul.f32 $8.000000000e+00, v6;
	v3 =	vld [tilespmem:s1+$0x14520];
	(pc) =	sbr.rel @p0 .LBB2_8-.Ltmp3, $4  }
0xed: {  	[tilespmem:s1+$0x14500] =	vst v4;
	v5 =	vadd.f32 v5, v8;
	v9 =	vmul.f32 $8.000000000e+00, v9;
	v2 =	vld [tilespmem:s1+$0x17720]  }
0xee: {  	[tilespmem:s1+$0x17700] =	vst v7;
	v6 =	vadd.f32 v6, v8;
	v7 =	vmul.f32 $8.000000000e+00, v10;
	v4 =	vld [tilespmem:s1+$0xE130]  }
0xef: {  	[tilespmem:s1+$0xE110] =	vst v5;
	v9 =	vadd.f32 v9, v8;
	v10 =	vmul.f32 $8.000000000e+00, v12;
	v5 =	vld [tilespmem:s1+$0x11330]  }
0xf0: {  	s0 =	sadd.s32 $0x100, s0;
	[tilespmem:s1+$0x11310] =	vst v6;
	v7 =	vadd.f32 v7, v8;
	v8 =	vmul.f32 $8.000000000e+00, v13;
	v6 =	vld [tilespmem:s1+$0x14530]  }
0xf1: {  	[tilespmem:s1+$0x14510] =	vst v9;
	v9 =	vadd.f32 v10, v1;
	v3 =	vmul.f32 $8.000000000e+00, v3;
	v10 =	vld [tilespmem:s1+$0x17730]  }
0xf2: {  	[tilespmem:s1+$0x17710] =	vst v7;
	v7 =	vadd.f32 v8, v1;
	v2 =	vmul.f32 $8.000000000e+00, v2  }
0xf3: {  	[tilespmem:s1+$0xE120] =	vst v9;
	v3 =	vadd.f32 v3, v1;
	v4 =	vmul.f32 $8.000000000e+00, v4  }
0xf4: {  	[tilespmem:s1+$0x11320] =	vst v7;
	v1 =	vadd.f32 v2, v1;
	v2 =	vmul.f32 $8.000000000e+00, v5  }
0xf5: {  	[tilespmem:s1+$0x14520] =	vst v3;
	v3 =	vadd.f32 v4, v0;
	v4 =	vmul.f32 $8.000000000e+00, v6  }
0xf6: {  	[tilespmem:s1+$0x17720] =	vst v1;
	v1 =	vadd.f32 v2, v0;
	v2 =	vmul.f32 $8.000000000e+00, v10  }
0xf7: {  	[tilespmem:s1+$0xE130] =	vst v3;
	v3 =	vadd.f32 v4, v0  }
0xf8: {  	[tilespmem:s1+$0x11330] =	vst v1;
	v0 =	vadd.f32 v2, v0  }
0xf9: {  	[tilespmem:s1+$0x14530] =	vst v3  }
0xfa: {  	[tilespmem:s1+$0x17730] =	vst v0  }
0xfb: {  	[hbm4b:s9+s21] =	stream.strided.scatter [tilespmem:s20], [sflag:$0x2], $0xC800, s22, s21, $0x38;
	[tilespmem:$0x1DB00] =	vst v63  }
0xfc: {  	_ =	swait.ge [sflag:s19], $0xC800  }
0xfd: {  	[sflag:s19] =	ssyncset.done $0x0  }
0xfe: {  	[sflag:s19] =	ssyncadd.s32 $0xFFFF3800  }
0xff: {  	_ =	swait.ge [sflag:s23], $0xC800  }
0x100: {  	[sflag:s23] =	ssyncset.done $0x0  }
0x101: {  	s1 =	simm.s32 $0x0;
	[sflag:s23] =	ssyncadd.s32 $0xFFFF3800  }
0x102: {  	[tilespmem:s20], [sflag:$0x1] =	stream.indirect.gather [hbm4b:s3+s17], $0x40, s28, s17, $0xb8;
	[tilespmem:$0x1DB00] =	vst v63  }
0x103: {  	v2 =	vld [tilespmem:s1+$0x1A900]  }
0x104: {  	v6 =	vld [tilespmem:s1+$0x1A910]  }
0x105: {  	v1 =	vld [tilespmem:s1+$0x1A920]  }
0x106: {  	v4 =	vld [tilespmem:s1+$0x4B00]  }
0x107: {  	v5 =	vld [tilespmem:s1+$0x7D00]  }
0x108: {  	v3 =	vld [tilespmem:s1+$0x1900]  }
0x109: {  	v7 =	vld [tilespmem:s1+$0xAF00]  }
0x10a: {  	v8 =	vld [tilespmem:s1+$0x1910]  }
0x10b: {  	v9 =	vld [tilespmem:s1+$0x4B10];
	v4 =	vmul.f32 $8.000000000e+00, v4  }
0x10c: {  	v0 =	vld [tilespmem:s1+$0x1A930];
	v5 =	vmul.f32 $8.000000000e+00, v5  }
0x10d: {  	v10 =	vld [tilespmem:s1+$0x7D10];
	v3 =	vmul.f32 $8.000000000e+00, v3;
	v4 =	vadd.f32 v4, v2  }
0x10e: {  	v11 =	vld [tilespmem:s1+$0xAF10];
	v7 =	vmul.f32 $8.000000000e+00, v7;
	v5 =	vadd.f32 v5, v2  }
0x10f: {  	v12 =	vld [tilespmem:s1+$0x1920];
	v3 =	vadd.f32 v3, v2;
	[tilespmem:s1+$0x4B00] =	vst v4;
	v4 =	vmul.f32 $8.000000000e+00, v8  }
0x110: {  	v13 =	vld [tilespmem:s1+$0x4B20];
	v7 =	vadd.f32 v7, v2;
	[tilespmem:s1+$0x7D00] =	vst v5;
	v5 =	vmul.f32 $8.000000000e+00, v9  }
0x111: {  	[tilespmem:s1+$0x1900] =	vst v3;
	v3 =	vld [tilespmem:s1+$0x7D20];
	v8 =	vadd.f32 v4, v6  }
0x112: {  	v2 =	vld [tilespmem:s1+$0xAF20];
	[tilespmem:s1+$0xAF00] =	vst v7;
	v7 =	vmul.f32 $8.000000000e+00, v10;
	v10 =	vadd.f32 v5, v6  }
0x113: {  	v4 =	vld [tilespmem:s1+$0x1930];
	[tilespmem:s1+$0x1910] =	vst v8;
	v8 =	vmul.f32 $8.000000000e+00, v11  }
0x114: {  	v5 =	vld [tilespmem:s1+$0x4B30];
	v9 =	vadd.f32 v7, v6;
	[tilespmem:s1+$0x4B10] =	vst v10;
	v10 =	vmul.f32 $8.000000000e+00, v12  }
0x115: {  	s0 =	simm.s32 $0x100;
	v7 =	vadd.f32 v8, v6;
	v8 =	vmul.f32 $8.000000000e+00, v13;
	v6 =	vld [tilespmem:s1+$0x7D30]  }
.LBB2_10:
0x116: {  	s16 =	sshra.s32 s0, $0x2;
	p0 =	sne.s32 s0, $0xC700;
	[tilespmem:s1+$0x7D10] =	vst v9;
	v9 =	vadd.f32 v10, v1;
	v3 =	vmul.f32 $8.000000000e+00, v3;
	v10 =	vld [tilespmem:s1+$0xAF30]  }
0x117: {  	v11 =	vld [tilespmem:s16+$0x1A900];
	[tilespmem:s1+$0xAF10] =	vst v7;
	v7 =	vadd.f32 v8, v1;
	v2 =	vmul.f32 $8.000000000e+00, v2  }
0x118: {  	v8 =	vld [tilespmem:s16+$0x1A910];
	[tilespmem:s1+$0x1920] =	vst v9;
	v3 =	vadd.f32 v3, v1;
	v4 =	vmul.f32 $8.000000000e+00, v4  }
0x119: {  	[tilespmem:s1+$0x4B20] =	vst v7;
	v2 =	vadd.f32 v2, v1;
	v1 =	vld [tilespmem:s16+$0x1A920];
	v5 =	vmul.f32 $8.000000000e+00, v5  }
0x11a: {  	v7 =	vld [tilespmem:s16+$0x1A930];
	[tilespmem:s1+$0x7D20] =	vst v3;
	v3 =	vadd.f32 v4, v0;
	v4 =	vmul.f32 $8.000000000e+00, v6  }
0x11b: {  	v6 =	vld [tilespmem:s16+$0x1900];
	[tilespmem:s1+$0xAF20] =	vst v2;
	v2 =	vadd.f32 v5, v0;
	v5 =	vmul.f32 $8.000000000e+00, v10  }
0x11c: {  	v9 =	vld [tilespmem:s16+$0x4B00];
	[tilespmem:s1+$0x1930] =	vst v3;
	v3 =	vadd.f32 v4, v0  }
0x11d: {  	v4 =	vld [tilespmem:s16+$0x7D00];
	[tilespmem:s1+$0x4B30] =	vst v2;
	v5 =	vadd.f32 v5, v0  }
0x11e: {  	v2 =	vld [tilespmem:s16+$0xAF00];
	[tilespmem:s1+$0x7D30] =	vst v3  }
0x11f: {  	v3 =	vld [tilespmem:s16+$0x1910];
	[tilespmem:s1+$0xAF30] =	vst v5;
	v0 =	vmov v7;
	s1 =	smov.u32 s16  }
0x120: {  	v5 =	vmul.f32 $8.000000000e+00, v6;
	v6 =	vld [tilespmem:s1+$0x4B10]  }
0x121: {  	v7 =	vmul.f32 $8.000000000e+00, v9;
	v9 =	vld [tilespmem:s1+$0x7D10]  }
0x122: {  	v5 =	vadd.f32 v5, v11;
	v4 =	vmul.f32 $8.000000000e+00, v4;
	v10 =	vld [tilespmem:s1+$0xAF10]  }
0x123: {  	v7 =	vadd.f32 v7, v11;
	v2 =	vmul.f32 $8.000000000e+00, v2;
	v12 =	vld [tilespmem:s1+$0x1920]  }
0x124: {  	[tilespmem:s1+$0x1900] =	vst v5;
	v4 =	vadd.f32 v4, v11;
	v5 =	vmul.f32 $8.000000000e+00, v3;
	v13 =	vld [tilespmem:s1+$0x4B20]  }
.Ltmp4:
0x125: {  	[tilespmem:s1+$0x4B00] =	vst v7;
	v7 =	vadd.f32 v2, v11;
	v6 =	vmul.f32 $8.000000000e+00, v6;
	v3 =	vld [tilespmem:s1+$0x7D20];
	(pc) =	sbr.rel @p0 .LBB2_10-.Ltmp4, $4  }
0x126: {  	[tilespmem:s1+$0x7D00] =	vst v4;
	v5 =	vadd.f32 v5, v8;
	v9 =	vmul.f32 $8.000000000e+00, v9;
	v2 =	vld [tilespmem:s1+$0xAF20]  }
0x127: {  	[tilespmem:s1+$0xAF00] =	vst v7;
	v6 =	vadd.f32 v6, v8;
	v7 =	vmul.f32 $8.000000000e+00, v10;
	v4 =	vld [tilespmem:s1+$0x1930]  }
0x128: {  	[tilespmem:s1+$0x1910] =	vst v5;
	v9 =	vadd.f32 v9, v8;
	v10 =	vmul.f32 $8.000000000e+00, v12;
	v5 =	vld [tilespmem:s1+$0x4B30]  }
0x129: {  	s0 =	sadd.s32 $0x100, s0;
	[tilespmem:s1+$0x4B10] =	vst v6;
	v7 =	vadd.f32 v7, v8;
	v8 =	vmul.f32 $8.000000000e+00, v13;
	v6 =	vld [tilespmem:s1+$0x7D30]  }
0x12a: {  	[tilespmem:s1+$0x7D10] =	vst v9;
	v9 =	vadd.f32 v10, v1;
	v3 =	vmul.f32 $8.000000000e+00, v3;
	v10 =	vld [tilespmem:s1+$0xAF30]  }
0x12b: {  	[tilespmem:s1+$0xAF10] =	vst v7;
	v7 =	vadd.f32 v8, v1;
	v2 =	vmul.f32 $8.000000000e+00, v2  }
0x12c: {  	[tilespmem:s1+$0x1920] =	vst v9;
	v3 =	vadd.f32 v3, v1;
	v4 =	vmul.f32 $8.000000000e+00, v4  }
0x12d: {  	[tilespmem:s1+$0x4B20] =	vst v7;
	v1 =	vadd.f32 v2, v1;
	v2 =	vmul.f32 $8.000000000e+00, v5  }
0x12e: {  	[tilespmem:s1+$0x7D20] =	vst v3;
	v3 =	vadd.f32 v4, v0;
	v4 =	vmul.f32 $8.000000000e+00, v6  }
0x12f: {  	[tilespmem:s1+$0xAF20] =	vst v1;
	v1 =	vadd.f32 v2, v0;
	v2 =	vmul.f32 $8.000000000e+00, v10  }
0x130: {  	[tilespmem:s1+$0x1930] =	vst v3;
	v3 =	vadd.f32 v4, v0  }
0x131: {  	[tilespmem:s1+$0x4B30] =	vst v1;
	v0 =	vadd.f32 v2, v0  }
0x132: {  	[tilespmem:s1+$0x7D30] =	vst v3  }
0x133: {  	[tilespmem:s1+$0xAF30] =	vst v0  }
0x134: {  	[hbm4b:s10+s21] =	stream.strided.scatter [tilespmem:s18], [sflag:$0x2], $0xC800, s22, s21, $0x38;
	[tilespmem:$0x1DB00] =	vst v63  }
0x135: {  	_ =	swait.ge [sflag:s19], $0xC800  }
0x136: {  	[sflag:s19] =	ssyncset.done $0x0  }
0x137: {  	[sflag:s19] =	ssyncadd.s32 $0xFFFF3800  }
0x138: {  	_ =	swait.ge [sflag:s23], $0xC800  }
0x139: {  	[sflag:s23] =	ssyncset.done $0x0  }
0x13a: {  	s1 =	simm.s32 $0x0;
	[sflag:s23] =	ssyncadd.s32 $0xFFFF3800  }
0x13b: {  	[tilespmem:s18], [sflag:$0x1] =	stream.indirect.gather [hbm4b:s3+s17], $0x40, s29, s17, $0xb8;
	[tilespmem:$0x1DB00] =	vst v63  }
0x13c: {  	v2 =	vld [tilespmem:s1+$0x1A900]  }
0x13d: {  	v6 =	vld [tilespmem:s1+$0x1A910]  }
0x13e: {  	v1 =	vld [tilespmem:s1+$0x1A920]  }
0x13f: {  	v4 =	vld [tilespmem:s1+$0x11300]  }
0x140: {  	v5 =	vld [tilespmem:s1+$0x14500]  }
0x141: {  	v3 =	vld [tilespmem:s1+$0xE100]  }
0x142: {  	v7 =	vld [tilespmem:s1+$0x17700]  }
0x143: {  	v8 =	vld [tilespmem:s1+$0xE110]  }
0x144: {  	v9 =	vld [tilespmem:s1+$0x11310];
	v4 =	vmul.f32 $8.000000000e+00, v4  }
0x145: {  	v0 =	vld [tilespmem:s1+$0x1A930];
	v5 =	vmul.f32 $8.000000000e+00, v5  }
0x146: {  	v10 =	vld [tilespmem:s1+$0x14510];
	v3 =	vmul.f32 $8.000000000e+00, v3;
	v4 =	vadd.f32 v4, v2  }
0x147: {  	v11 =	vld [tilespmem:s1+$0x17710];
	v7 =	vmul.f32 $8.000000000e+00, v7;
	v5 =	vadd.f32 v5, v2  }
0x148: {  	v12 =	vld [tilespmem:s1+$0xE120];
	v3 =	vadd.f32 v3, v2;
	[tilespmem:s1+$0x11300] =	vst v4;
	v4 =	vmul.f32 $8.000000000e+00, v8  }
0x149: {  	v13 =	vld [tilespmem:s1+$0x11320];
	v7 =	vadd.f32 v7, v2;
	[tilespmem:s1+$0x14500] =	vst v5;
	v5 =	vmul.f32 $8.000000000e+00, v9  }
0x14a: {  	[tilespmem:s1+$0xE100] =	vst v3;
	v3 =	vld [tilespmem:s1+$0x14520];
	v8 =	vadd.f32 v4, v6  }
0x14b: {  	v2 =	vld [tilespmem:s1+$0x17720];
	[tilespmem:s1+$0x17700] =	vst v7;
	v7 =	vmul.f32 $8.000000000e+00, v10;
	v10 =	vadd.f32 v5, v6  }
0x14c: {  	v4 =	vld [tilespmem:s1+$0xE130];
	[tilespmem:s1+$0xE110] =	vst v8;
	v8 =	vmul.f32 $8.000000000e+00, v11  }
0x14d: {  	v5 =	vld [tilespmem:s1+$0x11330];
	v9 =	vadd.f32 v7, v6;
	[tilespmem:s1+$0x11310] =	vst v10;
	v10 =	vmul.f32 $8.000000000e+00, v12  }
0x14e: {  	s0 =	simm.s32 $0x100;
	v7 =	vadd.f32 v8, v6;
	v8 =	vmul.f32 $8.000000000e+00, v13;
	v6 =	vld [tilespmem:s1+$0x14530]  }
.LBB2_12:
0x14f: {  	s16 =	sshra.s32 s0, $0x2;
	p0 =	sne.s32 s0, $0xC700;
	[tilespmem:s1+$0x14510] =	vst v9;
	v9 =	vadd.f32 v10, v1;
	v3 =	vmul.f32 $8.000000000e+00, v3;
	v10 =	vld [tilespmem:s1+$0x17730]  }
0x150: {  	v11 =	vld [tilespmem:s16+$0x1A900];
	[tilespmem:s1+$0x17710] =	vst v7;
	v7 =	vadd.f32 v8, v1;
	v2 =	vmul.f32 $8.000000000e+00, v2  }
0x151: {  	v8 =	vld [tilespmem:s16+$0x1A910];
	[tilespmem:s1+$0xE120] =	vst v9;
	v3 =	vadd.f32 v3, v1;
	v4 =	vmul.f32 $8.000000000e+00, v4  }
0x152: {  	[tilespmem:s1+$0x11320] =	vst v7;
	v2 =	vadd.f32 v2, v1;
	v1 =	vld [tilespmem:s16+$0x1A920];
	v5 =	vmul.f32 $8.000000000e+00, v5  }
0x153: {  	v7 =	vld [tilespmem:s16+$0x1A930];
	[tilespmem:s1+$0x14520] =	vst v3;
	v3 =	vadd.f32 v4, v0;
	v4 =	vmul.f32 $8.000000000e+00, v6  }
0x154: {  	v6 =	vld [tilespmem:s16+$0xE100];
	[tilespmem:s1+$0x17720] =	vst v2;
	v2 =	vadd.f32 v5, v0;
	v5 =	vmul.f32 $8.000000000e+00, v10  }
0x155: {  	v9 =	vld [tilespmem:s16+$0x11300];
	[tilespmem:s1+$0xE130] =	vst v3;
	v3 =	vadd.f32 v4, v0  }
0x156: {  	v4 =	vld [tilespmem:s16+$0x14500];
	[tilespmem:s1+$0x11330] =	vst v2;
	v5 =	vadd.f32 v5, v0  }
0x157: {  	v2 =	vld [tilespmem:s16+$0x17700];
	[tilespmem:s1+$0x14530] =	vst v3  }
0x158: {  	v3 =	vld [tilespmem:s16+$0xE110];
	[tilespmem:s1+$0x17730] =	vst v5;
	v0 =	vmov v7;
	s1 =	smov.u32 s16  }
0x159: {  	v5 =	vmul.f32 $8.000000000e+00, v6;
	v6 =	vld [tilespmem:s1+$0x11310]  }
0x15a: {  	v7 =	vmul.f32 $8.000000000e+00, v9;
	v9 =	vld [tilespmem:s1+$0x14510]  }
0x15b: {  	v5 =	vadd.f32 v5, v11;
	v4 =	vmul.f32 $8.000000000e+00, v4;
	v10 =	vld [tilespmem:s1+$0x17710]  }
0x15c: {  	v7 =	vadd.f32 v7, v11;
	v2 =	vmul.f32 $8.000000000e+00, v2;
	v12 =	vld [tilespmem:s1+$0xE120]  }
0x15d: {  	[tilespmem:s1+$0xE100] =	vst v5;
	v4 =	vadd.f32 v4, v11;
	v5 =	vmul.f32 $8.000000000e+00, v3;
	v13 =	vld [tilespmem:s1+$0x11320]  }
.Ltmp5:
0x15e: {  	[tilespmem:s1+$0x11300] =	vst v7;
	v7 =	vadd.f32 v2, v11;
	v6 =	vmul.f32 $8.000000000e+00, v6;
	v3 =	vld [tilespmem:s1+$0x14520];
	(pc) =	sbr.rel @p0 .LBB2_12-.Ltmp5, $4  }
0x15f: {  	[tilespmem:s1+$0x14500] =	vst v4;
	v5 =	vadd.f32 v5, v8;
	v9 =	vmul.f32 $8.000000000e+00, v9;
	v2 =	vld [tilespmem:s1+$0x17720]  }
0x160: {  	[tilespmem:s1+$0x17700] =	vst v7;
	v6 =	vadd.f32 v6, v8;
	v7 =	vmul.f32 $8.000000000e+00, v10;
	v4 =	vld [tilespmem:s1+$0xE130]  }
0x161: {  	[tilespmem:s1+$0xE110] =	vst v5;
	v9 =	vadd.f32 v9, v8;
	v10 =	vmul.f32 $8.000000000e+00, v12;
	v5 =	vld [tilespmem:s1+$0x11330]  }
0x162: {  	s0 =	sadd.s32 $0x100, s0;
	[tilespmem:s1+$0x11310] =	vst v6;
	v7 =	vadd.f32 v7, v8;
	v8 =	vmul.f32 $8.000000000e+00, v13;
	v6 =	vld [tilespmem:s1+$0x14530]  }
0x163: {  	[tilespmem:s1+$0x14510] =	vst v9;
	v9 =	vadd.f32 v10, v1;
	v3 =	vmul.f32 $8.000000000e+00, v3;
	v10 =	vld [tilespmem:s1+$0x17730]  }
0x164: {  	[tilespmem:s1+$0x17710] =	vst v7;
	v7 =	vadd.f32 v8, v1;
	v2 =	vmul.f32 $8.000000000e+00, v2  }
0x165: {  	[tilespmem:s1+$0xE120] =	vst v9;
	v3 =	vadd.f32 v3, v1;
	v4 =	vmul.f32 $8.000000000e+00, v4  }
0x166: {  	[tilespmem:s1+$0x11320] =	vst v7;
	v1 =	vadd.f32 v2, v1;
	v2 =	vmul.f32 $8.000000000e+00, v5  }
0x167: {  	[tilespmem:s1+$0x14520] =	vst v3;
	v3 =	vadd.f32 v4, v0;
	v4 =	vmul.f32 $8.000000000e+00, v6  }
0x168: {  	[tilespmem:s1+$0x17720] =	vst v1;
	v1 =	vadd.f32 v2, v0;
	v2 =	vmul.f32 $8.000000000e+00, v10  }
0x169: {  	[tilespmem:s1+$0xE130] =	vst v3;
	v3 =	vadd.f32 v4, v0  }
0x16a: {  	[tilespmem:s1+$0x11330] =	vst v1;
	v0 =	vadd.f32 v2, v0  }
0x16b: {  	[tilespmem:s1+$0x14530] =	vst v3  }
0x16c: {  	[tilespmem:s1+$0x17730] =	vst v0  }
0x16d: {  	[hbm4b:s11+s21] =	stream.strided.scatter [tilespmem:s20], [sflag:$0x2], $0xC800, s22, s21, $0x38;
	[tilespmem:$0x1DB00] =	vst v63  }
0x16e: {  	_ =	swait.ge [sflag:s19], $0xC800  }
0x16f: {  	[sflag:s19] =	ssyncset.done $0x0  }
0x170: {  	[sflag:s19] =	ssyncadd.s32 $0xFFFF3800  }
0x171: {  	_ =	swait.ge [sflag:s23], $0xC800  }
0x172: {  	[sflag:s23] =	ssyncset.done $0x0  }
0x173: {  	s1 =	simm.s32 $0x0;
	[sflag:s23] =	ssyncadd.s32 $0xFFFF3800  }
0x174: {  	[tilespmem:s20], [sflag:$0x1] =	stream.indirect.gather [hbm4b:s3+s17], $0x40, s30, s17, $0xb8;
	[tilespmem:$0x1DB00] =	vst v63  }
0x175: {  	v2 =	vld [tilespmem:s1+$0x1A900]  }
0x176: {  	v6 =	vld [tilespmem:s1+$0x1A910]  }
0x177: {  	v1 =	vld [tilespmem:s1+$0x1A920]  }
0x178: {  	v4 =	vld [tilespmem:s1+$0x4B00]  }
0x179: {  	v5 =	vld [tilespmem:s1+$0x7D00]  }
0x17a: {  	v3 =	vld [tilespmem:s1+$0x1900]  }
0x17b: {  	v7 =	vld [tilespmem:s1+$0xAF00]  }
0x17c: {  	v8 =	vld [tilespmem:s1+$0x1910]  }
0x17d: {  	v9 =	vld [tilespmem:s1+$0x4B10];
	v4 =	vmul.f32 $8.000000000e+00, v4  }
0x17e: {  	v0 =	vld [tilespmem:s1+$0x1A930];
	v5 =	vmul.f32 $8.000000000e+00, v5  }
0x17f: {  	v10 =	vld [tilespmem:s1+$0x7D10];
	v3 =	vmul.f32 $8.000000000e+00, v3;
	v4 =	vadd.f32 v4, v2  }
0x180: {  	v11 =	vld [tilespmem:s1+$0xAF10];
	v7 =	vmul.f32 $8.000000000e+00, v7;
	v5 =	vadd.f32 v5, v2  }
0x181: {  	v12 =	vld [tilespmem:s1+$0x1920];
	v3 =	vadd.f32 v3, v2;
	[tilespmem:s1+$0x4B00] =	vst v4;
	v4 =	vmul.f32 $8.000000000e+00, v8  }
0x182: {  	v13 =	vld [tilespmem:s1+$0x4B20];
	v7 =	vadd.f32 v7, v2;
	[tilespmem:s1+$0x7D00] =	vst v5;
	v5 =	vmul.f32 $8.000000000e+00, v9  }
0x183: {  	[tilespmem:s1+$0x1900] =	vst v3;
	v3 =	vld [tilespmem:s1+$0x7D20];
	v8 =	vadd.f32 v4, v6  }
0x184: {  	v2 =	vld [tilespmem:s1+$0xAF20];
	[tilespmem:s1+$0xAF00] =	vst v7;
	v7 =	vmul.f32 $8.000000000e+00, v10;
	v10 =	vadd.f32 v5, v6  }
0x185: {  	v4 =	vld [tilespmem:s1+$0x1930];
	[tilespmem:s1+$0x1910] =	vst v8;
	v8 =	vmul.f32 $8.000000000e+00, v11  }
0x186: {  	v5 =	vld [tilespmem:s1+$0x4B30];
	v9 =	vadd.f32 v7, v6;
	[tilespmem:s1+$0x4B10] =	vst v10;
	v10 =	vmul.f32 $8.000000000e+00, v12  }
0x187: {  	s0 =	simm.s32 $0x100;
	v7 =	vadd.f32 v8, v6;
	v8 =	vmul.f32 $8.000000000e+00, v13;
	v6 =	vld [tilespmem:s1+$0x7D30]  }
.LBB2_14:
0x188: {  	s16 =	sshra.s32 s0, $0x2;
	p0 =	sne.s32 s0, $0xC700;
	[tilespmem:s1+$0x7D10] =	vst v9;
	v9 =	vadd.f32 v10, v1;
	v3 =	vmul.f32 $8.000000000e+00, v3;
	v10 =	vld [tilespmem:s1+$0xAF30]  }
0x189: {  	v11 =	vld [tilespmem:s16+$0x1A900];
	[tilespmem:s1+$0xAF10] =	vst v7;
	v7 =	vadd.f32 v8, v1;
	v2 =	vmul.f32 $8.000000000e+00, v2  }
0x18a: {  	v8 =	vld [tilespmem:s16+$0x1A910];
	[tilespmem:s1+$0x1920] =	vst v9;
	v3 =	vadd.f32 v3, v1;
	v4 =	vmul.f32 $8.000000000e+00, v4  }
0x18b: {  	[tilespmem:s1+$0x4B20] =	vst v7;
	v2 =	vadd.f32 v2, v1;
	v1 =	vld [tilespmem:s16+$0x1A920];
	v5 =	vmul.f32 $8.000000000e+00, v5  }
0x18c: {  	v7 =	vld [tilespmem:s16+$0x1A930];
	[tilespmem:s1+$0x7D20] =	vst v3;
	v3 =	vadd.f32 v4, v0;
	v4 =	vmul.f32 $8.000000000e+00, v6  }
0x18d: {  	v6 =	vld [tilespmem:s16+$0x1900];
	[tilespmem:s1+$0xAF20] =	vst v2;
	v2 =	vadd.f32 v5, v0;
	v5 =	vmul.f32 $8.000000000e+00, v10  }
0x18e: {  	v9 =	vld [tilespmem:s16+$0x4B00];
	[tilespmem:s1+$0x1930] =	vst v3;
	v3 =	vadd.f32 v4, v0  }
0x18f: {  	v4 =	vld [tilespmem:s16+$0x7D00];
	[tilespmem:s1+$0x4B30] =	vst v2;
	v5 =	vadd.f32 v5, v0  }
0x190: {  	v2 =	vld [tilespmem:s16+$0xAF00];
	[tilespmem:s1+$0x7D30] =	vst v3  }
0x191: {  	v3 =	vld [tilespmem:s16+$0x1910];
	[tilespmem:s1+$0xAF30] =	vst v5;
	v0 =	vmov v7;
	s1 =	smov.u32 s16  }
0x192: {  	v5 =	vmul.f32 $8.000000000e+00, v6;
	v6 =	vld [tilespmem:s1+$0x4B10]  }
0x193: {  	v7 =	vmul.f32 $8.000000000e+00, v9;
	v9 =	vld [tilespmem:s1+$0x7D10]  }
0x194: {  	v5 =	vadd.f32 v5, v11;
	v4 =	vmul.f32 $8.000000000e+00, v4;
	v10 =	vld [tilespmem:s1+$0xAF10]  }
0x195: {  	v7 =	vadd.f32 v7, v11;
	v2 =	vmul.f32 $8.000000000e+00, v2;
	v12 =	vld [tilespmem:s1+$0x1920]  }
0x196: {  	[tilespmem:s1+$0x1900] =	vst v5;
	v4 =	vadd.f32 v4, v11;
	v5 =	vmul.f32 $8.000000000e+00, v3;
	v13 =	vld [tilespmem:s1+$0x4B20]  }
.Ltmp6:
0x197: {  	[tilespmem:s1+$0x4B00] =	vst v7;
	v7 =	vadd.f32 v2, v11;
	v6 =	vmul.f32 $8.000000000e+00, v6;
	v3 =	vld [tilespmem:s1+$0x7D20];
	(pc) =	sbr.rel @p0 .LBB2_14-.Ltmp6, $4  }
0x198: {  	[tilespmem:s1+$0x7D00] =	vst v4;
	v5 =	vadd.f32 v5, v8;
	v9 =	vmul.f32 $8.000000000e+00, v9;
	v2 =	vld [tilespmem:s1+$0xAF20]  }
0x199: {  	[tilespmem:s1+$0xAF00] =	vst v7;
	v6 =	vadd.f32 v6, v8;
	v7 =	vmul.f32 $8.000000000e+00, v10;
	v4 =	vld [tilespmem:s1+$0x1930]  }
0x19a: {  	[tilespmem:s1+$0x1910] =	vst v5;
	v9 =	vadd.f32 v9, v8;
	v10 =	vmul.f32 $8.000000000e+00, v12;
	v5 =	vld [tilespmem:s1+$0x4B30]  }
0x19b: {  	s0 =	sadd.s32 $0x100, s0;
	[tilespmem:s1+$0x4B10] =	vst v6;
	v7 =	vadd.f32 v7, v8;
	v8 =	vmul.f32 $8.000000000e+00, v13;
	v6 =	vld [tilespmem:s1+$0x7D30]  }
0x19c: {  	[tilespmem:s1+$0x7D10] =	vst v9;
	v9 =	vadd.f32 v10, v1;
	v3 =	vmul.f32 $8.000000000e+00, v3;
	v10 =	vld [tilespmem:s1+$0xAF30]  }
0x19d: {  	[tilespmem:s1+$0xAF10] =	vst v7;
	v7 =	vadd.f32 v8, v1;
	v2 =	vmul.f32 $8.000000000e+00, v2  }
0x19e: {  	[tilespmem:s1+$0x1920] =	vst v9;
	v3 =	vadd.f32 v3, v1;
	v4 =	vmul.f32 $8.000000000e+00, v4  }
0x19f: {  	[tilespmem:s1+$0x4B20] =	vst v7;
	v1 =	vadd.f32 v2, v1;
	v2 =	vmul.f32 $8.000000000e+00, v5  }
0x1a0: {  	[tilespmem:s1+$0x7D20] =	vst v3;
	v3 =	vadd.f32 v4, v0;
	v4 =	vmul.f32 $8.000000000e+00, v6  }
0x1a1: {  	[tilespmem:s1+$0xAF20] =	vst v1;
	v1 =	vadd.f32 v2, v0;
	v2 =	vmul.f32 $8.000000000e+00, v10  }
0x1a2: {  	[tilespmem:s1+$0x1930] =	vst v3;
	v3 =	vadd.f32 v4, v0  }
0x1a3: {  	[tilespmem:s1+$0x4B30] =	vst v1;
	v0 =	vadd.f32 v2, v0  }
0x1a4: {  	[tilespmem:s1+$0x7D30] =	vst v3  }
0x1a5: {  	[tilespmem:s1+$0xAF30] =	vst v0  }
0x1a6: {  	[hbm4b:s12+s21] =	stream.strided.scatter [tilespmem:s18], [sflag:$0x2], $0xC800, s22, s21, $0x38;
	[tilespmem:$0x1DB00] =	vst v63  }
0x1a7: {  	_ =	swait.ge [sflag:s19], $0xC800  }
0x1a8: {  	[sflag:s19] =	ssyncset.done $0x0  }
0x1a9: {  	s1 =	simm.s32 $0x0;
	[sflag:s19] =	ssyncadd.s32 $0xFFFF3800  }
0x1aa: {  	v2 =	vld [tilespmem:s1+$0x1A900]  }
0x1ab: {  	v6 =	vld [tilespmem:s1+$0x1A910]  }
0x1ac: {  	v1 =	vld [tilespmem:s1+$0x1A920]  }
0x1ad: {  	v4 =	vld [tilespmem:s1+$0x11300]  }
0x1ae: {  	v5 =	vld [tilespmem:s1+$0x14500]  }
0x1af: {  	v3 =	vld [tilespmem:s1+$0xE100]  }
0x1b0: {  	v7 =	vld [tilespmem:s1+$0x17700]  }
0x1b1: {  	v8 =	vld [tilespmem:s1+$0xE110]  }
0x1b2: {  	v9 =	vld [tilespmem:s1+$0x11310];
	v4 =	vmul.f32 $8.000000000e+00, v4  }
0x1b3: {  	v0 =	vld [tilespmem:s1+$0x1A930];
	v5 =	vmul.f32 $8.000000000e+00, v5  }
0x1b4: {  	v10 =	vld [tilespmem:s1+$0x14510];
	v3 =	vmul.f32 $8.000000000e+00, v3;
	v4 =	vadd.f32 v4, v2  }
0x1b5: {  	v11 =	vld [tilespmem:s1+$0x17710];
	v7 =	vmul.f32 $8.000000000e+00, v7;
	v5 =	vadd.f32 v5, v2  }
0x1b6: {  	v12 =	vld [tilespmem:s1+$0xE120];
	v3 =	vadd.f32 v3, v2;
	[tilespmem:s1+$0x11300] =	vst v4;
	v4 =	vmul.f32 $8.000000000e+00, v8  }
0x1b7: {  	v13 =	vld [tilespmem:s1+$0x11320];
	v7 =	vadd.f32 v7, v2;
	[tilespmem:s1+$0x14500] =	vst v5;
	v5 =	vmul.f32 $8.000000000e+00, v9  }
0x1b8: {  	[tilespmem:s1+$0xE100] =	vst v3;
	v3 =	vld [tilespmem:s1+$0x14520];
	v8 =	vadd.f32 v4, v6  }
0x1b9: {  	v2 =	vld [tilespmem:s1+$0x17720];
	[tilespmem:s1+$0x17700] =	vst v7;
	v7 =	vmul.f32 $8.000000000e+00, v10;
	v10 =	vadd.f32 v5, v6  }
0x1ba: {  	v4 =	vld [tilespmem:s1+$0xE130];
	[tilespmem:s1+$0xE110] =	vst v8;
	v8 =	vmul.f32 $8.000000000e+00, v11  }
0x1bb: {  	v5 =	vld [tilespmem:s1+$0x11330];
	v9 =	vadd.f32 v7, v6;
	[tilespmem:s1+$0x11310] =	vst v10;
	v10 =	vmul.f32 $8.000000000e+00, v12  }
0x1bc: {  	s0 =	simm.s32 $0x100;
	v7 =	vadd.f32 v8, v6;
	v8 =	vmul.f32 $8.000000000e+00, v13;
	v6 =	vld [tilespmem:s1+$0x14530]  }
.LBB2_16:
0x1bd: {  	s16 =	sshra.s32 s0, $0x2;
	p0 =	sne.s32 s0, $0xC700;
	[tilespmem:s1+$0x14510] =	vst v9;
	v9 =	vadd.f32 v10, v1;
	v3 =	vmul.f32 $8.000000000e+00, v3;
	v10 =	vld [tilespmem:s1+$0x17730]  }
0x1be: {  	v11 =	vld [tilespmem:s16+$0x1A900];
	[tilespmem:s1+$0x17710] =	vst v7;
	v7 =	vadd.f32 v8, v1;
	v2 =	vmul.f32 $8.000000000e+00, v2  }
0x1bf: {  	v8 =	vld [tilespmem:s16+$0x1A910];
	[tilespmem:s1+$0xE120] =	vst v9;
	v3 =	vadd.f32 v3, v1;
	v4 =	vmul.f32 $8.000000000e+00, v4  }
0x1c0: {  	[tilespmem:s1+$0x11320] =	vst v7;
	v2 =	vadd.f32 v2, v1;
	v1 =	vld [tilespmem:s16+$0x1A920];
	v5 =	vmul.f32 $8.000000000e+00, v5  }
0x1c1: {  	v7 =	vld [tilespmem:s16+$0x1A930];
	[tilespmem:s1+$0x14520] =	vst v3;
	v3 =	vadd.f32 v4, v0;
	v4 =	vmul.f32 $8.000000000e+00, v6  }
0x1c2: {  	v6 =	vld [tilespmem:s16+$0xE100];
	[tilespmem:s1+$0x17720] =	vst v2;
	v2 =	vadd.f32 v5, v0;
	v5 =	vmul.f32 $8.000000000e+00, v10  }
0x1c3: {  	v9 =	vld [tilespmem:s16+$0x11300];
	[tilespmem:s1+$0xE130] =	vst v3;
	v3 =	vadd.f32 v4, v0  }
0x1c4: {  	v4 =	vld [tilespmem:s16+$0x14500];
	[tilespmem:s1+$0x11330] =	vst v2;
	v5 =	vadd.f32 v5, v0  }
0x1c5: {  	v2 =	vld [tilespmem:s16+$0x17700];
	[tilespmem:s1+$0x14530] =	vst v3  }
0x1c6: {  	v3 =	vld [tilespmem:s16+$0xE110];
	[tilespmem:s1+$0x17730] =	vst v5;
	v0 =	vmov v7;
	s1 =	smov.u32 s16  }
0x1c7: {  	v5 =	vmul.f32 $8.000000000e+00, v6;
	v6 =	vld [tilespmem:s1+$0x11310]  }
0x1c8: {  	v7 =	vmul.f32 $8.000000000e+00, v9;
	v9 =	vld [tilespmem:s1+$0x14510]  }
0x1c9: {  	v5 =	vadd.f32 v5, v11;
	v4 =	vmul.f32 $8.000000000e+00, v4;
	v10 =	vld [tilespmem:s1+$0x17710]  }
0x1ca: {  	v7 =	vadd.f32 v7, v11;
	v2 =	vmul.f32 $8.000000000e+00, v2;
	v12 =	vld [tilespmem:s1+$0xE120]  }
0x1cb: {  	[tilespmem:s1+$0xE100] =	vst v5;
	v4 =	vadd.f32 v4, v11;
	v5 =	vmul.f32 $8.000000000e+00, v3;
	v13 =	vld [tilespmem:s1+$0x11320]  }
.Ltmp7:
0x1cc: {  	[tilespmem:s1+$0x11300] =	vst v7;
	v7 =	vadd.f32 v2, v11;
	v6 =	vmul.f32 $8.000000000e+00, v6;
	v3 =	vld [tilespmem:s1+$0x14520];
	(pc) =	sbr.rel @p0 .LBB2_16-.Ltmp7, $4  }
0x1cd: {  	[tilespmem:s1+$0x14500] =	vst v4;
	v5 =	vadd.f32 v5, v8;
	v9 =	vmul.f32 $8.000000000e+00, v9;
	v2 =	vld [tilespmem:s1+$0x17720]  }
0x1ce: {  	[tilespmem:s1+$0x17700] =	vst v7;
	v6 =	vadd.f32 v6, v8;
	v7 =	vmul.f32 $8.000000000e+00, v10;
	v4 =	vld [tilespmem:s1+$0xE130]  }
0x1cf: {  	[tilespmem:s1+$0xE110] =	vst v5;
	v9 =	vadd.f32 v9, v8;
	v10 =	vmul.f32 $8.000000000e+00, v12;
	v5 =	vld [tilespmem:s1+$0x11330]  }
0x1d0: {  	s0 =	sadd.s32 $0x100, s0;
	[tilespmem:s1+$0x11310] =	vst v6;
	v7 =	vadd.f32 v7, v8;
	v8 =	vmul.f32 $8.000000000e+00, v13;
	v6 =	vld [tilespmem:s1+$0x14530]  }
0x1d1: {  	[tilespmem:s1+$0x14510] =	vst v9;
	v53 =	vadd.f32 v10, v1;
	v3 =	vmul.f32 $8.000000000e+00, v3;
	v54 =	vld [tilespmem:s1+$0x17730]  }
0x1d2: {  	[tilespmem:s1+$0x17710] =	vst v7;
	v55 =	vadd.f32 v8, v1;
	v2 =	vmul.f32 $8.000000000e+00, v2  }
0x1d3: {  	[tilespmem:s1+$0xE120] =	vst v53;
	v3 =	vadd.f32 v3, v1;
	v4 =	vmul.f32 $8.000000000e+00, v4  }
0x1d4: {  	[tilespmem:s1+$0x11320] =	vst v55;
	v56 =	vadd.f32 v2, v1;
	v57 =	vmul.f32 $8.000000000e+00, v5  }
0x1d5: {  	[tilespmem:s1+$0x14520] =	vst v3;
	v58 =	vadd.f32 v4, v0;
	v59 =	vmul.f32 $8.000000000e+00, v6  }
0x1d6: {  	[tilespmem:s1+$0x17720] =	vst v56;
	v60 =	vadd.f32 v57, v0;
	v61 =	vmul.f32 $8.000000000e+00, v54  }
0x1d7: {  	[tilespmem:s1+$0xE130] =	vst v58;
	v62 =	vadd.f32 v59, v0  }
0x1d8: {  	[tilespmem:s1+$0x11330] =	vst v60;
	v63 =	vadd.f32 v61, v0  }
0x1d9: {  	[tilespmem:s1+$0x14530] =	vst v62  }
0x1da: {  	s31 =	sadd.s32 $0x1, s31;
	[tilespmem:s1+$0x17730] =	vst v63  }
0x1db: {  	[hbm4b:s13+s21] =	stream.strided.scatter [tilespmem:s20], [sflag:$0x2], $0xC800, s22, s21, $0x38;
	[tilespmem:$0x1DB00] =	vst v63  }
0x1dc: {  	p0 =	sne.s32 s31, s14;
	_ =	swait.ge [sflag:s23], $0xC800  }
.Ltmp8:
0x1dd: {  	[sflag:s23] =	ssyncset.done $0x0;
	(pc) =	sbr.rel @p0 .LBB2_1-.Ltmp8, $4  }
0x1de: {  	[sflag:s23] =	ssyncadd.s32 $0xFFFF3800  }
0x1df: {  	_ =	swait.ge [sflag:s23], $0xC800  }
0x1e0: {  	[sflag:s23] =	ssyncset.done $0x0  }
0x1e1: {  	[sflag:s23] =	ssyncadd.s32 $0xFFFF3800  }
0x1e2: {  	_ =	sfence.sel $0x180000  }
0x1e3: {  	[bflag:$0x0] =	sbarrier.arrive $0xFFFF  }
0x1e4: {  	_ =	strace $0x90000047  }
0x1e5: {  	s0 =	stileid.u32;
	[bflag:$0x2] =	sbarrier.arrive $0xFFFF  }
0x1e6: {  	p0 =	sne.s32 s0, $0x0;
	s0 =	rddreg [dreg:$0x3]  }
0x1e7: {  	s0 =	sadd.s32 @!p0 $0x100000, s0  }
0x1e8: {  	[sflag:s0] =	ssyncadd.tile.s32 @!p0 $0x1;
	_ =	shalt  }
.Lfunc_end2:
_tile_overlayer_lowered:
.L_overlay_start_2:
0x1e9: {  	(tag) =	ssettag $0x2  }
0x1ea: {  	s0 =	rddreg [dreg:$0x0];
	s2 =	stileid.u32  }
0x1eb: {  	s1 =	rddreg [dreg:$0x1];
	p0 =	sne.s32 s2, $0x0  }
0x1ec: {  	s3 =	rddreg [dreg:$0x2];
	[bflag:$0x3] =	sbarrier.arrive $0xFFFF;
	s2 =	simm.s32 @!p0 $0x1C03  }
0x1ed: {  	[timem:s3], [sflag:s2] =	dma.local @!p0 [hbm:s0], s1  }
0x1ee: {  	s0 =	simm.s32 @!p0 $0x3  }
0x1ef: {  	_ =	swait.ge @!p0 [sflag:s0], s1  }
0x1f0: {  	s1 =	ssub.s32 @!p0 $0x0, s1;
	[sflag:s0] =	ssyncset.done @!p0 $0x0  }
0x1f1: {  	[sflag:s0] =	ssyncadd.s32 @!p0 s1  }
0x1f2: {  	[bflag:$0x3] =	sbarrier.arrive $0xFFFF  }
0x1f3: {  	_ =	shalt  }

</sc_bundles>
